<compile_context>
chip_gen: v7x
topology: tpu7x:2x2x1
jax: 0.10.2.dev20260603
libtpu: 0.0.44.dev20260713+nightly
codegen_flags: <defaults>
</compile_context>

<pallas_src>
import functools

import jax
import jax.numpy as jnp
import numpy as np
from jax import lax
from jax.experimental import pallas as pl
from jax.experimental.pallas import tpu as pltpu
from jax.experimental.pallas import tpu_sc as plsc

N_S = 10000
N_T = 5000
L = 32
B = 100
E = 320000
V = 30522
D = 128
H = 4
DH = D // H
EPS = 1e-12

NC = 2
NSUB = 16
NW = NC * NSUB
TW = 128

_EMB_ROWS = N_S + N_T + B
_EMB_PAD = 15360
_EMB_STRIDE = _EMB_PAD // NW

_EWIN = 2560
_EPAD = _EWIN * 128
_NBUF = 4

_sc_mesh = functools.partial(
    plsc.VectorSubcoreMesh, core_axis_name="c", subcore_axis_name="s")


def _ln(x, g, b):
    m = jnp.mean(x, axis=-1, keepdims=True)
    v = jnp.mean((x - m) ** 2, axis=-1, keepdims=True)
    return (x - m) / jnp.sqrt(v + EPS) * g + b


def _sc_embed(tokens, table):
    half = _EMB_PAD // NC
    nwin = (_EMB_STRIDE * L) // 128

    @functools.partial(
        pl.kernel,
        mesh=_sc_mesh(),
        out_type=jax.ShapeDtypeStruct((_EMB_PAD, D), jnp.float32),
        scratch_types=[
            pltpu.VMEM((128,), jnp.int32),
            pltpu.VMEM((128,), jnp.int32),
            pltpu.VMEM((128, D), jnp.float32),
            pltpu.VMEM((128, D), jnp.float32),
            pltpu.VMEM_SHARED((half, D), jnp.float32),
            pltpu.SemaphoreType.DMA,
        ],
    )
    def k(tok_hbm, tab_hbm, out_hbm, tbuf, obuf, rows, zbuf, acc, sem):
        c = lax.axis_index("c")
        s = lax.axis_index("s")
        wid = c * NSUB + s
        lane = lax.iota(jnp.int32, 16)
        zv = (lane * 0).astype(jnp.float32)

        def zrow(i, _):
            for j in range(D // 16):
                zbuf[i, pl.ds(j * 16, 16)] = zv
            return 0
        lax.fori_loop(0, 128, zrow, 0)

        for i in range(3):
            pltpu.sync_copy(zbuf, acc.at[pl.ds(s * _EMB_STRIDE + i * 128, 128)])
        pltpu.sync_copy(zbuf.at[pl.ds(0, 96)],
                        acc.at[pl.ds(s * _EMB_STRIDE + 384, 96)])
        plsc.subcore_barrier()

        def win(w, _):
            base = wid * (_EMB_STRIDE * L) + w * 128
            pltpu.sync_copy(tok_hbm.at[pl.ds(base, 128)], tbuf)
            lbase = s * _EMB_STRIDE + w * 4
            for kk in range(8):
                obuf[pl.ds(kk * 16, 16)] = ((lane + kk * 16) >> 5) + lbase
            pltpu.async_copy(tab_hbm.at[tbuf], rows, sem).wait()
            pltpu.sync_copy(rows, acc.at[obuf], add=True)
            return 0
        lax.fori_loop(0, nwin, win, 0)
        plsc.subcore_barrier()
        pltpu.sync_copy(acc.at[pl.ds(s * _EMB_STRIDE, _EMB_STRIDE)],
                        out_hbm.at[pl.ds(wid * _EMB_STRIDE, _EMB_STRIDE)])

    return k(tokens, table)


def _sc_edge(table2, gidx2, sidx, n_out_pad):
    stride = n_out_pad // NSUB
    nwin_sub = _EWIN // NSUB

    @functools.partial(
        pl.kernel,
        mesh=_sc_mesh(),
        out_type=jax.ShapeDtypeStruct((NC * n_out_pad, TW), jnp.float32),
        scratch_types=(
            [pltpu.VMEM((128,), jnp.int32)] * _NBUF
            + [pltpu.VMEM((128,), jnp.int32)] * _NBUF
            + [pltpu.VMEM((128, TW), jnp.float32)] * _NBUF
            + [pltpu.VMEM((128, TW), jnp.float32),
               pltpu.VMEM_SHARED((n_out_pad, TW), jnp.float32),
               pltpu.SemaphoreType.DMA,
               pltpu.SemaphoreType.DMA,
               pltpu.SemaphoreType.DMA]
        ),
    )
    def k(tab_hbm, g_hbm, s_hbm, out_hbm, *scr):
        gb = scr[0:_NBUF]
        sb = scr[_NBUF:2 * _NBUF]
        rows = scr[2 * _NBUF:3 * _NBUF]
        zbuf, acc, isem, gsem, ssem = scr[3 * _NBUF:]
        c = lax.axis_index("c")
        s = lax.axis_index("s")
        zv = (lax.iota(jnp.int32, 16) * 0).astype(jnp.float32)

        def zrow(i, _):
            for j in range(TW // 16):
                zbuf[i, pl.ds(j * 16, 16)] = zv
            return 0
        lax.fori_loop(0, 128, zrow, 0)

        nfull = stride // 128
        for i in range(nfull):
            pltpu.sync_copy(zbuf, acc.at[pl.ds(s * stride + i * 128, 128)])
        rem = stride - nfull * 128
        if rem:
            pltpu.sync_copy(zbuf.at[pl.ds(0, rem)],
                            acc.at[pl.ds(s * stride + nfull * 128, rem)])
        plsc.subcore_barrier()

        def win(j, _):
            w = s + j * NSUB
            h1 = pltpu.async_copy(
                g_hbm.at[pl.ds(c * _EPAD + w * 128, 128)], gb[0], isem)
            h2 = pltpu.async_copy(s_hbm.at[pl.ds(w * 128, 128)], sb[0], isem)
            h1.wait()
            h2.wait()
            pltpu.async_copy(tab_hbm.at[gb[0]], rows[0], gsem).wait()
            pltpu.sync_copy(rows[0], acc.at[sb[0]], add=True)
            return 0
        lax.fori_loop(0, nwin_sub, win, 0)
        plsc.subcore_barrier()
        pltpu.sync_copy(acc.at[pl.ds(s * stride, stride)],
                        out_hbm.at[pl.ds(c * n_out_pad + s * stride, stride)])

    return k(table2, gidx2, sidx)


def _row_call(body, n, br, ins, outs):
    in_specs = []
    args = []
    for a, kind in ins:
        args.append(a)
        if kind == "row":
            blk = (br,) + a.shape[1:]
            in_specs.append(
                pl.BlockSpec(blk, lambda i, r=a.ndim: (i,) + (0,) * (r - 1)))
        else:
            in_specs.append(pl.BlockSpec(a.shape, lambda i, r=a.ndim: (0,) * r))
    out_shapes = []
    out_specs = []
    for shp in outs:
        out_shapes.append(jax.ShapeDtypeStruct(shp, jnp.float32))
        blk = (br,) + shp[1:] if len(shp) == 2 else (shp[0], br) + shp[2:]
        if len(shp) == 2:
            out_specs.append(pl.BlockSpec(blk, lambda i: (i, 0)))
        else:
            out_specs.append(pl.BlockSpec(blk, lambda i: (0, i, 0)))
    res = pl.pallas_call(
        body,
        grid=(n // br,),
        in_specs=in_specs,
        out_specs=out_specs[0] if len(outs) == 1 else out_specs,
        out_shape=out_shapes[0] if len(outs) == 1 else out_shapes,
    )(*args)
    return res


_QMASK = np.kron(np.eye(H, dtype=np.float32), np.ones((DH, 1), np.float32))


def _tc_embed_post(sums, g, b):
    def body(s_ref, g_ref, b_ref, o_ref):
        x = s_ref[...] * (1.0 / L)
        o_ref[...] = _ln(x, g_ref[...], b_ref[...])
    return _row_call(body, _EMB_PAD, 480,
                     [(sums, "row"), (g, "full"), (b, "full")],
                     [(_EMB_PAD, D)])


def _tc_tables(y, inst, p, n, br):
    qm = jnp.asarray(_QMASK)
    qv = p["q"].reshape(1, D)
    ins = [(y, "row")]
    if inst is not None:
        ins.append((inst, "row"))
    ins += [(p["Wk"], "full"), (p["Wv"], "full"), (qv, "full"), (qm, "full")]

    def body(*refs):
        if inst is not None:
            y_ref, i_ref = refs[0], refs[1]
            wrefs = refs[2:]
            x = y_ref[...] + i_ref[...]
        else:
            y_ref = refs[0]
            wrefs = refs[1:]
            x = y_ref[...]
        wk, wv, q, m, o_ref = wrefs
        kk = jnp.dot(x, wk[...], preferred_element_type=jnp.float32)
        v = jnp.dot(x, wv[...], preferred_element_type=jnp.float32)
        sc = jnp.dot(kk * q[...], m[...],
                     preferred_element_type=jnp.float32) * (1.0 / np.sqrt(DH))
        w = jnp.exp(sc)
        z = jnp.zeros((x.shape[0], TW - 2 * DH - 2), jnp.float32)
        o_ref[0] = jnp.concatenate(
            [v[:, 0:32] * w[:, 0:1], v[:, 32:64] * w[:, 1:2], w[:, 0:2], z],
            axis=-1)
        o_ref[1] = jnp.concatenate(
            [v[:, 64:96] * w[:, 2:3], v[:, 96:128] * w[:, 3:4], w[:, 2:4], z],
            axis=-1)

    return _row_call(body, n, br, ins, [(NC, n, TW)])


def _tc_agg_v2e_head(a0, a1, n, br):
    def body(r0, r1, o_ref):
        chunks = []
        for c, r in ((0, r0), (1, r1)):
            x = r[...]
            for h in range(2):
                num = x[:, DH * h:DH * (h + 1)]
                den = x[:, 64 + h:65 + h]
                chunks.append(num / (den + 1e-9))
        o_ref[...] = jnp.concatenate(chunks, axis=-1)
    return _row_call(body, n, br, [(a0, "row"), (a1, "row")], [(n, D)])


def _tc_agg_v2e_tail(t0, t1, n, br):
    def body(r0, r1, o_ref):
        chunks = []
        for r in (r0, r1):
            x = r[...]
            for h in range(2):
                u = x[:, DH * h:DH * (h + 1)]
                w = x[:, 64 + h:65 + h]
                chunks.append(u / (w + 1e-9))
        o_ref[...] = jnp.concatenate(chunks, axis=-1)
    return _row_call(body, n, br, [(t0, "row"), (t1, "row")], [(n, D)])


def _tc_agg_e2v(a0, a1, t0, t1, n, br):
    def body(r0, r1, s0, s1, o_ref):
        chunks = []
        for r, t in ((r0, s0), (r1, s1)):
            x = r[...]
            y = t[...]
            for h in range(2):
                num = x[:, DH * h:DH * (h + 1)] + y[:, DH * h:DH * (h + 1)]
                den = x[:, 64 + h:65 + h] + y[:, 64 + h:65 + h]
                chunks.append(num / (den + 1e-9))
        o_ref[...] = jnp.concatenate(chunks, axis=-1)
    return _row_call(body, n, br,
                     [(a0, "row"), (a1, "row"), (t0, "row"), (t1, "row")],
                     [(n, D)])


def _tc_post(agg, p, n, br, fuse=None):
    ins = [(agg, "row"),
           (p["Wo"], "full"), (p["bo"].reshape(1, D), "full"),
           (p["ln1_g"].reshape(1, D), "full"), (p["ln1_b"].reshape(1, D), "full"),
           (p["W1"], "full"), (p["b1"].reshape(1, D), "full"),
           (p["W2"], "full"), (p["b2"].reshape(1, D), "full"),
           (p["ln2_g"].reshape(1, D), "full"), (p["ln2_b"].reshape(1, D), "full")]
    if fuse is not None:
        old, wt, wb, fb = fuse
        ins += [(old, "row"), (wt, "full"), (wb, "full"),
                (fb.reshape(1, D), "full")]

    def body(*refs):
        (a_ref, wo, bo, g1, b1, w1, bf1, w2, bf2, g2, b2) = refs[:11]
        o_ref = refs[-1]
        h = _ln(jnp.dot(a_ref[...], wo[...],
                        preferred_element_type=jnp.float32) + bo[...],
                g1[...], b1[...])
        ff = jnp.dot(jnp.maximum(
            jnp.dot(h, w1[...], preferred_element_type=jnp.float32) + bf1[...],
            0.0), w2[...], preferred_element_type=jnp.float32) + bf2[...]
        o = jnp.maximum(_ln(h + ff, g2[...], b2[...]), 0.0)
        if fuse is not None:
            old_ref, wt, wb, fb = refs[11:15]
            o = jnp.dot(old_ref[...], wt[...],
                        preferred_element_type=jnp.float32) + \
                jnp.dot(o, wb[...], preferred_element_type=jnp.float32) + fb[...]
        o_ref[...] = o

    return _row_call(body, n, br, ins, [(n, D)])


def kernel(x_s, x_t, pos_claim, this_num_nodes, this_num_edges, edge_index,
           params):
    num_nodes = this_num_nodes.astype(jnp.int32)
    del this_num_edges
    tok = params["tok"].astype(jnp.float32)

    pad_tok = (jnp.arange((_EMB_PAD - _EMB_ROWS) * L, dtype=jnp.int32)
               % V).reshape(_EMB_PAD - _EMB_ROWS, L)
    tokens = jnp.concatenate([
        x_s.astype(jnp.int32), x_t.astype(jnp.int32),
        pos_claim.astype(jnp.int32), pad_tok], axis=0).reshape(-1)

    sums = _sc_embed(tokens, tok)
    emb_all = _tc_embed_post(sums, params["norm_g"].reshape(1, D),
                             params["norm_b"].reshape(1, D))
    emb_s = emb_all[:N_S]
    emb_t5 = emb_all[N_S:N_S + N_T]
    emb_claim = emb_all[N_S + N_T:N_S + N_T + B]

    inst_t = jnp.broadcast_to(emb_claim[:, None, :],
                              (B, N_T // B, D)).reshape(N_T, D)
    inst_s = jnp.broadcast_to(emb_claim[:, None, :],
                              (B, N_S // B, D)).reshape(N_S, D)
    inst = jnp.concatenate([inst_t, inst_s], axis=0)
    emb_t = jnp.concatenate([emb_t5, emb_s], axis=0)

    src = edge_index[0].astype(jnp.int32)
    dst = edge_index[1].astype(jnp.int32)

    NT_PAD = 5120
    NS_PAD = 10240

    P = _EPAD - E
    pr = jnp.arange(P, dtype=jnp.int32)
    src_p = jnp.concatenate([src, pr % N_S])
    src2 = jnp.concatenate([src_p, src_p + N_S])
    dst_p = jnp.concatenate([dst, pr % N_T])
    dst2 = jnp.concatenate([dst_p, dst_p + N_T])
    sid_v2e = jnp.concatenate([dst, N_T + pr % (NT_PAD - N_T)])
    sid_e2v = jnp.concatenate([src, N_S + pr % (NS_PAD - N_S)])

    stacked = jax.tree.map(lambda *xs: jnp.stack(xs), *params["layers"])

    def layer(i, emb_s, emb_t):
        lp = jax.tree.map(
            lambda x: lax.dynamic_index_in_dim(x, i, 0, keepdims=False),
            stacked)
        tabs = _tc_tables(emb_s, None, lp["v2e"], N_S, 400)
        acc = _sc_edge(tabs.reshape(NC * N_S, TW), src2, sid_v2e,
                       NT_PAD).reshape(NC, NT_PAD, TW)
        agg_h = _tc_agg_v2e_head(acc[0, :N_T], acc[1, :N_T], N_T, 200)
        agg_t = _tc_agg_v2e_tail(tabs[0], tabs[1], N_S, 400)
        agg = jnp.concatenate([agg_h, agg_t], axis=0)
        emb_t = _tc_post(agg, lp["v2e"], N_T + N_S, 600,
                         fuse=(emb_t, lp["fuse_W"][:D], lp["fuse_W"][D:],
                               lp["fuse_b"]))

        tabe = _tc_tables(emb_t, inst, lp["e2v"], N_T + N_S, 600)
        tabe_head = tabe[:, :N_T].reshape(NC * N_T, TW)
        acc2 = _sc_edge(tabe_head, dst2, sid_e2v,
                        NS_PAD).reshape(NC, NS_PAD, TW)
        agg2 = _tc_agg_e2v(acc2[0, :N_S], acc2[1, :N_S],
                           tabe[0, N_T:], tabe[1, N_T:], N_S, 400)
        emb_s = _tc_post(agg2, lp["e2v"], N_S, 400)
        return emb_s, emb_t

    nl = num_nodes[0] // num_nodes[0] + (len(params["layers"]) - 1)

    def cond(st):
        return st[0] < nl

    def body(st):
        i, es, et = st
        es, et = layer(i, es, et)
        return (i + 1, es, et)

    _, emb_s, emb_t = lax.while_loop(cond, body, (jnp.int32(0), emb_s, emb_t))
    return (emb_s, emb_t[:N_T])

# --- scband reference (transcript-rebuilt; emitter-appended) ---
"""Pipeline reference for scband-encoder-27986006901274 (READ-ONLY COPY).

The authoritative reference and input builder live on the scoring server;
editing this copy changes nothing except your own understanding.
"""

import jax, jax.numpy as jnp
import numpy as np

N_S = 10000
N_T = 5000
L = 32
B = 100
E = 320000
V = 30522
D = 128
H = 4
DH = D // H
NL = 2
EPS = 1e-12


def _layernorm(x, g, b):
    m = jnp.mean(x, axis=-1, keepdims=True)
    v = jnp.mean((x - m) ** 2, axis=-1, keepdims=True)
    return (x - m) / jnp.sqrt(v + EPS) * g + b


def _masked_mean(tokens, table):
    emb = jnp.take(table, tokens, axis=0)
    cnt = jnp.count_nonzero(tokens, axis=1).astype(jnp.float32)
    return jnp.sum(emb, axis=1) / cnt[:, None]


def _allset(x, src, dst, n_out, instruct, p):
    msg = jnp.take(x, src, axis=0)
    if instruct is not None:
        msg = msg + jnp.take(instruct, src, axis=0)
    k = (msg @ p['Wk']).reshape(-1, H, DH)
    v = (msg @ p['Wv']).reshape(-1, H, DH)
    score = jnp.sum(k * p['q'][None], axis=-1) / np.sqrt(DH)
    smax = jax.ops.segment_max(score, dst, num_segments=n_out)
    smax = jnp.where(jnp.isfinite(smax), smax, 0.0)
    ex = jnp.exp(score - jnp.take(smax, dst, axis=0))
    den = jax.ops.segment_sum(ex, dst, num_segments=n_out)
    alpha = ex / (jnp.take(den, dst, axis=0) + 1e-9)
    agg = jax.ops.segment_sum(v * alpha[..., None], dst, num_segments=n_out).reshape(n_out, D)
    h = _layernorm(agg @ p['Wo'] + p['bo'], p['ln1_g'], p['ln1_b'])
    ff = jax.nn.relu(h @ p['W1'] + p['b1']) @ p['W2'] + p['b2']
    return _layernorm(h + ff, p['ln2_g'], p['ln2_b'])


def _allset_params(key):
    ks = jax.random.split(key, 6)
    s = 0.02
    return {'Wk': jax.random.normal(ks[0], (D, D)) * s,
            'Wv': jax.random.normal(ks[1], (D, D)) * s,
            'q': jax.random.normal(ks[2], (H, DH)) * s,
            'Wo': jax.random.normal(ks[3], (D, D)) * s,
            'bo': jnp.zeros((D,)),
            'ln1_g': jnp.ones((D,)), 'ln1_b': jnp.zeros((D,)),
            'W1': jax.random.normal(ks[4], (D, D)) * s, 'b1': jnp.zeros((D,)),
            'W2': jax.random.normal(ks[5], (D, D)) * s, 'b2': jnp.zeros((D,)),
            'ln2_g': jnp.ones((D,)), 'ln2_b': jnp.zeros((D,))}


def setup_inputs(seed: int = 0):
    key = jax.random.key(seed)
    ks = jax.random.split(key, 12)
    x_s = jax.random.randint(ks[0], (N_S, L), 1, V)
    x_t = jax.random.randint(ks[1], (N_T, L), 1, V)
    pos_claim = jax.random.randint(ks[2], (B, L), 1, V)
    this_num_nodes = jnp.full((B,), N_S // B, dtype=jnp.int32)
    this_num_edges = jnp.full((B,), N_T // B, dtype=jnp.int32)
    edge_index = jnp.stack([jax.random.randint(ks[3], (E,), 0, N_S),
                            jax.random.randint(ks[4], (E,), 0, N_T)], axis=0)
    tok = jax.random.normal(ks[5], (V, D)) * 0.02
    tok = tok.at[0].set(0.0)
    layers = []
    for i in range(NL):
        kk = jax.random.split(ks[6 + i], 3)
        layers.append({'v2e': _allset_params(kk[0]),
                       'e2v': _allset_params(kk[1]),
                       'fuse_W': jax.random.normal(kk[2], (2 * D, D)) * 0.02,
                       'fuse_b': jnp.zeros((D,))})
    params = {'tok': tok, 'norm_g': jnp.ones((D,)), 'norm_b': jnp.zeros((D,)), 'layers': layers}
    return {'x_s': x_s, 'x_t': x_t, 'pos_claim': pos_claim,
            'this_num_nodes': this_num_nodes, 'this_num_edges': this_num_edges,
            'edge_index': edge_index, 'params': params}


def _forward(params, x_s, x_t, pos_claim, this_num_nodes, this_num_edges, edge_index):
    tok = params['tok']
    ng, nb = params['norm_g'], params['norm_b']
    emb_s = _layernorm(_masked_mean(x_s, tok), ng, nb)
    emb_t = _layernorm(_masked_mean(x_t, tok), ng, nb)
    emb_claim = _layernorm(_masked_mean(pos_claim, tok), ng, nb)
    inst_s = jnp.repeat(emb_claim, this_num_nodes, axis=0, total_repeat_length=N_S)
    inst_t = jnp.repeat(emb_claim, this_num_edges, axis=0, total_repeat_length=N_T)
    instruct = jnp.concatenate([inst_t, inst_s], axis=0)
    emb_t = jnp.concatenate([emb_t, emb_s], axis=0)
    self_edge = jnp.stack([jnp.arange(N_S), N_T + jnp.arange(N_S)], axis=0)
    ei = jnp.concatenate([edge_index, self_edge], axis=1)
    src, dst = ei[0], ei[1]
    for lp in params['layers']:
        t_tem = jax.nn.relu(_allset(emb_s, src, dst, N_T + N_S, None, lp['v2e']))
        emb_t = jnp.concatenate([emb_t, t_tem], axis=-1) @ lp['fuse_W'] + lp['fuse_b']
        emb_s = jax.nn.relu(_allset(emb_t, dst, src, N_S, instruct, lp['e2v']))
    return (emb_s, emb_t[:N_T])


def reference(x_s, x_t, pos_claim, this_num_nodes, this_num_edges, edge_index, params):
    return _forward(params, x_s, x_t, pos_claim, this_num_nodes, this_num_edges, edge_index)

if __name__ == "__main__":
    import jax
    _d = setup_inputs()
    print(jax.jit(kernel)(*tuple(_d.values())))

</pallas_src>

<mosaic_0001>
#map = affine_map<(d0, d1) -> (0)>
#map1 = affine_map<(d0, d1) -> (0, 0)>
module attributes {stable_mosaic.version = 14 : i64} {
  func.func @k(%arg0: i32, %arg1: i32, %arg2: memref<491520xi32, #tpu.memory_space<hbm>>, %arg3: memref<30522x128xf32, #tpu.memory_space<hbm>>, %arg4: memref<15360x128xf32, #tpu.memory_space<hbm>>, %arg5: memref<128xi32, #tpu.memory_space<vmem>>, %arg6: memref<128xi32, #tpu.memory_space<vmem>>, %arg7: memref<128x128xf32, #tpu.memory_space<vmem>>, %arg8: memref<128x128xf32, #tpu.memory_space<vmem>>, %arg9: memref<7680x128xf32, #tpu.memory_space<vmem_shared>>, %arg10: memref<!tpu.dma_semaphore, #tpu.memory_space<semaphore_mem>>) attributes {dimension_semantics = [#tpu.dimension_semantics<core_parallel>, #tpu.dimension_semantics<subcore_parallel>], iteration_bounds = array<i64: 2, 16>, scalar_prefetch = 0 : i64, scratch_operands = 6 : i64, tpu.core_type = #tpu.core_type<sc_vector_subcore>, window_params = [{transform_indices = #map}, {transform_indices = #map1}, {transform_indices = #map1}]} {
    %mul3A = arith.constant 16 : i32
    %mul3A_0 = arith.muli %arg0, %mul3A : i32
    %add3A = arith.addi %mul3A_0, %arg1 : i32
    %iota3A = tpu.iota {dimensions = array<i32: 0>} : vector<16xi32>
    %mul3A_1 = arith.constant 0 : i32
    %mul3A_2 = vector.broadcast %mul3A_1 : i32 to vector<16xi32>
    %mul3A_3 = arith.muli %iota3A, %mul3A_2 : vector<16xi32>
    %convert_element_type3A = arith.sitofp %mul3A_3 : vector<16xi32> to vector<16xf32>
    %scan3A = arith.constant 0 : i32
    %scan3A_4 = arith.constant 0 : i32
    %scan3A_5 = arith.constant 128 : i32
    %scan3A_6 = arith.addi %scan3A_4, %scan3A_5 : i32
    %scan3A_7 = arith.constant 1 : i32
    %scan3A_8 = scf.for %scan3A_38 = %scan3A_4 to %scan3A_6 step %scan3A_7 iter_args(%scan3A_39 = %scan3A) -> (i32)  : i32 {
      %swap3A = arith.index_cast %scan3A_38 : i32 to index
      %swap3A_40 = arith.constant 0 : index
      %swap3A_41 = tpu.vector_load %arg8[%swap3A, %swap3A_40] {strides = array<i32>} : memref<128x128xf32, #tpu.memory_space<vmem>>, vector<1x16xf32>,
      %swap3A_42 = vector.shape_cast %swap3A_41 : vector<1x16xf32> to vector<16xf32>
      %swap3A_43 = vector.shape_cast %convert_element_type3A : vector<16xf32> to vector<1x16xf32>
      tpu.vector_store %arg8[%swap3A, %swap3A_40], %swap3A_43 {strides = array<i32>} : memref<128x128xf32, #tpu.memory_space<vmem>>, vector<1x16xf32>,
      %swap3A_44 = arith.index_cast %scan3A_38 : i32 to index
      %swap3A_45 = arith.constant 16 : index
      %swap3A_46 = tpu.vector_load %arg8[%swap3A_44, %swap3A_45] {strides = array<i32>} : memref<128x128xf32, #tpu.memory_space<vmem>>, vector<1x16xf32>,
      %swap3A_47 = vector.shape_cast %swap3A_46 : vector<1x16xf32> to vector<16xf32>
      %swap3A_48 = vector.shape_cast %convert_element_type3A : vector<16xf32> to vector<1x16xf32>
      tpu.vector_store %arg8[%swap3A_44, %swap3A_45], %swap3A_48 {strides = array<i32>} : memref<128x128xf32, #tpu.memory_space<vmem>>, vector<1x16xf32>,
      %swap3A_49 = arith.index_cast %scan3A_38 : i32 to index
      %swap3A_50 = arith.constant 32 : index
      %swap3A_51 = tpu.vector_load %arg8[%swap3A_49, %swap3A_50] {strides = array<i32>} : memref<128x128xf32, #tpu.memory_space<vmem>>, vector<1x16xf32>,
      %swap3A_52 = vector.shape_cast %swap3A_51 : vector<1x16xf32> to vector<16xf32>
      %swap3A_53 = vector.shape_cast %convert_element_type3A : vector<16xf32> to vector<1x16xf32>
      tpu.vector_store %arg8[%swap3A_49, %swap3A_50], %swap3A_53 {strides = array<i32>} : memref<128x128xf32, #tpu.memory_space<vmem>>, vector<1x16xf32>,
      %swap3A_54 = arith.index_cast %scan3A_38 : i32 to index
      %swap3A_55 = arith.constant 48 : index
      %swap3A_56 = tpu.vector_load %arg8[%swap3A_54, %swap3A_55] {strides = array<i32>} : memref<128x128xf32, #tpu.memory_space<vmem>>, vector<1x16xf32>,
      %swap3A_57 = vector.shape_cast %swap3A_56 : vector<1x16xf32> to vector<16xf32>
      %swap3A_58 = vector.shape_cast %convert_element_type3A : vector<16xf32> to vector<1x16xf32>
      tpu.vector_store %arg8[%swap3A_54, %swap3A_55], %swap3A_58 {strides = array<i32>} : memref<128x128xf32, #tpu.memory_space<vmem>>, vector<1x16xf32>,
      %swap3A_59 = arith.index_cast %scan3A_38 : i32 to index
      %swap3A_60 = arith.constant 64 : index
      %swap3A_61 = tpu.vector_load %arg8[%swap3A_59, %swap3A_60] {strides = array<i32>} : memref<128x128xf32, #tpu.memory_space<vmem>>, vector<1x16xf32>,
      %swap3A_62 = vector.shape_cast %swap3A_61 : vector<1x16xf32> to vector<16xf32>
      %swap3A_63 = vector.shape_cast %convert_element_type3A : vector<16xf32> to vector<1x16xf32>
      tpu.vector_store %arg8[%swap3A_59, %swap3A_60], %swap3A_63 {strides = array<i32>} : memref<128x128xf32, #tpu.memory_space<vmem>>, vector<1x16xf32>,
      %swap3A_64 = arith.index_cast %scan3A_38 : i32 to index
      %swap3A_65 = arith.constant 80 : index
      %swap3A_66 = tpu.vector_load %arg8[%swap3A_64, %swap3A_65] {strides = array<i32>} : memref<128x128xf32, #tpu.memory_space<vmem>>, vector<1x16xf32>,
      %swap3A_67 = vector.shape_cast %swap3A_66 : vector<1x16xf32> to vector<16xf32>
      %swap3A_68 = vector.shape_cast %convert_element_type3A : vector<16xf32> to vector<1x16xf32>
      tpu.vector_store %arg8[%swap3A_64, %swap3A_65], %swap3A_68 {strides = array<i32>} : memref<128x128xf32, #tpu.memory_space<vmem>>, vector<1x16xf32>,
      %swap3A_69 = arith.index_cast %scan3A_38 : i32 to index
      %swap3A_70 = arith.constant 96 : index
      %swap3A_71 = tpu.vector_load %arg8[%swap3A_69, %swap3A_70] {strides = array<i32>} : memref<128x128xf32, #tpu.memory_space<vmem>>, vector<1x16xf32>,
      %swap3A_72 = vector.shape_cast %swap3A_71 : vector<1x16xf32> to vector<16xf32>
      %swap3A_73 = vector.shape_cast %convert_element_type3A : vector<16xf32> to vector<1x16xf32>
      tpu.vector_store %arg8[%swap3A_69, %swap3A_70], %swap3A_73 {strides = array<i32>} : memref<128x128xf32, #tpu.memory_space<vmem>>, vector<1x16xf32>,
      %swap3A_74 = arith.index_cast %scan3A_38 : i32 to index
      %swap3A_75 = arith.constant 112 : index
      %swap3A_76 = tpu.vector_load %arg8[%swap3A_74, %swap3A_75] {strides = array<i32>} : memref<128x128xf32, #tpu.memory_space<vmem>>, vector<1x16xf32>,
      %swap3A_77 = vector.shape_cast %swap3A_76 : vector<1x16xf32> to vector<16xf32>
      %swap3A_78 = vector.shape_cast %convert_element_type3A : vector<16xf32> to vector<1x16xf32>
      tpu.vector_store %arg8[%swap3A_74, %swap3A_75], %swap3A_78 {strides = array<i32>} : memref<128x128xf32, #tpu.memory_space<vmem>>, vector<1x16xf32>,
      %scan3A_79 = arith.constant 0 : i32
      scf.yield %scan3A_79 : i32
    }
    %scan3A_9 = arith.constant 128 : i32
    %mul3A_10 = arith.constant 480 : i32
    %mul3A_11 = arith.muli %arg1, %mul3A_10 : i32
    %add3A_12 = arith.constant 0 : i32
    %add3A_13 = arith.addi %mul3A_11, %add3A_12 : i32
    "tpu.region"() ({
      %run_scoped3A = tpu.sem_alloc : memref<!tpu.dma_semaphore, #tpu.memory_space<semaphore_mem>>
      %dma_start3A = arith.constant 0 : i32
      %dma_start3A_38 = tpu.memref_slice %arg9[%add3A_13, %dma_start3A] : memref<7680x128xf32, #tpu.memory_space<vmem_shared>> -> memref<128x128xf32, #tpu.memory_space<vmem_shared>>
      %dma_start3A_39 = arith.constant 0 : i32
      %dma_start3A_40 = tpu.memref_slice %arg9[%add3A_13, %dma_start3A_39] : memref<7680x128xf32, #tpu.memory_space<vmem_shared>> -> memref<128x128xf32, #tpu.memory_space<vmem_shared>>
      tpu.enqueue_dma source(%arg8 : memref<128x128xf32, #tpu.memory_space<vmem>>) target(%dma_start3A_40 : memref<128x128xf32, #tpu.memory_space<vmem_shared>>) target_semaphore(%run_scoped3A : memref<!tpu.dma_semaphore, #tpu.memory_space<semaphore_mem>>)
      %dma_wait3A = arith.constant 0 : i32
      %dma_wait3A_41 = tpu.memref_slice %arg9[%add3A_13, %dma_wait3A] : memref<7680x128xf32, #tpu.memory_space<vmem_shared>> -> memref<128x128xf32, #tpu.memory_space<vmem_shared>>
      %dma_wait3A_42 = arith.constant 0 : i32
      %dma_wait3A_43 = tpu.memref_slice %arg9[%add3A_13, %dma_wait3A_42] : memref<7680x128xf32, #tpu.memory_space<vmem_shared>> -> memref<128x128xf32, #tpu.memory_space<vmem_shared>>
      tpu.wait_dma2 semaphore(%run_scoped3A : memref<!tpu.dma_semaphore, #tpu.memory_space<semaphore_mem>>) src(%arg8 : memref<128x128xf32, #tpu.memory_space<vmem>>) dst(%dma_wait3A_43 : memref<128x128xf32, #tpu.memory_space<vmem_shared>>)
      tpu.yield
    }) : () -> ()
    %mul3A_14 = arith.constant 480 : i32
    %mul3A_15 = arith.muli %arg1, %mul3A_14 : i32
    %add3A_16 = arith.constant 128 : i32
    %add3A_17 = arith.addi %mul3A_15, %add3A_16 : i32
    "tpu.region"() ({
      %run_scoped3A = tpu.sem_alloc : memref<!tpu.dma_semaphore, #tpu.memory_space<semaphore_mem>>
      %dma_start3A = arith.constant 0 : i32
      %dma_start3A_38 = tpu.memref_slice %arg9[%add3A_17, %dma_start3A] : memref<7680x128xf32, #tpu.memory_space<vmem_shared>> -> memref<128x128xf32, #tpu.memory_space<vmem_shared>>
      %dma_start3A_39 = arith.constant 0 : i32
      %dma_start3A_40 = tpu.memref_slice %arg9[%add3A_17, %dma_start3A_39] : memref<7680x128xf32, #tpu.memory_space<vmem_shared>> -> memref<128x128xf32, #tpu.memory_space<vmem_shared>>
      tpu.enqueue_dma source(%arg8 : memref<128x128xf32, #tpu.memory_space<vmem>>) target(%dma_start3A_40 : memref<128x128xf32, #tpu.memory_space<vmem_shared>>) target_semaphore(%run_scoped3A : memref<!tpu.dma_semaphore, #tpu.memory_space<semaphore_mem>>)
      %dma_wait3A = arith.constant 0 : i32
      %dma_wait3A_41 = tpu.memref_slice %arg9[%add3A_17, %dma_wait3A] : memref<7680x128xf32, #tpu.memory_space<vmem_shared>> -> memref<128x128xf32, #tpu.memory_space<vmem_shared>>
      %dma_wait3A_42 = arith.constant 0 : i32
      %dma_wait3A_43 = tpu.memref_slice %arg9[%add3A_17, %dma_wait3A_42] : memref<7680x128xf32, #tpu.memory_space<vmem_shared>> -> memref<128x128xf32, #tpu.memory_space<vmem_shared>>
      tpu.wait_dma2 semaphore(%run_scoped3A : memref<!tpu.dma_semaphore, #tpu.memory_space<semaphore_mem>>) src(%arg8 : memref<128x128xf32, #tpu.memory_space<vmem>>) dst(%dma_wait3A_43 : memref<128x128xf32, #tpu.memory_space<vmem_shared>>)
      tpu.yield
    }) : () -> ()
    %mul3A_18 = arith.constant 480 : i32
    %mul3A_19 = arith.muli %arg1, %mul3A_18 : i32
    %add3A_20 = arith.constant 256 : i32
    %add3A_21 = arith.addi %mul3A_19, %add3A_20 : i32
    "tpu.region"() ({
      %run_scoped3A = tpu.sem_alloc : memref<!tpu.dma_semaphore, #tpu.memory_space<semaphore_mem>>
      %dma_start3A = arith.constant 0 : i32
      %dma_start3A_38 = tpu.memref_slice %arg9[%add3A_21, %dma_start3A] : memref<7680x128xf32, #tpu.memory_space<vmem_shared>> -> memref<128x128xf32, #tpu.memory_space<vmem_shared>>
      %dma_start3A_39 = arith.constant 0 : i32
      %dma_start3A_40 = tpu.memref_slice %arg9[%add3A_21, %dma_start3A_39] : memref<7680x128xf32, #tpu.memory_space<vmem_shared>> -> memref<128x128xf32, #tpu.memory_space<vmem_shared>>
      tpu.enqueue_dma source(%arg8 : memref<128x128xf32, #tpu.memory_space<vmem>>) target(%dma_start3A_40 : memref<128x128xf32, #tpu.memory_space<vmem_shared>>) target_semaphore(%run_scoped3A : memref<!tpu.dma_semaphore, #tpu.memory_space<semaphore_mem>>)
      %dma_wait3A = arith.constant 0 : i32
      %dma_wait3A_41 = tpu.memref_slice %arg9[%add3A_21, %dma_wait3A] : memref<7680x128xf32, #tpu.memory_space<vmem_shared>> -> memref<128x128xf32, #tpu.memory_space<vmem_shared>>
      %dma_wait3A_42 = arith.constant 0 : i32
      %dma_wait3A_43 = tpu.memref_slice %arg9[%add3A_21, %dma_wait3A_42] : memref<7680x128xf32, #tpu.memory_space<vmem_shared>> -> memref<128x128xf32, #tpu.memory_space<vmem_shared>>
      tpu.wait_dma2 semaphore(%run_scoped3A : memref<!tpu.dma_semaphore, #tpu.memory_space<semaphore_mem>>) src(%arg8 : memref<128x128xf32, #tpu.memory_space<vmem>>) dst(%dma_wait3A_43 : memref<128x128xf32, #tpu.memory_space<vmem_shared>>)
      tpu.yield
    }) : () -> ()
    %mul3A_22 = arith.constant 480 : i32
    %mul3A_23 = arith.muli %arg1, %mul3A_22 : i32
    %add3A_24 = arith.constant 384 : i32
    %add3A_25 = arith.addi %mul3A_23, %add3A_24 : i32
    "tpu.region"() ({
      %run_scoped3A = tpu.sem_alloc : memref<!tpu.dma_semaphore, #tpu.memory_space<semaphore_mem>>
      %dma_start3A = arith.constant 0 : i32
      %dma_start3A_38 = arith.constant 0 : i32
      %dma_start3A_39 = tpu.memref_slice %arg8[%dma_start3A, %dma_start3A_38] : memref<128x128xf32, #tpu.memory_space<vmem>> -> memref<96x128xf32, #tpu.memory_space<vmem>>
      %dma_start3A_40 = arith.constant 0 : i32
      %dma_start3A_41 = tpu.memref_slice %arg9[%add3A_25, %dma_start3A_40] : memref<7680x128xf32, #tpu.memory_space<vmem_shared>> -> memref<96x128xf32, #tpu.memory_space<vmem_shared>>
      %dma_start3A_42 = arith.constant 0 : i32
      %dma_start3A_43 = tpu.memref_slice %arg9[%add3A_25, %dma_start3A_42] : memref<7680x128xf32, #tpu.memory_space<vmem_shared>> -> memref<96x128xf32, #tpu.memory_space<vmem_shared>>
      %dma_start3A_44 = arith.constant 0 : i32
      %dma_start3A_45 = arith.constant 0 : i32
      %dma_start3A_46 = tpu.memref_slice %arg8[%dma_start3A_44, %dma_start3A_45] : memref<128x128xf32, #tpu.memory_space<vmem>> -> memref<96x128xf32, #tpu.memory_space<vmem>>
      tpu.enqueue_dma source(%dma_start3A_46 : memref<96x128xf32, #tpu.memory_space<vmem>>) target(%dma_start3A_43 : memref<96x128xf32, #tpu.memory_space<vmem_shared>>) target_semaphore(%run_scoped3A : memref<!tpu.dma_semaphore, #tpu.memory_space<semaphore_mem>>)
      %dma_wait3A = arith.constant 0 : i32
      %dma_wait3A_47 = arith.constant 0 : i32
      %dma_wait3A_48 = tpu.memref_slice %arg8[%dma_wait3A, %dma_wait3A_47] : memref<128x128xf32, #tpu.memory_space<vmem>> -> memref<96x128xf32, #tpu.memory_space<vmem>>
      %dma_wait3A_49 = arith.constant 0 : i32
      %dma_wait3A_50 = tpu.memref_slice %arg9[%add3A_25, %dma_wait3A_49] : memref<7680x128xf32, #tpu.memory_space<vmem_shared>> -> memref<96x128xf32, #tpu.memory_space<vmem_shared>>
      %dma_wait3A_51 = arith.constant 0 : i32
      %dma_wait3A_52 = tpu.memref_slice %arg9[%add3A_25, %dma_wait3A_51] : memref<7680x128xf32, #tpu.memory_space<vmem_shared>> -> memref<96x128xf32, #tpu.memory_space<vmem_shared>>
      %dma_wait3A_53 = arith.constant 0 : i32
      %dma_wait3A_54 = arith.constant 0 : i32
      %dma_wait3A_55 = tpu.memref_slice %arg8[%dma_wait3A_53, %dma_wait3A_54] : memref<128x128xf32, #tpu.memory_space<vmem>> -> memref<96x128xf32, #tpu.memory_space<vmem>>
      tpu.wait_dma2 semaphore(%run_scoped3A : memref<!tpu.dma_semaphore, #tpu.memory_space<semaphore_mem>>) src(%dma_wait3A_55 : memref<96x128xf32, #tpu.memory_space<vmem>>) dst(%dma_wait3A_52 : memref<96x128xf32, #tpu.memory_space<vmem_shared>>)
      tpu.yield
    }) : () -> ()
    %barrier3A = arith.constant 0 : index
    tpu.barrier barrier_id(%barrier3A)
    %scan3A_26 = arith.constant 0 : i32
    %scan3A_27 = arith.constant 0 : i32
    %scan3A_28 = arith.constant 120 : i32
    %scan3A_29 = arith.addi %scan3A_27, %scan3A_28 : i32
    %scan3A_30 = arith.constant 1 : i32
    %scan3A_31 = scf.for %scan3A_38 = %scan3A_27 to %scan3A_29 step %scan3A_30 iter_args(%scan3A_39 = %scan3A_26) -> (i32)  : i32 {
      %mul3A_40 = arith.constant 15360 : i32
      %mul3A_41 = arith.muli %add3A, %mul3A_40 : i32
      %mul3A_42 = arith.constant 128 : i32
      %mul3A_43 = arith.muli %scan3A_38, %mul3A_42 : i32
      %add3A_44 = arith.addi %mul3A_41, %mul3A_43 : i32
      "tpu.region"() ({
        %run_scoped3A = tpu.sem_alloc : memref<!tpu.dma_semaphore, #tpu.memory_space<semaphore_mem>>
        %dma_start3A_149 = tpu.memref_slice %arg2[%add3A_44] : memref<491520xi32, #tpu.memory_space<hbm>> -> memref<128xi32, #tpu.memory_space<hbm>>
        %dma_start3A_150 = tpu.memref_slice %arg2[%add3A_44] : memref<491520xi32, #tpu.memory_space<hbm>> -> memref<128xi32, #tpu.memory_space<hbm>>
        tpu.enqueue_dma source(%dma_start3A_150 : memref<128xi32, #tpu.memory_space<hbm>>) target(%arg5 : memref<128xi32, #tpu.memory_space<vmem>>) target_semaphore(%run_scoped3A : memref<!tpu.dma_semaphore, #tpu.memory_space<semaphore_mem>>)
        %dma_wait3A_151 = tpu.memref_slice %arg2[%add3A_44] : memref<491520xi32, #tpu.memory_space<hbm>> -> memref<128xi32, #tpu.memory_space<hbm>>
        %dma_wait3A_152 = tpu.memref_slice %arg2[%add3A_44] : memref<491520xi32, #tpu.memory_space<hbm>> -> memref<128xi32, #tpu.memory_space<hbm>>
        tpu.wait_dma2 semaphore(%run_scoped3A : memref<!tpu.dma_semaphore, #tpu.memory_space<semaphore_mem>>) src(%dma_wait3A_152 : memref<128xi32, #tpu.memory_space<hbm>>) dst(%arg5 : memref<128xi32, #tpu.memory_space<vmem>>)
        tpu.yield
      }) : () -> ()
      %mul3A_45 = arith.constant 480 : i32
      %mul3A_46 = arith.muli %arg1, %mul3A_45 : i32
      %mul3A_47 = arith.constant 4 : i32
      %mul3A_48 = arith.muli %scan3A_38, %mul3A_47 : i32
      %add3A_49 = arith.addi %mul3A_46, %mul3A_48 : i32
      %add3A_50 = arith.constant 0 : i32
      %add3A_51 = vector.broadcast %add3A_50 : i32 to vector<16xi32>
      %add3A_52 = arith.addi %iota3A, %add3A_51 : vector<16xi32>
      %shift_right_arithmetic3A = arith.constant 5 : i32
      %shift_right_arithmetic3A_53 = vector.broadcast %shift_right_arithmetic3A : i32 to vector<16xi32>
      %shift_right_arithmetic3A_54 = arith.shrsi %add3A_52, %shift_right_arithmetic3A_53 : vector<16xi32>
      %add3A_55 = vector.broadcast %add3A_49 : i32 to vector<16xi32>
      %add3A_56 = arith.addi %shift_right_arithmetic3A_54, %add3A_55 : vector<16xi32>
      %swap3A = arith.constant 0 : index
      %swap3A_57 = tpu.vector_load %arg6[%swap3A] {strides = array<i32>} : memref<128xi32, #tpu.memory_space<vmem>>, vector<16xi32>,
      %swap3A_58 = vector.shape_cast %swap3A_57 : vector<16xi32> to vector<16xi32>
      %swap3A_59 = vector.shape_cast %add3A_56 : vector<16xi32> to vector<16xi32>
      tpu.vector_store %arg6[%swap3A], %swap3A_59 {strides = array<i32>} : memref<128xi32, #tpu.memory_space<vmem>>, vector<16xi32>,
      %add3A_60 = arith.constant 16 : i32
      %add3A_61 = vector.broadcast %add3A_60 : i32 to vector<16xi32>
      %add3A_62 = arith.addi %iota3A, %add3A_61 : vector<16xi32>
      %shift_right_arithmetic3A_63 = arith.constant 5 : i32
      %shift_right_arithmetic3A_64 = vector.broadcast %shift_right_arithmetic3A_63 : i32 to vector<16xi32>
      %shift_right_arithmetic3A_65 = arith.shrsi %add3A_62, %shift_right_arithmetic3A_64 : vector<16xi32>
      %add3A_66 = vector.broadcast %add3A_49 : i32 to vector<16xi32>
      %add3A_67 = arith.addi %shift_right_arithmetic3A_65, %add3A_66 : vector<16xi32>
      %swap3A_68 = arith.constant 16 : index
      %swap3A_69 = tpu.vector_load %arg6[%swap3A_68] {strides = array<i32>} : memref<128xi32, #tpu.memory_space<vmem>>, vector<16xi32>,
      %swap3A_70 = vector.shape_cast %swap3A_69 : vector<16xi32> to vector<16xi32>
      %swap3A_71 = vector.shape_cast %add3A_67 : vector<16xi32> to vector<16xi32>
      tpu.vector_store %arg6[%swap3A_68], %swap3A_71 {strides = array<i32>} : memref<128xi32, #tpu.memory_space<vmem>>, vector<16xi32>,
      %add3A_72 = arith.constant 32 : i32
      %add3A_73 = vector.broadcast %add3A_72 : i32 to vector<16xi32>
      %add3A_74 = arith.addi %iota3A, %add3A_73 : vector<16xi32>
      %shift_right_arithmetic3A_75 = arith.constant 5 : i32
      %shift_right_arithmetic3A_76 = vector.broadcast %shift_right_arithmetic3A_75 : i32 to vector<16xi32>
      %shift_right_arithmetic3A_77 = arith.shrsi %add3A_74, %shift_right_arithmetic3A_76 : vector<16xi32>
      %add3A_78 = vector.broadcast %add3A_49 : i32 to vector<16xi32>
      %add3A_79 = arith.addi %shift_right_arithmetic3A_77, %add3A_78 : vector<16xi32>
      %swap3A_80 = arith.constant 32 : index
      %swap3A_81 = tpu.vector_load %arg6[%swap3A_80] {strides = array<i32>} : memref<128xi32, #tpu.memory_space<vmem>>, vector<16xi32>,
      %swap3A_82 = vector.shape_cast %swap3A_81 : vector<16xi32> to vector<16xi32>
      %swap3A_83 = vector.shape_cast %add3A_79 : vector<16xi32> to vector<16xi32>
      tpu.vector_store %arg6[%swap3A_80], %swap3A_83 {strides = array<i32>} : memref<128xi32, #tpu.memory_space<vmem>>, vector<16xi32>,
      %add3A_84 = arith.constant 48 : i32
      %add3A_85 = vector.broadcast %add3A_84 : i32 to vector<16xi32>
      %add3A_86 = arith.addi %iota3A, %add3A_85 : vector<16xi32>
      %shift_right_arithmetic3A_87 = arith.constant 5 : i32
      %shift_right_arithmetic3A_88 = vector.broadcast %shift_right_arithmetic3A_87 : i32 to vector<16xi32>
      %shift_right_arithmetic3A_89 = arith.shrsi %add3A_86, %shift_right_arithmetic3A_88 : vector<16xi32>
      %add3A_90 = vector.broadcast %add3A_49 : i32 to vector<16xi32>
      %add3A_91 = arith.addi %shift_right_arithmetic3A_89, %add3A_90 : vector<16xi32>
      %swap3A_92 = arith.constant 48 : index
      %swap3A_93 = tpu.vector_load %arg6[%swap3A_92] {strides = array<i32>} : memref<128xi32, #tpu.memory_space<vmem>>, vector<16xi32>,
      %swap3A_94 = vector.shape_cast %swap3A_93 : vector<16xi32> to vector<16xi32>
      %swap3A_95 = vector.shape_cast %add3A_91 : vector<16xi32> to vector<16xi32>
      tpu.vector_store %arg6[%swap3A_92], %swap3A_95 {strides = array<i32>} : memref<128xi32, #tpu.memory_space<vmem>>, vector<16xi32>,
      %add3A_96 = arith.constant 64 : i32
      %add3A_97 = vector.broadcast %add3A_96 : i32 to vector<16xi32>
      %add3A_98 = arith.addi %iota3A, %add3A_97 : vector<16xi32>
      %shift_right_arithmetic3A_99 = arith.constant 5 : i32
      %shift_right_arithmetic3A_100 = vector.broadcast %shift_right_arithmetic3A_99 : i32 to vector<16xi32>
      %shift_right_arithmetic3A_101 = arith.shrsi %add3A_98, %shift_right_arithmetic3A_100 : vector<16xi32>
      %add3A_102 = vector.broadcast %add3A_49 : i32 to vector<16xi32>
      %add3A_103 = arith.addi %shift_right_arithmetic3A_101, %add3A_102 : vector<16xi32>
      %swap3A_104 = arith.constant 64 : index
      %swap3A_105 = tpu.vector_load %arg6[%swap3A_104] {strides = array<i32>} : memref<128xi32, #tpu.memory_space<vmem>>, vector<16xi32>,
      %swap3A_106 = vector.shape_cast %swap3A_105 : vector<16xi32> to vector<16xi32>
      %swap3A_107 = vector.shape_cast %add3A_103 : vector<16xi32> to vector<16xi32>
      tpu.vector_store %arg6[%swap3A_104], %swap3A_107 {strides = array<i32>} : memref<128xi32, #tpu.memory_space<vmem>>, vector<16xi32>,
      %add3A_108 = arith.constant 80 : i32
      %add3A_109 = vector.broadcast %add3A_108 : i32 to vector<16xi32>
      %add3A_110 = arith.addi %iota3A, %add3A_109 : vector<16xi32>
      %shift_right_arithmetic3A_111 = arith.constant 5 : i32
      %shift_right_arithmetic3A_112 = vector.broadcast %shift_right_arithmetic3A_111 : i32 to vector<16xi32>
      %shift_right_arithmetic3A_113 = arith.shrsi %add3A_110, %shift_right_arithmetic3A_112 : vector<16xi32>
      %add3A_114 = vector.broadcast %add3A_49 : i32 to vector<16xi32>
      %add3A_115 = arith.addi %shift_right_arithmetic3A_113, %add3A_114 : vector<16xi32>
      %swap3A_116 = arith.constant 80 : index
      %swap3A_117 = tpu.vector_load %arg6[%swap3A_116] {strides = array<i32>} : memref<128xi32, #tpu.memory_space<vmem>>, vector<16xi32>,
      %swap3A_118 = vector.shape_cast %swap3A_117 : vector<16xi32> to vector<16xi32>
      %swap3A_119 = vector.shape_cast %add3A_115 : vector<16xi32> to vector<16xi32>
      tpu.vector_store %arg6[%swap3A_116], %swap3A_119 {strides = array<i32>} : memref<128xi32, #tpu.memory_space<vmem>>, vector<16xi32>,
      %add3A_120 = arith.constant 96 : i32
      %add3A_121 = vector.broadcast %add3A_120 : i32 to vector<16xi32>
      %add3A_122 = arith.addi %iota3A, %add3A_121 : vector<16xi32>
      %shift_right_arithmetic3A_123 = arith.constant 5 : i32
      %shift_right_arithmetic3A_124 = vector.broadcast %shift_right_arithmetic3A_123 : i32 to vector<16xi32>
      %shift_right_arithmetic3A_125 = arith.shrsi %add3A_122, %shift_right_arithmetic3A_124 : vector<16xi32>
      %add3A_126 = vector.broadcast %add3A_49 : i32 to vector<16xi32>
      %add3A_127 = arith.addi %shift_right_arithmetic3A_125, %add3A_126 : vector<16xi32>
      %swap3A_128 = arith.constant 96 : index
      %swap3A_129 = tpu.vector_load %arg6[%swap3A_128] {strides = array<i32>} : memref<128xi32, #tpu.memory_space<vmem>>, vector<16xi32>,
      %swap3A_130 = vector.shape_cast %swap3A_129 : vector<16xi32> to vector<16xi32>
      %swap3A_131 = vector.shape_cast %add3A_127 : vector<16xi32> to vector<16xi32>
      tpu.vector_store %arg6[%swap3A_128], %swap3A_131 {strides = array<i32>} : memref<128xi32, #tpu.memory_space<vmem>>, vector<16xi32>,
      %add3A_132 = arith.constant 112 : i32
      %add3A_133 = vector.broadcast %add3A_132 : i32 to vector<16xi32>
      %add3A_134 = arith.addi %iota3A, %add3A_133 : vector<16xi32>
      %shift_right_arithmetic3A_135 = arith.constant 5 : i32
      %shift_right_arithmetic3A_136 = vector.broadcast %shift_right_arithmetic3A_135 : i32 to vector<16xi32>
      %shift_right_arithmetic3A_137 = arith.shrsi %add3A_134, %shift_right_arithmetic3A_136 : vector<16xi32>
      %add3A_138 = vector.broadcast %add3A_49 : i32 to vector<16xi32>
      %add3A_139 = arith.addi %shift_right_arithmetic3A_137, %add3A_138 : vector<16xi32>
      %swap3A_140 = arith.constant 112 : index
      %swap3A_141 = tpu.vector_load %arg6[%swap3A_140] {strides = array<i32>} : memref<128xi32, #tpu.memory_space<vmem>>, vector<16xi32>,
      %swap3A_142 = vector.shape_cast %swap3A_141 : vector<16xi32> to vector<16xi32>
      %swap3A_143 = vector.shape_cast %add3A_139 : vector<16xi32> to vector<16xi32>
      tpu.vector_store %arg6[%swap3A_140], %swap3A_143 {strides = array<i32>} : memref<128xi32, #tpu.memory_space<vmem>>, vector<16xi32>,
      %dma_start3A = arith.constant 0 : i32
      %dma_start3A_144 = arith.constant 0 : i32
      %dma_start3A_145 = tpu.memref_slice %arg3[%dma_start3A, %dma_start3A_144] : memref<30522x128xf32, #tpu.memory_space<hbm>> -> memref<30522x128xf32, #tpu.memory_space<hbm>>
      tpu.enqueue_indirect_dma source(%dma_start3A_145 : memref<30522x128xf32, #tpu.memory_space<hbm>>) target(%arg7 : memref<128x128xf32, #tpu.memory_space<vmem>>) offsets(%arg5 : memref<128xi32, #tpu.memory_space<vmem>>) semaphore(%arg10 : memref<!tpu.dma_semaphore, #tpu.memory_space<semaphore_mem>>)
      %dma_wait3A = arith.constant 0 : i32
      %dma_wait3A_146 = arith.constant 0 : i32
      %dma_wait3A_147 = tpu.memref_slice %arg3[%dma_wait3A, %dma_wait3A_146] : memref<30522x128xf32, #tpu.memory_space<hbm>> -> memref<30522x128xf32, #tpu.memory_space<hbm>>
      tpu.wait_indirect_dma semaphore(%arg10 : memref<!tpu.dma_semaphore, #tpu.memory_space<semaphore_mem>>) src(%dma_wait3A_147 : memref<30522x128xf32, #tpu.memory_space<hbm>>) dst(%arg7 : memref<128x128xf32, #tpu.memory_space<vmem>>)
      "tpu.region"() ({
        %run_scoped3A = tpu.sem_alloc : memref<!tpu.dma_semaphore, #tpu.memory_space<semaphore_mem>>
        %dma_start3A_149 = arith.constant 0 : i32
        %dma_start3A_150 = arith.constant 0 : i32
        %dma_start3A_151 = tpu.memref_slice %arg9[%dma_start3A_149, %dma_start3A_150] : memref<7680x128xf32, #tpu.memory_space<vmem_shared>> -> memref<7680x128xf32, #tpu.memory_space<vmem_shared>>
        tpu.enqueue_indirect_dma source(%arg7 : memref<128x128xf32, #tpu.memory_space<vmem>>) target(%dma_start3A_151 : memref<7680x128xf32, #tpu.memory_space<vmem_shared>>) offsets(%arg6 : memref<128xi32, #tpu.memory_space<vmem>>) semaphore(%run_scoped3A : memref<!tpu.dma_semaphore, #tpu.memory_space<semaphore_mem>>) {add = true}
        %dma_wait3A_152 = arith.constant 0 : i32
        %dma_wait3A_153 = arith.constant 0 : i32
        %dma_wait3A_154 = tpu.memref_slice %arg9[%dma_wait3A_152, %dma_wait3A_153] : memref<7680x128xf32, #tpu.memory_space<vmem_shared>> -> memref<7680x128xf32, #tpu.memory_space<vmem_shared>>
        tpu.wait_indirect_dma semaphore(%run_scoped3A : memref<!tpu.dma_semaphore, #tpu.memory_space<semaphore_mem>>) src(%arg7 : memref<128x128xf32, #tpu.memory_space<vmem>>) dst(%dma_wait3A_154 : memref<7680x128xf32, #tpu.memory_space<vmem_shared>>)
        tpu.yield
      }) : () -> ()
      %scan3A_148 = arith.constant 0 : i32
      scf.yield %scan3A_148 : i32
    }
    %scan3A_32 = arith.constant 120 : i32
    %barrier3A_33 = arith.constant 0 : index
    tpu.barrier barrier_id(%barrier3A_33)
    %mul3A_34 = arith.constant 480 : i32
    %mul3A_35 = arith.muli %arg1, %mul3A_34 : i32
    %mul3A_36 = arith.constant 480 : i32
    %mul3A_37 = arith.muli %add3A, %mul3A_36 : i32
    "tpu.region"() ({
      %run_scoped3A = tpu.sem_alloc : memref<!tpu.dma_semaphore, #tpu.memory_space<semaphore_mem>>
      %dma_start3A = arith.constant 0 : i32
      %dma_start3A_38 = tpu.memref_slice %arg4[%mul3A_37, %dma_start3A] : memref<15360x128xf32, #tpu.memory_space<hbm>> -> memref<480x128xf32, #tpu.memory_space<hbm>>
      %dma_start3A_39 = arith.constant 0 : i32
      %dma_start3A_40 = tpu.memref_slice %arg9[%mul3A_35, %dma_start3A_39] : memref<7680x128xf32, #tpu.memory_space<vmem_shared>> -> memref<480x128xf32, #tpu.memory_space<vmem_shared>>
      tpu.enqueue_dma source(%dma_start3A_40 : memref<480x128xf32, #tpu.memory_space<vmem_shared>>) target(%dma_start3A_38 : memref<480x128xf32, #tpu.memory_space<hbm>>) target_semaphore(%run_scoped3A : memref<!tpu.dma_semaphore, #tpu.memory_space<semaphore_mem>>)
      %dma_wait3A = arith.constant 0 : i32
      %dma_wait3A_41 = tpu.memref_slice %arg4[%mul3A_37, %dma_wait3A] : memref<15360x128xf32, #tpu.memory_space<hbm>> -> memref<480x128xf32, #tpu.memory_space<hbm>>
      %dma_wait3A_42 = arith.constant 0 : i32
      %dma_wait3A_43 = tpu.memref_slice %arg9[%mul3A_35, %dma_wait3A_42] : memref<7680x128xf32, #tpu.memory_space<vmem_shared>> -> memref<480x128xf32, #tpu.memory_space<vmem_shared>>
      tpu.wait_dma2 semaphore(%run_scoped3A : memref<!tpu.dma_semaphore, #tpu.memory_space<semaphore_mem>>) src(%dma_wait3A_43 : memref<480x128xf32, #tpu.memory_space<vmem_shared>>) dst(%dma_wait3A_41 : memref<480x128xf32, #tpu.memory_space<hbm>>)
      tpu.yield
    }) : () -> ()
    return
  }
}

#map = affine_map<(d0, d1) -> (0, 0)>
#map1 = affine_map<(d0, d1) -> (0)>
module attributes {stable_mosaic.version = 14 : i64} {
  func.func @k(%arg0: i32, %arg1: i32, %arg2: memref<20000x128xf32, #tpu.memory_space<hbm>>, %arg3: memref<655360xi32, #tpu.memory_space<hbm>>, %arg4: memref<327680xi32, #tpu.memory_space<hbm>>, %arg5: memref<10240x128xf32, #tpu.memory_space<hbm>>, %arg6: memref<128xi32, #tpu.memory_space<vmem>>, %arg7: memref<128xi32, #tpu.memory_space<vmem>>, %arg8: memref<128xi32, #tpu.memory_space<vmem>>, %arg9: memref<128xi32, #tpu.memory_space<vmem>>, %arg10: memref<128xi32, #tpu.memory_space<vmem>>, %arg11: memref<128xi32, #tpu.memory_space<vmem>>, %arg12: memref<128xi32, #tpu.memory_space<vmem>>, %arg13: memref<128xi32, #tpu.memory_space<vmem>>, %arg14: memref<128x128xf32, #tpu.memory_space<vmem>>, %arg15: memref<128x128xf32, #tpu.memory_space<vmem>>, %arg16: memref<128x128xf32, #tpu.memory_space<vmem>>, %arg17: memref<128x128xf32, #tpu.memory_space<vmem>>, %arg18: memref<128x128xf32, #tpu.memory_space<vmem>>, %arg19: memref<5120x128xf32, #tpu.memory_space<vmem_shared>>, %arg20: memref<!tpu.dma_semaphore, #tpu.memory_space<semaphore_mem>>, %arg21: memref<!tpu.dma_semaphore, #tpu.memory_space<semaphore_mem>>, %arg22: memref<!tpu.dma_semaphore, #tpu.memory_space<semaphore_mem>>) attributes {dimension_semantics = [#tpu.dimension_semantics<core_parallel>, #tpu.dimension_semantics<subcore_parallel>], iteration_bounds = array<i64: 2, 16>, scalar_prefetch = 0 : i64, scratch_operands = 17 : i64, tpu.core_type = #tpu.core_type<sc_vector_subcore>, window_params = [{transform_indices = #map}, {transform_indices = #map1}, {transform_indices = #map1}, {transform_indices = #map}]} {
    %iota3A = tpu.iota {dimensions = array<i32: 0>} : vector<16xi32>
    %mul3A = arith.constant 0 : i32
    %mul3A_0 = vector.broadcast %mul3A : i32 to vector<16xi32>
    %mul3A_1 = arith.muli %iota3A, %mul3A_0 : vector<16xi32>
    %convert_element_type3A = arith.sitofp %mul3A_1 : vector<16xi32> to vector<16xf32>
    %scan3A = arith.constant 0 : i32
    %scan3A_2 = arith.constant 0 : i32
    %scan3A_3 = arith.constant 128 : i32
    %scan3A_4 = arith.addi %scan3A_2, %scan3A_3 : i32
    %scan3A_5 = arith.constant 1 : i32
    %scan3A_6 = scf.for %scan3A_34 = %scan3A_2 to %scan3A_4 step %scan3A_5 iter_args(%scan3A_35 = %scan3A) -> (i32)  : i32 {
      %swap3A = arith.index_cast %scan3A_34 : i32 to index
      %swap3A_36 = arith.constant 0 : index
      %swap3A_37 = tpu.vector_load %arg18[%swap3A, %swap3A_36] {strides = array<i32>} : memref<128x128xf32, #tpu.memory_space<vmem>>, vector<1x16xf32>,
      %swap3A_38 = vector.shape_cast %swap3A_37 : vector<1x16xf32> to vector<16xf32>
      %swap3A_39 = vector.shape_cast %convert_element_type3A : vector<16xf32> to vector<1x16xf32>
      tpu.vector_store %arg18[%swap3A, %swap3A_36], %swap3A_39 {strides = array<i32>} : memref<128x128xf32, #tpu.memory_space<vmem>>, vector<1x16xf32>,
      %swap3A_40 = arith.index_cast %scan3A_34 : i32 to index
      %swap3A_41 = arith.constant 16 : index
      %swap3A_42 = tpu.vector_load %arg18[%swap3A_40, %swap3A_41] {strides = array<i32>} : memref<128x128xf32, #tpu.memory_space<vmem>>, vector<1x16xf32>,
      %swap3A_43 = vector.shape_cast %swap3A_42 : vector<1x16xf32> to vector<16xf32>
      %swap3A_44 = vector.shape_cast %convert_element_type3A : vector<16xf32> to vector<1x16xf32>
      tpu.vector_store %arg18[%swap3A_40, %swap3A_41], %swap3A_44 {strides = array<i32>} : memref<128x128xf32, #tpu.memory_space<vmem>>, vector<1x16xf32>,
      %swap3A_45 = arith.index_cast %scan3A_34 : i32 to index
      %swap3A_46 = arith.constant 32 : index
      %swap3A_47 = tpu.vector_load %arg18[%swap3A_45, %swap3A_46] {strides = array<i32>} : memref<128x128xf32, #tpu.memory_space<vmem>>, vector<1x16xf32>,
      %swap3A_48 = vector.shape_cast %swap3A_47 : vector<1x16xf32> to vector<16xf32>
      %swap3A_49 = vector.shape_cast %convert_element_type3A : vector<16xf32> to vector<1x16xf32>
      tpu.vector_store %arg18[%swap3A_45, %swap3A_46], %swap3A_49 {strides = array<i32>} : memref<128x128xf32, #tpu.memory_space<vmem>>, vector<1x16xf32>,
      %swap3A_50 = arith.index_cast %scan3A_34 : i32 to index
      %swap3A_51 = arith.constant 48 : index
      %swap3A_52 = tpu.vector_load %arg18[%swap3A_50, %swap3A_51] {strides = array<i32>} : memref<128x128xf32, #tpu.memory_space<vmem>>, vector<1x16xf32>,
      %swap3A_53 = vector.shape_cast %swap3A_52 : vector<1x16xf32> to vector<16xf32>
      %swap3A_54 = vector.shape_cast %convert_element_type3A : vector<16xf32> to vector<1x16xf32>
      tpu.vector_store %arg18[%swap3A_50, %swap3A_51], %swap3A_54 {strides = array<i32>} : memref<128x128xf32, #tpu.memory_space<vmem>>, vector<1x16xf32>,
      %swap3A_55 = arith.index_cast %scan3A_34 : i32 to index
      %swap3A_56 = arith.constant 64 : index
      %swap3A_57 = tpu.vector_load %arg18[%swap3A_55, %swap3A_56] {strides = array<i32>} : memref<128x128xf32, #tpu.memory_space<vmem>>, vector<1x16xf32>,
      %swap3A_58 = vector.shape_cast %swap3A_57 : vector<1x16xf32> to vector<16xf32>
      %swap3A_59 = vector.shape_cast %convert_element_type3A : vector<16xf32> to vector<1x16xf32>
      tpu.vector_store %arg18[%swap3A_55, %swap3A_56], %swap3A_59 {strides = array<i32>} : memref<128x128xf32, #tpu.memory_space<vmem>>, vector<1x16xf32>,
      %swap3A_60 = arith.index_cast %scan3A_34 : i32 to index
      %swap3A_61 = arith.constant 80 : index
      %swap3A_62 = tpu.vector_load %arg18[%swap3A_60, %swap3A_61] {strides = array<i32>} : memref<128x128xf32, #tpu.memory_space<vmem>>, vector<1x16xf32>,
      %swap3A_63 = vector.shape_cast %swap3A_62 : vector<1x16xf32> to vector<16xf32>
      %swap3A_64 = vector.shape_cast %convert_element_type3A : vector<16xf32> to vector<1x16xf32>
      tpu.vector_store %arg18[%swap3A_60, %swap3A_61], %swap3A_64 {strides = array<i32>} : memref<128x128xf32, #tpu.memory_space<vmem>>, vector<1x16xf32>,
      %swap3A_65 = arith.index_cast %scan3A_34 : i32 to index
      %swap3A_66 = arith.constant 96 : index
      %swap3A_67 = tpu.vector_load %arg18[%swap3A_65, %swap3A_66] {strides = array<i32>} : memref<128x128xf32, #tpu.memory_space<vmem>>, vector<1x16xf32>,
      %swap3A_68 = vector.shape_cast %swap3A_67 : vector<1x16xf32> to vector<16xf32>
      %swap3A_69 = vector.shape_cast %convert_element_type3A : vector<16xf32> to vector<1x16xf32>
      tpu.vector_store %arg18[%swap3A_65, %swap3A_66], %swap3A_69 {strides = array<i32>} : memref<128x128xf32, #tpu.memory_space<vmem>>, vector<1x16xf32>,
      %swap3A_70 = arith.index_cast %scan3A_34 : i32 to index
      %swap3A_71 = arith.constant 112 : index
      %swap3A_72 = tpu.vector_load %arg18[%swap3A_70, %swap3A_71] {strides = array<i32>} : memref<128x128xf32, #tpu.memory_space<vmem>>, vector<1x16xf32>,
      %swap3A_73 = vector.shape_cast %swap3A_72 : vector<1x16xf32> to vector<16xf32>
      %swap3A_74 = vector.shape_cast %convert_element_type3A : vector<16xf32> to vector<1x16xf32>
      tpu.vector_store %arg18[%swap3A_70, %swap3A_71], %swap3A_74 {strides = array<i32>} : memref<128x128xf32, #tpu.memory_space<vmem>>, vector<1x16xf32>,
      %scan3A_75 = arith.constant 0 : i32
      scf.yield %scan3A_75 : i32
    }
    %scan3A_7 = arith.constant 128 : i32
    %mul3A_8 = arith.constant 320 : i32
    %mul3A_9 = arith.muli %arg1, %mul3A_8 : i32
    %add3A = arith.constant 0 : i32
    %add3A_10 = arith.addi %mul3A_9, %add3A : i32
    "tpu.region"() ({
      %run_scoped3A = tpu.sem_alloc : memref<!tpu.dma_semaphore, #tpu.memory_space<semaphore_mem>>
      %dma_start3A = arith.constant 0 : i32
      %dma_start3A_34 = tpu.memref_slice %arg19[%add3A_10, %dma_start3A] : memref<5120x128xf32, #tpu.memory_space<vmem_shared>> -> memref<128x128xf32, #tpu.memory_space<vmem_shared>>
      %dma_start3A_35 = arith.constant 0 : i32
      %dma_start3A_36 = tpu.memref_slice %arg19[%add3A_10, %dma_start3A_35] : memref<5120x128xf32, #tpu.memory_space<vmem_shared>> -> memref<128x128xf32, #tpu.memory_space<vmem_shared>>
      tpu.enqueue_dma source(%arg18 : memref<128x128xf32, #tpu.memory_space<vmem>>) target(%dma_start3A_36 : memref<128x128xf32, #tpu.memory_space<vmem_shared>>) target_semaphore(%run_scoped3A : memref<!tpu.dma_semaphore, #tpu.memory_space<semaphore_mem>>)
      %dma_wait3A = arith.constant 0 : i32
      %dma_wait3A_37 = tpu.memref_slice %arg19[%add3A_10, %dma_wait3A] : memref<5120x128xf32, #tpu.memory_space<vmem_shared>> -> memref<128x128xf32, #tpu.memory_space<vmem_shared>>
      %dma_wait3A_38 = arith.constant 0 : i32
      %dma_wait3A_39 = tpu.memref_slice %arg19[%add3A_10, %dma_wait3A_38] : memref<5120x128xf32, #tpu.memory_space<vmem_shared>> -> memref<128x128xf32, #tpu.memory_space<vmem_shared>>
      tpu.wait_dma2 semaphore(%run_scoped3A : memref<!tpu.dma_semaphore, #tpu.memory_space<semaphore_mem>>) src(%arg18 : memref<128x128xf32, #tpu.memory_space<vmem>>) dst(%dma_wait3A_39 : memref<128x128xf32, #tpu.memory_space<vmem_shared>>)
      tpu.yield
    }) : () -> ()
    %mul3A_11 = arith.constant 320 : i32
    %mul3A_12 = arith.muli %arg1, %mul3A_11 : i32
    %add3A_13 = arith.constant 128 : i32
    %add3A_14 = arith.addi %mul3A_12, %add3A_13 : i32
    "tpu.region"() ({
      %run_scoped3A = tpu.sem_alloc : memref<!tpu.dma_semaphore, #tpu.memory_space<semaphore_mem>>
      %dma_start3A = arith.constant 0 : i32
      %dma_start3A_34 = tpu.memref_slice %arg19[%add3A_14, %dma_start3A] : memref<5120x128xf32, #tpu.memory_space<vmem_shared>> -> memref<128x128xf32, #tpu.memory_space<vmem_shared>>
      %dma_start3A_35 = arith.constant 0 : i32
      %dma_start3A_36 = tpu.memref_slice %arg19[%add3A_14, %dma_start3A_35] : memref<5120x128xf32, #tpu.memory_space<vmem_shared>> -> memref<128x128xf32, #tpu.memory_space<vmem_shared>>
      tpu.enqueue_dma source(%arg18 : memref<128x128xf32, #tpu.memory_space<vmem>>) target(%dma_start3A_36 : memref<128x128xf32, #tpu.memory_space<vmem_shared>>) target_semaphore(%run_scoped3A : memref<!tpu.dma_semaphore, #tpu.memory_space<semaphore_mem>>)
      %dma_wait3A = arith.constant 0 : i32
      %dma_wait3A_37 = tpu.memref_slice %arg19[%add3A_14, %dma_wait3A] : memref<5120x128xf32, #tpu.memory_space<vmem_shared>> -> memref<128x128xf32, #tpu.memory_space<vmem_shared>>
      %dma_wait3A_38 = arith.constant 0 : i32
      %dma_wait3A_39 = tpu.memref_slice %arg19[%add3A_14, %dma_wait3A_38] : memref<5120x128xf32, #tpu.memory_space<vmem_shared>> -> memref<128x128xf32, #tpu.memory_space<vmem_shared>>
      tpu.wait_dma2 semaphore(%run_scoped3A : memref<!tpu.dma_semaphore, #tpu.memory_space<semaphore_mem>>) src(%arg18 : memref<128x128xf32, #tpu.memory_space<vmem>>) dst(%dma_wait3A_39 : memref<128x128xf32, #tpu.memory_space<vmem_shared>>)
      tpu.yield
    }) : () -> ()
    %mul3A_15 = arith.constant 320 : i32
    %mul3A_16 = arith.muli %arg1, %mul3A_15 : i32
    %add3A_17 = arith.constant 256 : i32
    %add3A_18 = arith.addi %mul3A_16, %add3A_17 : i32
    "tpu.region"() ({
      %run_scoped3A = tpu.sem_alloc : memref<!tpu.dma_semaphore, #tpu.memory_space<semaphore_mem>>
      %dma_start3A = arith.constant 0 : i32
      %dma_start3A_34 = arith.constant 0 : i32
      %dma_start3A_35 = tpu.memref_slice %arg18[%dma_start3A, %dma_start3A_34] : memref<128x128xf32, #tpu.memory_space<vmem>> -> memref<64x128xf32, #tpu.memory_space<vmem>>
      %dma_start3A_36 = arith.constant 0 : i32
      %dma_start3A_37 = tpu.memref_slice %arg19[%add3A_18, %dma_start3A_36] : memref<5120x128xf32, #tpu.memory_space<vmem_shared>> -> memref<64x128xf32, #tpu.memory_space<vmem_shared>>
      %dma_start3A_38 = arith.constant 0 : i32
      %dma_start3A_39 = tpu.memref_slice %arg19[%add3A_18, %dma_start3A_38] : memref<5120x128xf32, #tpu.memory_space<vmem_shared>> -> memref<64x128xf32, #tpu.memory_space<vmem_shared>>
      %dma_start3A_40 = arith.constant 0 : i32
      %dma_start3A_41 = arith.constant 0 : i32
      %dma_start3A_42 = tpu.memref_slice %arg18[%dma_start3A_40, %dma_start3A_41] : memref<128x128xf32, #tpu.memory_space<vmem>> -> memref<64x128xf32, #tpu.memory_space<vmem>>
      tpu.enqueue_dma source(%dma_start3A_42 : memref<64x128xf32, #tpu.memory_space<vmem>>) target(%dma_start3A_39 : memref<64x128xf32, #tpu.memory_space<vmem_shared>>) target_semaphore(%run_scoped3A : memref<!tpu.dma_semaphore, #tpu.memory_space<semaphore_mem>>)
      %dma_wait3A = arith.constant 0 : i32
      %dma_wait3A_43 = arith.constant 0 : i32
      %dma_wait3A_44 = tpu.memref_slice %arg18[%dma_wait3A, %dma_wait3A_43] : memref<128x128xf32, #tpu.memory_space<vmem>> -> memref<64x128xf32, #tpu.memory_space<vmem>>
      %dma_wait3A_45 = arith.constant 0 : i32
      %dma_wait3A_46 = tpu.memref_slice %arg19[%add3A_18, %dma_wait3A_45] : memref<5120x128xf32, #tpu.memory_space<vmem_shared>> -> memref<64x128xf32, #tpu.memory_space<vmem_shared>>
      %dma_wait3A_47 = arith.constant 0 : i32
      %dma_wait3A_48 = tpu.memref_slice %arg19[%add3A_18, %dma_wait3A_47] : memref<5120x128xf32, #tpu.memory_space<vmem_shared>> -> memref<64x128xf32, #tpu.memory_space<vmem_shared>>
      %dma_wait3A_49 = arith.constant 0 : i32
      %dma_wait3A_50 = arith.constant 0 : i32
      %dma_wait3A_51 = tpu.memref_slice %arg18[%dma_wait3A_49, %dma_wait3A_50] : memref<128x128xf32, #tpu.memory_space<vmem>> -> memref<64x128xf32, #tpu.memory_space<vmem>>
      tpu.wait_dma2 semaphore(%run_scoped3A : memref<!tpu.dma_semaphore, #tpu.memory_space<semaphore_mem>>) src(%dma_wait3A_51 : memref<64x128xf32, #tpu.memory_space<vmem>>) dst(%dma_wait3A_48 : memref<64x128xf32, #tpu.memory_space<vmem_shared>>)
      tpu.yield
    }) : () -> ()
    %barrier3A = arith.constant 0 : index
    tpu.barrier barrier_id(%barrier3A)
    %scan3A_19 = arith.constant 0 : i32
    %scan3A_20 = arith.constant 0 : i32
    %scan3A_21 = arith.constant 160 : i32
    %scan3A_22 = arith.addi %scan3A_20, %scan3A_21 : i32
    %scan3A_23 = arith.constant 1 : i32
    %scan3A_24 = scf.for %scan3A_34 = %scan3A_20 to %scan3A_22 step %scan3A_23 iter_args(%scan3A_35 = %scan3A_19) -> (i32)  : i32 {
      %mul3A_36 = arith.constant 16 : i32
      %mul3A_37 = arith.muli %scan3A_34, %mul3A_36 : i32
      %add3A_38 = arith.addi %arg1, %mul3A_37 : i32
      %mul3A_39 = arith.constant 327680 : i32
      %mul3A_40 = arith.muli %arg0, %mul3A_39 : i32
      %mul3A_41 = arith.constant 128 : i32
      %mul3A_42 = arith.muli %add3A_38, %mul3A_41 : i32
      %add3A_43 = arith.addi %mul3A_40, %mul3A_42 : i32
      %dma_start3A = tpu.memref_slice %arg3[%add3A_43] : memref<655360xi32, #tpu.memory_space<hbm>> -> memref<128xi32, #tpu.memory_space<hbm>>
      %dma_start3A_44 = tpu.memref_slice %arg3[%add3A_43] : memref<655360xi32, #tpu.memory_space<hbm>> -> memref<128xi32, #tpu.memory_space<hbm>>
      tpu.enqueue_dma source(%dma_start3A_44 : memref<128xi32, #tpu.memory_space<hbm>>) target(%arg6 : memref<128xi32, #tpu.memory_space<vmem>>) target_semaphore(%arg20 : memref<!tpu.dma_semaphore, #tpu.memory_space<semaphore_mem>>)
      %mul3A_45 = arith.constant 128 : i32
      %mul3A_46 = arith.muli %add3A_38, %mul3A_45 : i32
      %dma_start3A_47 = tpu.memref_slice %arg4[%mul3A_46] : memref<327680xi32, #tpu.memory_space<hbm>> -> memref<128xi32, #tpu.memory_space<hbm>>
      %dma_start3A_48 = tpu.memref_slice %arg4[%mul3A_46] : memref<327680xi32, #tpu.memory_space<hbm>> -> memref<128xi32, #tpu.memory_space<hbm>>
      tpu.enqueue_dma source(%dma_start3A_48 : memref<128xi32, #tpu.memory_space<hbm>>) target(%arg10 : memref<128xi32, #tpu.memory_space<vmem>>) target_semaphore(%arg20 : memref<!tpu.dma_semaphore, #tpu.memory_space<semaphore_mem>>)
      %dma_wait3A = tpu.memref_slice %arg3[%add3A_43] : memref<655360xi32, #tpu.memory_space<hbm>> -> memref<128xi32, #tpu.memory_space<hbm>>
      %dma_wait3A_49 = tpu.memref_slice %arg3[%add3A_43] : memref<655360xi32, #tpu.memory_space<hbm>> -> memref<128xi32, #tpu.memory_space<hbm>>
      tpu.wait_dma2 semaphore(%arg20 : memref<!tpu.dma_semaphore, #tpu.memory_space<semaphore_mem>>) src(%dma_wait3A_49 : memref<128xi32, #tpu.memory_space<hbm>>) dst(%arg6 : memref<128xi32, #tpu.memory_space<vmem>>)
      %dma_wait3A_50 = tpu.memref_slice %arg4[%mul3A_46] : memref<327680xi32, #tpu.memory_space<hbm>> -> memref<128xi32, #tpu.memory_space<hbm>>
      %dma_wait3A_51 = tpu.memref_slice %arg4[%mul3A_46] : memref<327680xi32, #tpu.memory_space<hbm>> -> memref<128xi32, #tpu.memory_space<hbm>>
      tpu.wait_dma2 semaphore(%arg20 : memref<!tpu.dma_semaphore, #tpu.memory_space<semaphore_mem>>) src(%dma_wait3A_51 : memref<128xi32, #tpu.memory_space<hbm>>) dst(%arg10 : memref<128xi32, #tpu.memory_space<vmem>>)
      %dma_start3A_52 = arith.constant 0 : i32
      %dma_start3A_53 = arith.constant 0 : i32
      %dma_start3A_54 = tpu.memref_slice %arg2[%dma_start3A_52, %dma_start3A_53] : memref<20000x128xf32, #tpu.memory_space<hbm>> -> memref<20000x128xf32, #tpu.memory_space<hbm>>
      tpu.enqueue_indirect_dma source(%dma_start3A_54 : memref<20000x128xf32, #tpu.memory_space<hbm>>) target(%arg14 : memref<128x128xf32, #tpu.memory_space<vmem>>) offsets(%arg6 : memref<128xi32, #tpu.memory_space<vmem>>) semaphore(%arg21 : memref<!tpu.dma_semaphore, #tpu.memory_space<semaphore_mem>>)
      %dma_wait3A_55 = arith.constant 0 : i32
      %dma_wait3A_56 = arith.constant 0 : i32
      %dma_wait3A_57 = tpu.memref_slice %arg2[%dma_wait3A_55, %dma_wait3A_56] : memref<20000x128xf32, #tpu.memory_space<hbm>> -> memref<20000x128xf32, #tpu.memory_space<hbm>>
      tpu.wait_indirect_dma semaphore(%arg21 : memref<!tpu.dma_semaphore, #tpu.memory_space<semaphore_mem>>) src(%dma_wait3A_57 : memref<20000x128xf32, #tpu.memory_space<hbm>>) dst(%arg14 : memref<128x128xf32, #tpu.memory_space<vmem>>)
      "tpu.region"() ({
        %run_scoped3A = tpu.sem_alloc : memref<!tpu.dma_semaphore, #tpu.memory_space<semaphore_mem>>
        %dma_start3A_59 = arith.constant 0 : i32
        %dma_start3A_60 = arith.constant 0 : i32
        %dma_start3A_61 = tpu.memref_slice %arg19[%dma_start3A_59, %dma_start3A_60] : memref<5120x128xf32, #tpu.memory_space<vmem_shared>> -> memref<5120x128xf32, #tpu.memory_space<vmem_shared>>
        tpu.enqueue_indirect_dma source(%arg14 : memref<128x128xf32, #tpu.memory_space<vmem>>) target(%dma_start3A_61 : memref<5120x128xf32, #tpu.memory_space<vmem_shared>>) offsets(%arg10 : memref<128xi32, #tpu.memory_space<vmem>>) semaphore(%run_scoped3A : memref<!tpu.dma_semaphore, #tpu.memory_space<semaphore_mem>>) {add = true}
        %dma_wait3A_62 = arith.constant 0 : i32
        %dma_wait3A_63 = arith.constant 0 : i32
        %dma_wait3A_64 = tpu.memref_slice %arg19[%dma_wait3A_62, %dma_wait3A_63] : memref<5120x128xf32, #tpu.memory_space<vmem_shared>> -> memref<5120x128xf32, #tpu.memory_space<vmem_shared>>
        tpu.wait_indirect_dma semaphore(%run_scoped3A : memref<!tpu.dma_semaphore, #tpu.memory_space<semaphore_mem>>) src(%arg14 : memref<128x128xf32, #tpu.memory_space<vmem>>) dst(%dma_wait3A_64 : memref<5120x128xf32, #tpu.memory_space<vmem_shared>>)
        tpu.yield
      }) : () -> ()
      %scan3A_58 = arith.constant 0 : i32
      scf.yield %scan3A_58 : i32
    }
    %scan3A_25 = arith.constant 160 : i32
    %barrier3A_26 = arith.constant 0 : index
    tpu.barrier barrier_id(%barrier3A_26)
    %mul3A_27 = arith.constant 320 : i32
    %mul3A_28 = arith.muli %arg1, %mul3A_27 : i32
    %mul3A_29 = arith.constant 5120 : i32
    %mul3A_30 = arith.muli %arg0, %mul3A_29 : i32
    %mul3A_31 = arith.constant 320 : i32
    %mul3A_32 = arith.muli %arg1, %mul3A_31 : i32
    %add3A_33 = arith.addi %mul3A_30, %mul3A_32 : i32
    "tpu.region"() ({
      %run_scoped3A = tpu.sem_alloc : memref<!tpu.dma_semaphore, #tpu.memory_space<semaphore_mem>>
      %dma_start3A = arith.constant 0 : i32
      %dma_start3A_34 = tpu.memref_slice %arg5[%add3A_33, %dma_start3A] : memref<10240x128xf32, #tpu.memory_space<hbm>> -> memref<320x128xf32, #tpu.memory_space<hbm>>
      %dma_start3A_35 = arith.constant 0 : i32
      %dma_start3A_36 = tpu.memref_slice %arg19[%mul3A_28, %dma_start3A_35] : memref<5120x128xf32, #tpu.memory_space<vmem_shared>> -> memref<320x128xf32, #tpu.memory_space<vmem_shared>>
      tpu.enqueue_dma source(%dma_start3A_36 : memref<320x128xf32, #tpu.memory_space<vmem_shared>>) target(%dma_start3A_34 : memref<320x128xf32, #tpu.memory_space<hbm>>) target_semaphore(%run_scoped3A : memref<!tpu.dma_semaphore, #tpu.memory_space<semaphore_mem>>)
      %dma_wait3A = arith.constant 0 : i32
      %dma_wait3A_37 = tpu.memref_slice %arg5[%add3A_33, %dma_wait3A] : memref<10240x128xf32, #tpu.memory_space<hbm>> -> memref<320x128xf32, #tpu.memory_space<hbm>>
      %dma_wait3A_38 = arith.constant 0 : i32
      %dma_wait3A_39 = tpu.memref_slice %arg19[%mul3A_28, %dma_wait3A_38] : memref<5120x128xf32, #tpu.memory_space<vmem_shared>> -> memref<320x128xf32, #tpu.memory_space<vmem_shared>>
      tpu.wait_dma2 semaphore(%run_scoped3A : memref<!tpu.dma_semaphore, #tpu.memory_space<semaphore_mem>>) src(%dma_wait3A_39 : memref<320x128xf32, #tpu.memory_space<vmem_shared>>) dst(%dma_wait3A_37 : memref<320x128xf32, #tpu.memory_space<hbm>>)
      tpu.yield
    }) : () -> ()
    return
  }
}

#map = affine_map<(d0, d1) -> (0, 0)>
#map1 = affine_map<(d0, d1) -> (0)>
module attributes {stable_mosaic.version = 14 : i64} {
  func.func @k(%arg0: i32, %arg1: i32, %arg2: memref<10000x128xf32, #tpu.memory_space<hbm>>, %arg3: memref<655360xi32, #tpu.memory_space<hbm>>, %arg4: memref<327680xi32, #tpu.memory_space<hbm>>, %arg5: memref<20480x128xf32, #tpu.memory_space<hbm>>, %arg6: memref<128xi32, #tpu.memory_space<vmem>>, %arg7: memref<128xi32, #tpu.memory_space<vmem>>, %arg8: memref<128xi32, #tpu.memory_space<vmem>>, %arg9: memref<128xi32, #tpu.memory_space<vmem>>, %arg10: memref<128xi32, #tpu.memory_space<vmem>>, %arg11: memref<128xi32, #tpu.memory_space<vmem>>, %arg12: memref<128xi32, #tpu.memory_space<vmem>>, %arg13: memref<128xi32, #tpu.memory_space<vmem>>, %arg14: memref<128x128xf32, #tpu.memory_space<vmem>>, %arg15: memref<128x128xf32, #tpu.memory_space<vmem>>, %arg16: memref<128x128xf32, #tpu.memory_space<vmem>>, %arg17: memref<128x128xf32, #tpu.memory_space<vmem>>, %arg18: memref<128x128xf32, #tpu.memory_space<vmem>>, %arg19: memref<10240x128xf32, #tpu.memory_space<vmem_shared>>, %arg20: memref<!tpu.dma_semaphore, #tpu.memory_space<semaphore_mem>>, %arg21: memref<!tpu.dma_semaphore, #tpu.memory_space<semaphore_mem>>, %arg22: memref<!tpu.dma_semaphore, #tpu.memory_space<semaphore_mem>>) attributes {dimension_semantics = [#tpu.dimension_semantics<core_parallel>, #tpu.dimension_semantics<subcore_parallel>], iteration_bounds = array<i64: 2, 16>, scalar_prefetch = 0 : i64, scratch_operands = 17 : i64, tpu.core_type = #tpu.core_type<sc_vector_subcore>, window_params = [{transform_indices = #map}, {transform_indices = #map1}, {transform_indices = #map1}, {transform_indices = #map}]} {
    %iota3A = tpu.iota {dimensions = array<i32: 0>} : vector<16xi32>
    %mul3A = arith.constant 0 : i32
    %mul3A_0 = vector.broadcast %mul3A : i32 to vector<16xi32>
    %mul3A_1 = arith.muli %iota3A, %mul3A_0 : vector<16xi32>
    %convert_element_type3A = arith.sitofp %mul3A_1 : vector<16xi32> to vector<16xf32>
    %scan3A = arith.constant 0 : i32
    %scan3A_2 = arith.constant 0 : i32
    %scan3A_3 = arith.constant 128 : i32
    %scan3A_4 = arith.addi %scan3A_2, %scan3A_3 : i32
    %scan3A_5 = arith.constant 1 : i32
    %scan3A_6 = scf.for %scan3A_42 = %scan3A_2 to %scan3A_4 step %scan3A_5 iter_args(%scan3A_43 = %scan3A) -> (i32)  : i32 {
      %swap3A = arith.index_cast %scan3A_42 : i32 to index
      %swap3A_44 = arith.constant 0 : index
      %swap3A_45 = tpu.vector_load %arg18[%swap3A, %swap3A_44] {strides = array<i32>} : memref<128x128xf32, #tpu.memory_space<vmem>>, vector<1x16xf32>,
      %swap3A_46 = vector.shape_cast %swap3A_45 : vector<1x16xf32> to vector<16xf32>
      %swap3A_47 = vector.shape_cast %convert_element_type3A : vector<16xf32> to vector<1x16xf32>
      tpu.vector_store %arg18[%swap3A, %swap3A_44], %swap3A_47 {strides = array<i32>} : memref<128x128xf32, #tpu.memory_space<vmem>>, vector<1x16xf32>,
      %swap3A_48 = arith.index_cast %scan3A_42 : i32 to index
      %swap3A_49 = arith.constant 16 : index
      %swap3A_50 = tpu.vector_load %arg18[%swap3A_48, %swap3A_49] {strides = array<i32>} : memref<128x128xf32, #tpu.memory_space<vmem>>, vector<1x16xf32>,
      %swap3A_51 = vector.shape_cast %swap3A_50 : vector<1x16xf32> to vector<16xf32>
      %swap3A_52 = vector.shape_cast %convert_element_type3A : vector<16xf32> to vector<1x16xf32>
      tpu.vector_store %arg18[%swap3A_48, %swap3A_49], %swap3A_52 {strides = array<i32>} : memref<128x128xf32, #tpu.memory_space<vmem>>, vector<1x16xf32>,
      %swap3A_53 = arith.index_cast %scan3A_42 : i32 to index
      %swap3A_54 = arith.constant 32 : index
      %swap3A_55 = tpu.vector_load %arg18[%swap3A_53, %swap3A_54] {strides = array<i32>} : memref<128x128xf32, #tpu.memory_space<vmem>>, vector<1x16xf32>,
      %swap3A_56 = vector.shape_cast %swap3A_55 : vector<1x16xf32> to vector<16xf32>
      %swap3A_57 = vector.shape_cast %convert_element_type3A : vector<16xf32> to vector<1x16xf32>
      tpu.vector_store %arg18[%swap3A_53, %swap3A_54], %swap3A_57 {strides = array<i32>} : memref<128x128xf32, #tpu.memory_space<vmem>>, vector<1x16xf32>,
      %swap3A_58 = arith.index_cast %scan3A_42 : i32 to index
      %swap3A_59 = arith.constant 48 : index
      %swap3A_60 = tpu.vector_load %arg18[%swap3A_58, %swap3A_59] {strides = array<i32>} : memref<128x128xf32, #tpu.memory_space<vmem>>, vector<1x16xf32>,
      %swap3A_61 = vector.shape_cast %swap3A_60 : vector<1x16xf32> to vector<16xf32>
      %swap3A_62 = vector.shape_cast %convert_element_type3A : vector<16xf32> to vector<1x16xf32>
      tpu.vector_store %arg18[%swap3A_58, %swap3A_59], %swap3A_62 {strides = array<i32>} : memref<128x128xf32, #tpu.memory_space<vmem>>, vector<1x16xf32>,
      %swap3A_63 = arith.index_cast %scan3A_42 : i32 to index
      %swap3A_64 = arith.constant 64 : index
      %swap3A_65 = tpu.vector_load %arg18[%swap3A_63, %swap3A_64] {strides = array<i32>} : memref<128x128xf32, #tpu.memory_space<vmem>>, vector<1x16xf32>,
      %swap3A_66 = vector.shape_cast %swap3A_65 : vector<1x16xf32> to vector<16xf32>
      %swap3A_67 = vector.shape_cast %convert_element_type3A : vector<16xf32> to vector<1x16xf32>
      tpu.vector_store %arg18[%swap3A_63, %swap3A_64], %swap3A_67 {strides = array<i32>} : memref<128x128xf32, #tpu.memory_space<vmem>>, vector<1x16xf32>,
      %swap3A_68 = arith.index_cast %scan3A_42 : i32 to index
      %swap3A_69 = arith.constant 80 : index
      %swap3A_70 = tpu.vector_load %arg18[%swap3A_68, %swap3A_69] {strides = array<i32>} : memref<128x128xf32, #tpu.memory_space<vmem>>, vector<1x16xf32>,
      %swap3A_71 = vector.shape_cast %swap3A_70 : vector<1x16xf32> to vector<16xf32>
      %swap3A_72 = vector.shape_cast %convert_element_type3A : vector<16xf32> to vector<1x16xf32>
      tpu.vector_store %arg18[%swap3A_68, %swap3A_69], %swap3A_72 {strides = array<i32>} : memref<128x128xf32, #tpu.memory_space<vmem>>, vector<1x16xf32>,
      %swap3A_73 = arith.index_cast %scan3A_42 : i32 to index
      %swap3A_74 = arith.constant 96 : index
      %swap3A_75 = tpu.vector_load %arg18[%swap3A_73, %swap3A_74] {strides = array<i32>} : memref<128x128xf32, #tpu.memory_space<vmem>>, vector<1x16xf32>,
      %swap3A_76 = vector.shape_cast %swap3A_75 : vector<1x16xf32> to vector<16xf32>
      %swap3A_77 = vector.shape_cast %convert_element_type3A : vector<16xf32> to vector<1x16xf32>
      tpu.vector_store %arg18[%swap3A_73, %swap3A_74], %swap3A_77 {strides = array<i32>} : memref<128x128xf32, #tpu.memory_space<vmem>>, vector<1x16xf32>,
      %swap3A_78 = arith.index_cast %scan3A_42 : i32 to index
      %swap3A_79 = arith.constant 112 : index
      %swap3A_80 = tpu.vector_load %arg18[%swap3A_78, %swap3A_79] {strides = array<i32>} : memref<128x128xf32, #tpu.memory_space<vmem>>, vector<1x16xf32>,
      %swap3A_81 = vector.shape_cast %swap3A_80 : vector<1x16xf32> to vector<16xf32>
      %swap3A_82 = vector.shape_cast %convert_element_type3A : vector<16xf32> to vector<1x16xf32>
      tpu.vector_store %arg18[%swap3A_78, %swap3A_79], %swap3A_82 {strides = array<i32>} : memref<128x128xf32, #tpu.memory_space<vmem>>, vector<1x16xf32>,
      %scan3A_83 = arith.constant 0 : i32
      scf.yield %scan3A_83 : i32
    }
    %scan3A_7 = arith.constant 128 : i32
    %mul3A_8 = arith.constant 640 : i32
    %mul3A_9 = arith.muli %arg1, %mul3A_8 : i32
    %add3A = arith.constant 0 : i32
    %add3A_10 = arith.addi %mul3A_9, %add3A : i32
    "tpu.region"() ({
      %run_scoped3A = tpu.sem_alloc : memref<!tpu.dma_semaphore, #tpu.memory_space<semaphore_mem>>
      %dma_start3A = arith.constant 0 : i32
      %dma_start3A_42 = tpu.memref_slice %arg19[%add3A_10, %dma_start3A] : memref<10240x128xf32, #tpu.memory_space<vmem_shared>> -> memref<128x128xf32, #tpu.memory_space<vmem_shared>>
      %dma_start3A_43 = arith.constant 0 : i32
      %dma_start3A_44 = tpu.memref_slice %arg19[%add3A_10, %dma_start3A_43] : memref<10240x128xf32, #tpu.memory_space<vmem_shared>> -> memref<128x128xf32, #tpu.memory_space<vmem_shared>>
      tpu.enqueue_dma source(%arg18 : memref<128x128xf32, #tpu.memory_space<vmem>>) target(%dma_start3A_44 : memref<128x128xf32, #tpu.memory_space<vmem_shared>>) target_semaphore(%run_scoped3A : memref<!tpu.dma_semaphore, #tpu.memory_space<semaphore_mem>>)
      %dma_wait3A = arith.constant 0 : i32
      %dma_wait3A_45 = tpu.memref_slice %arg19[%add3A_10, %dma_wait3A] : memref<10240x128xf32, #tpu.memory_space<vmem_shared>> -> memref<128x128xf32, #tpu.memory_space<vmem_shared>>
      %dma_wait3A_46 = arith.constant 0 : i32
      %dma_wait3A_47 = tpu.memref_slice %arg19[%add3A_10, %dma_wait3A_46] : memref<10240x128xf32, #tpu.memory_space<vmem_shared>> -> memref<128x128xf32, #tpu.memory_space<vmem_shared>>
      tpu.wait_dma2 semaphore(%run_scoped3A : memref<!tpu.dma_semaphore, #tpu.memory_space<semaphore_mem>>) src(%arg18 : memref<128x128xf32, #tpu.memory_space<vmem>>) dst(%dma_wait3A_47 : memref<128x128xf32, #tpu.memory_space<vmem_shared>>)
      tpu.yield
    }) : () -> ()
    %mul3A_11 = arith.constant 640 : i32
    %mul3A_12 = arith.muli %arg1, %mul3A_11 : i32
    %add3A_13 = arith.constant 128 : i32
    %add3A_14 = arith.addi %mul3A_12, %add3A_13 : i32
    "tpu.region"() ({
      %run_scoped3A = tpu.sem_alloc : memref<!tpu.dma_semaphore, #tpu.memory_space<semaphore_mem>>
      %dma_start3A = arith.constant 0 : i32
      %dma_start3A_42 = tpu.memref_slice %arg19[%add3A_14, %dma_start3A] : memref<10240x128xf32, #tpu.memory_space<vmem_shared>> -> memref<128x128xf32, #tpu.memory_space<vmem_shared>>
      %dma_start3A_43 = arith.constant 0 : i32
      %dma_start3A_44 = tpu.memref_slice %arg19[%add3A_14, %dma_start3A_43] : memref<10240x128xf32, #tpu.memory_space<vmem_shared>> -> memref<128x128xf32, #tpu.memory_space<vmem_shared>>
      tpu.enqueue_dma source(%arg18 : memref<128x128xf32, #tpu.memory_space<vmem>>) target(%dma_start3A_44 : memref<128x128xf32, #tpu.memory_space<vmem_shared>>) target_semaphore(%run_scoped3A : memref<!tpu.dma_semaphore, #tpu.memory_space<semaphore_mem>>)
      %dma_wait3A = arith.constant 0 : i32
      %dma_wait3A_45 = tpu.memref_slice %arg19[%add3A_14, %dma_wait3A] : memref<10240x128xf32, #tpu.memory_space<vmem_shared>> -> memref<128x128xf32, #tpu.memory_space<vmem_shared>>
      %dma_wait3A_46 = arith.constant 0 : i32
      %dma_wait3A_47 = tpu.memref_slice %arg19[%add3A_14, %dma_wait3A_46] : memref<10240x128xf32, #tpu.memory_space<vmem_shared>> -> memref<128x128xf32, #tpu.memory_space<vmem_shared>>
      tpu.wait_dma2 semaphore(%run_scoped3A : memref<!tpu.dma_semaphore, #tpu.memory_space<semaphore_mem>>) src(%arg18 : memref<128x128xf32, #tpu.memory_space<vmem>>) dst(%dma_wait3A_47 : memref<128x128xf32, #tpu.memory_space<vmem_shared>>)
      tpu.yield
    }) : () -> ()
    %mul3A_15 = arith.constant 640 : i32
    %mul3A_16 = arith.muli %arg1, %mul3A_15 : i32
    %add3A_17 = arith.constant 256 : i32
    %add3A_18 = arith.addi %mul3A_16, %add3A_17 : i32
    "tpu.region"() ({
      %run_scoped3A = tpu.sem_alloc : memref<!tpu.dma_semaphore, #tpu.memory_space<semaphore_mem>>
      %dma_start3A = arith.constant 0 : i32
      %dma_start3A_42 = tpu.memref_slice %arg19[%add3A_18, %dma_start3A] : memref<10240x128xf32, #tpu.memory_space<vmem_shared>> -> memref<128x128xf32, #tpu.memory_space<vmem_shared>>
      %dma_start3A_43 = arith.constant 0 : i32
      %dma_start3A_44 = tpu.memref_slice %arg19[%add3A_18, %dma_start3A_43] : memref<10240x128xf32, #tpu.memory_space<vmem_shared>> -> memref<128x128xf32, #tpu.memory_space<vmem_shared>>
      tpu.enqueue_dma source(%arg18 : memref<128x128xf32, #tpu.memory_space<vmem>>) target(%dma_start3A_44 : memref<128x128xf32, #tpu.memory_space<vmem_shared>>) target_semaphore(%run_scoped3A : memref<!tpu.dma_semaphore, #tpu.memory_space<semaphore_mem>>)
      %dma_wait3A = arith.constant 0 : i32
      %dma_wait3A_45 = tpu.memref_slice %arg19[%add3A_18, %dma_wait3A] : memref<10240x128xf32, #tpu.memory_space<vmem_shared>> -> memref<128x128xf32, #tpu.memory_space<vmem_shared>>
      %dma_wait3A_46 = arith.constant 0 : i32
      %dma_wait3A_47 = tpu.memref_slice %arg19[%add3A_18, %dma_wait3A_46] : memref<10240x128xf32, #tpu.memory_space<vmem_shared>> -> memref<128x128xf32, #tpu.memory_space<vmem_shared>>
      tpu.wait_dma2 semaphore(%run_scoped3A : memref<!tpu.dma_semaphore, #tpu.memory_space<semaphore_mem>>) src(%arg18 : memref<128x128xf32, #tpu.memory_space<vmem>>) dst(%dma_wait3A_47 : memref<128x128xf32, #tpu.memory_space<vmem_shared>>)
      tpu.yield
    }) : () -> ()
    %mul3A_19 = arith.constant 640 : i32
    %mul3A_20 = arith.muli %arg1, %mul3A_19 : i32
    %add3A_21 = arith.constant 384 : i32
    %add3A_22 = arith.addi %mul3A_20, %add3A_21 : i32
    "tpu.region"() ({
      %run_scoped3A = tpu.sem_alloc : memref<!tpu.dma_semaphore, #tpu.memory_space<semaphore_mem>>
      %dma_start3A = arith.constant 0 : i32
      %dma_start3A_42 = tpu.memref_slice %arg19[%add3A_22, %dma_start3A] : memref<10240x128xf32, #tpu.memory_space<vmem_shared>> -> memref<128x128xf32, #tpu.memory_space<vmem_shared>>
      %dma_start3A_43 = arith.constant 0 : i32
      %dma_start3A_44 = tpu.memref_slice %arg19[%add3A_22, %dma_start3A_43] : memref<10240x128xf32, #tpu.memory_space<vmem_shared>> -> memref<128x128xf32, #tpu.memory_space<vmem_shared>>
      tpu.enqueue_dma source(%arg18 : memref<128x128xf32, #tpu.memory_space<vmem>>) target(%dma_start3A_44 : memref<128x128xf32, #tpu.memory_space<vmem_shared>>) target_semaphore(%run_scoped3A : memref<!tpu.dma_semaphore, #tpu.memory_space<semaphore_mem>>)
      %dma_wait3A = arith.constant 0 : i32
      %dma_wait3A_45 = tpu.memref_slice %arg19[%add3A_22, %dma_wait3A] : memref<10240x128xf32, #tpu.memory_space<vmem_shared>> -> memref<128x128xf32, #tpu.memory_space<vmem_shared>>
      %dma_wait3A_46 = arith.constant 0 : i32
      %dma_wait3A_47 = tpu.memref_slice %arg19[%add3A_22, %dma_wait3A_46] : memref<10240x128xf32, #tpu.memory_space<vmem_shared>> -> memref<128x128xf32, #tpu.memory_space<vmem_shared>>
      tpu.wait_dma2 semaphore(%run_scoped3A : memref<!tpu.dma_semaphore, #tpu.memory_space<semaphore_mem>>) src(%arg18 : memref<128x128xf32, #tpu.memory_space<vmem>>) dst(%dma_wait3A_47 : memref<128x128xf32, #tpu.memory_space<vmem_shared>>)
      tpu.yield
    }) : () -> ()
    %mul3A_23 = arith.constant 640 : i32
    %mul3A_24 = arith.muli %arg1, %mul3A_23 : i32
    %add3A_25 = arith.constant 512 : i32
    %add3A_26 = arith.addi %mul3A_24, %add3A_25 : i32
    "tpu.region"() ({
      %run_scoped3A = tpu.sem_alloc : memref<!tpu.dma_semaphore, #tpu.memory_space<semaphore_mem>>
      %dma_start3A = arith.constant 0 : i32
      %dma_start3A_42 = tpu.memref_slice %arg19[%add3A_26, %dma_start3A] : memref<10240x128xf32, #tpu.memory_space<vmem_shared>> -> memref<128x128xf32, #tpu.memory_space<vmem_shared>>
      %dma_start3A_43 = arith.constant 0 : i32
      %dma_start3A_44 = tpu.memref_slice %arg19[%add3A_26, %dma_start3A_43] : memref<10240x128xf32, #tpu.memory_space<vmem_shared>> -> memref<128x128xf32, #tpu.memory_space<vmem_shared>>
      tpu.enqueue_dma source(%arg18 : memref<128x128xf32, #tpu.memory_space<vmem>>) target(%dma_start3A_44 : memref<128x128xf32, #tpu.memory_space<vmem_shared>>) target_semaphore(%run_scoped3A : memref<!tpu.dma_semaphore, #tpu.memory_space<semaphore_mem>>)
      %dma_wait3A = arith.constant 0 : i32
      %dma_wait3A_45 = tpu.memref_slice %arg19[%add3A_26, %dma_wait3A] : memref<10240x128xf32, #tpu.memory_space<vmem_shared>> -> memref<128x128xf32, #tpu.memory_space<vmem_shared>>
      %dma_wait3A_46 = arith.constant 0 : i32
      %dma_wait3A_47 = tpu.memref_slice %arg19[%add3A_26, %dma_wait3A_46] : memref<10240x128xf32, #tpu.memory_space<vmem_shared>> -> memref<128x128xf32, #tpu.memory_space<vmem_shared>>
      tpu.wait_dma2 semaphore(%run_scoped3A : memref<!tpu.dma_semaphore, #tpu.memory_space<semaphore_mem>>) src(%arg18 : memref<128x128xf32, #tpu.memory_space<vmem>>) dst(%dma_wait3A_47 : memref<128x128xf32, #tpu.memory_space<vmem_shared>>)
      tpu.yield
    }) : () -> ()
    %barrier3A = arith.constant 0 : index
    tpu.barrier barrier_id(%barrier3A)
    %scan3A_27 = arith.constant 0 : i32
    %scan3A_28 = arith.constant 0 : i32
    %scan3A_29 = arith.constant 160 : i32
    %scan3A_30 = arith.addi %scan3A_28, %scan3A_29 : i32
    %scan3A_31 = arith.constant 1 : i32
    %scan3A_32 = scf.for %scan3A_42 = %scan3A_28 to %scan3A_30 step %scan3A_31 iter_args(%scan3A_43 = %scan3A_27) -> (i32)  : i32 {
      %mul3A_44 = arith.constant 16 : i32
      %mul3A_45 = arith.muli %scan3A_42, %mul3A_44 : i32
      %add3A_46 = arith.addi %arg1, %mul3A_45 : i32
      %mul3A_47 = arith.constant 327680 : i32
      %mul3A_48 = arith.muli %arg0, %mul3A_47 : i32
      %mul3A_49 = arith.constant 128 : i32
      %mul3A_50 = arith.muli %add3A_46, %mul3A_49 : i32
      %add3A_51 = arith.addi %mul3A_48, %mul3A_50 : i32
      %dma_start3A = tpu.memref_slice %arg3[%add3A_51] : memref<655360xi32, #tpu.memory_space<hbm>> -> memref<128xi32, #tpu.memory_space<hbm>>
      %dma_start3A_52 = tpu.memref_slice %arg3[%add3A_51] : memref<655360xi32, #tpu.memory_space<hbm>> -> memref<128xi32, #tpu.memory_space<hbm>>
      tpu.enqueue_dma source(%dma_start3A_52 : memref<128xi32, #tpu.memory_space<hbm>>) target(%arg6 : memref<128xi32, #tpu.memory_space<vmem>>) target_semaphore(%arg20 : memref<!tpu.dma_semaphore, #tpu.memory_space<semaphore_mem>>)
      %mul3A_53 = arith.constant 128 : i32
      %mul3A_54 = arith.muli %add3A_46, %mul3A_53 : i32
      %dma_start3A_55 = tpu.memref_slice %arg4[%mul3A_54] : memref<327680xi32, #tpu.memory_space<hbm>> -> memref<128xi32, #tpu.memory_space<hbm>>
      %dma_start3A_56 = tpu.memref_slice %arg4[%mul3A_54] : memref<327680xi32, #tpu.memory_space<hbm>> -> memref<128xi32, #tpu.memory_space<hbm>>
      tpu.enqueue_dma source(%dma_start3A_56 : memref<128xi32, #tpu.memory_space<hbm>>) target(%arg10 : memref<128xi32, #tpu.memory_space<vmem>>) target_semaphore(%arg20 : memref<!tpu.dma_semaphore, #tpu.memory_space<semaphore_mem>>)
      %dma_wait3A = tpu.memref_slice %arg3[%add3A_51] : memref<655360xi32, #tpu.memory_space<hbm>> -> memref<128xi32, #tpu.memory_space<hbm>>
      %dma_wait3A_57 = tpu.memref_slice %arg3[%add3A_51] : memref<655360xi32, #tpu.memory_space<hbm>> -> memref<128xi32, #tpu.memory_space<hbm>>
      tpu.wait_dma2 semaphore(%arg20 : memref<!tpu.dma_semaphore, #tpu.memory_space<semaphore_mem>>) src(%dma_wait3A_57 : memref<128xi32, #tpu.memory_space<hbm>>) dst(%arg6 : memref<128xi32, #tpu.memory_space<vmem>>)
      %dma_wait3A_58 = tpu.memref_slice %arg4[%mul3A_54] : memref<327680xi32, #tpu.memory_space<hbm>> -> memref<128xi32, #tpu.memory_space<hbm>>
      %dma_wait3A_59 = tpu.memref_slice %arg4[%mul3A_54] : memref<327680xi32, #tpu.memory_space<hbm>> -> memref<128xi32, #tpu.memory_space<hbm>>
      tpu.wait_dma2 semaphore(%arg20 : memref<!tpu.dma_semaphore, #tpu.memory_space<semaphore_mem>>) src(%dma_wait3A_59 : memref<128xi32, #tpu.memory_space<hbm>>) dst(%arg10 : memref<128xi32, #tpu.memory_space<vmem>>)
      %dma_start3A_60 = arith.constant 0 : i32
      %dma_start3A_61 = arith.constant 0 : i32
      %dma_start3A_62 = tpu.memref_slice %arg2[%dma_start3A_60, %dma_start3A_61] : memref<10000x128xf32, #tpu.memory_space<hbm>> -> memref<10000x128xf32, #tpu.memory_space<hbm>>
      tpu.enqueue_indirect_dma source(%dma_start3A_62 : memref<10000x128xf32, #tpu.memory_space<hbm>>) target(%arg14 : memref<128x128xf32, #tpu.memory_space<vmem>>) offsets(%arg6 : memref<128xi32, #tpu.memory_space<vmem>>) semaphore(%arg21 : memref<!tpu.dma_semaphore, #tpu.memory_space<semaphore_mem>>)
      %dma_wait3A_63 = arith.constant 0 : i32
      %dma_wait3A_64 = arith.constant 0 : i32
      %dma_wait3A_65 = tpu.memref_slice %arg2[%dma_wait3A_63, %dma_wait3A_64] : memref<10000x128xf32, #tpu.memory_space<hbm>> -> memref<10000x128xf32, #tpu.memory_space<hbm>>
      tpu.wait_indirect_dma semaphore(%arg21 : memref<!tpu.dma_semaphore, #tpu.memory_space<semaphore_mem>>) src(%dma_wait3A_65 : memref<10000x128xf32, #tpu.memory_space<hbm>>) dst(%arg14 : memref<128x128xf32, #tpu.memory_space<vmem>>)
      "tpu.region"() ({
        %run_scoped3A = tpu.sem_alloc : memref<!tpu.dma_semaphore, #tpu.memory_space<semaphore_mem>>
        %dma_start3A_67 = arith.constant 0 : i32
        %dma_start3A_68 = arith.constant 0 : i32
        %dma_start3A_69 = tpu.memref_slice %arg19[%dma_start3A_67, %dma_start3A_68] : memref<10240x128xf32, #tpu.memory_space<vmem_shared>> -> memref<10240x128xf32, #tpu.memory_space<vmem_shared>>
        tpu.enqueue_indirect_dma source(%arg14 : memref<128x128xf32, #tpu.memory_space<vmem>>) target(%dma_start3A_69 : memref<10240x128xf32, #tpu.memory_space<vmem_shared>>) offsets(%arg10 : memref<128xi32, #tpu.memory_space<vmem>>) semaphore(%run_scoped3A : memref<!tpu.dma_semaphore, #tpu.memory_space<semaphore_mem>>) {add = true}
        %dma_wait3A_70 = arith.constant 0 : i32
        %dma_wait3A_71 = arith.constant 0 : i32
        %dma_wait3A_72 = tpu.memref_slice %arg19[%dma_wait3A_70, %dma_wait3A_71] : memref<10240x128xf32, #tpu.memory_space<vmem_shared>> -> memref<10240x128xf32, #tpu.memory_space<vmem_shared>>
        tpu.wait_indirect_dma semaphore(%run_scoped3A : memref<!tpu.dma_semaphore, #tpu.memory_space<semaphore_mem>>) src(%arg14 : memref<128x128xf32, #tpu.memory_space<vmem>>) dst(%dma_wait3A_72 : memref<10240x128xf32, #tpu.memory_space<vmem_shared>>)
        tpu.yield
      }) : () -> ()
      %scan3A_66 = arith.constant 0 : i32
      scf.yield %scan3A_66 : i32
    }
    %scan3A_33 = arith.constant 160 : i32
    %barrier3A_34 = arith.constant 0 : index
    tpu.barrier barrier_id(%barrier3A_34)
    %mul3A_35 = arith.constant 640 : i32
    %mul3A_36 = arith.muli %arg1, %mul3A_35 : i32
    %mul3A_37 = arith.constant 10240 : i32
    %mul3A_38 = arith.muli %arg0, %mul3A_37 : i32
    %mul3A_39 = arith.constant 640 : i32
    %mul3A_40 = arith.muli %arg1, %mul3A_39 : i32
    %add3A_41 = arith.addi %mul3A_38, %mul3A_40 : i32
    "tpu.region"() ({
      %run_scoped3A = tpu.sem_alloc : memref<!tpu.dma_semaphore, #tpu.memory_space<semaphore_mem>>
      %dma_start3A = arith.constant 0 : i32
      %dma_start3A_42 = tpu.memref_slice %arg5[%add3A_41, %dma_start3A] : memref<20480x128xf32, #tpu.memory_space<hbm>> -> memref<640x128xf32, #tpu.memory_space<hbm>>
      %dma_start3A_43 = arith.constant 0 : i32
      %dma_start3A_44 = tpu.memref_slice %arg19[%mul3A_36, %dma_start3A_43] : memref<10240x128xf32, #tpu.memory_space<vmem_shared>> -> memref<640x128xf32, #tpu.memory_space<vmem_shared>>
      tpu.enqueue_dma source(%dma_start3A_44 : memref<640x128xf32, #tpu.memory_space<vmem_shared>>) target(%dma_start3A_42 : memref<640x128xf32, #tpu.memory_space<hbm>>) target_semaphore(%run_scoped3A : memref<!tpu.dma_semaphore, #tpu.memory_space<semaphore_mem>>)
      %dma_wait3A = arith.constant 0 : i32
      %dma_wait3A_45 = tpu.memref_slice %arg5[%add3A_41, %dma_wait3A] : memref<20480x128xf32, #tpu.memory_space<hbm>> -> memref<640x128xf32, #tpu.memory_space<hbm>>
      %dma_wait3A_46 = arith.constant 0 : i32
      %dma_wait3A_47 = tpu.memref_slice %arg19[%mul3A_36, %dma_wait3A_46] : memref<10240x128xf32, #tpu.memory_space<vmem_shared>> -> memref<640x128xf32, #tpu.memory_space<vmem_shared>>
      tpu.wait_dma2 semaphore(%run_scoped3A : memref<!tpu.dma_semaphore, #tpu.memory_space<semaphore_mem>>) src(%dma_wait3A_47 : memref<640x128xf32, #tpu.memory_space<vmem_shared>>) dst(%dma_wait3A_45 : memref<640x128xf32, #tpu.memory_space<hbm>>)
      tpu.yield
    }) : () -> ()
    return
  }
}

module attributes {stable_mosaic.version = 14 : i64} {
  func.func @body(%arg0: i32, %arg1: memref<480x128xf32, #tpu.memory_space<vmem>>, %arg2: memref<1x128xf32, #tpu.memory_space<vmem>>, %arg3: memref<1x128xf32, #tpu.memory_space<vmem>>, %arg4: memref<480x128xf32, #tpu.memory_space<vmem>>) attributes {dimension_semantics = [#tpu.dimension_semantics<arbitrary>], iteration_bounds = array<i64: 32>, scalar_prefetch = 0 : i64, scratch_operands = 0 : i64, tpu.core_type = #tpu.core_type<tc>, window_params = [{transform_indices = @transform_0, window_bounds = array<i64: 480, 128>}, {pipeline_mode = #tpu.pipeline_mode<synchronous>, transform_indices = @transform_1, window_bounds = array<i64: 1, 128>}, {pipeline_mode = #tpu.pipeline_mode<synchronous>, transform_indices = @transform_2, window_bounds = array<i64: 1, 128>}, {transform_indices = @transform_3, window_bounds = array<i64: 480, 128>}]} {
    %get3A = arith.constant 0 : index
    %get3A_0 = arith.constant 0 : index
    %get3A_1 = vector.load %arg1[%get3A, %get3A_0] : memref<480x128xf32, #tpu.memory_space<vmem>>, vector<480x128xf32>
    %mul3A = arith.constant 3.125000e-02 : f32
    %mul3A_2 = vector.broadcast %mul3A : f32 to vector<480x128xf32>
    %mul3A_3 = arith.mulf %get3A_1, %mul3A_2 : vector<480x128xf32>
    %get3A_4 = arith.constant 0 : index
    %get3A_5 = arith.constant 0 : index
    %get3A_6 = vector.load %arg2[%get3A_4, %get3A_5] : memref<1x128xf32, #tpu.memory_space<vmem>>, vector<1x128xf32>
    %get3A_7 = arith.constant 0 : index
    %get3A_8 = arith.constant 0 : index
    %get3A_9 = vector.load %arg3[%get3A_7, %get3A_8] : memref<1x128xf32, #tpu.memory_space<vmem>>, vector<1x128xf32>
    %reduce_sum3A = arith.constant dense<0.000000e+00> : vector<480xf32>
    %reduce_sum3A_10 = vector.multi_reduction <add>, %mul3A_3, %reduce_sum3A [1] : vector<480x128xf32> to vector<480xf32>
    %broadcast_in_dim3A = vector.shape_cast %reduce_sum3A_10 : vector<480xf32> to vector<480x1xf32>
    %div3A = arith.constant 1.280000e+02 : f32
    %div3A_11 = vector.broadcast %div3A : f32 to vector<480x1xf32>
    %div3A_12 = arith.divf %broadcast_in_dim3A, %div3A_11 : vector<480x1xf32>
    %sub3A = vector.broadcast %div3A_12 : vector<480x1xf32> to vector<480x128xf32>
    %sub3A_13 = arith.subf %mul3A_3, %sub3A : vector<480x128xf32>
    %integer_pow3A = arith.mulf %sub3A_13, %sub3A_13 : vector<480x128xf32>
    %reduce_sum3A_14 = arith.constant dense<0.000000e+00> : vector<480xf32>
    %reduce_sum3A_15 = vector.multi_reduction <add>, %integer_pow3A, %reduce_sum3A_14 [1] : vector<480x128xf32> to vector<480xf32>
    %broadcast_in_dim3A_16 = vector.shape_cast %reduce_sum3A_15 : vector<480xf32> to vector<480x1xf32>
    %div3A_17 = arith.constant 1.280000e+02 : f32
    %div3A_18 = vector.broadcast %div3A_17 : f32 to vector<480x1xf32>
    %div3A_19 = arith.divf %broadcast_in_dim3A_16, %div3A_18 : vector<480x1xf32>
    %sub3A_20 = vector.broadcast %div3A_12 : vector<480x1xf32> to vector<480x128xf32>
    %sub3A_21 = arith.subf %mul3A_3, %sub3A_20 : vector<480x128xf32>
    %add3A = arith.constant 9.99999996E-13 : f32
    %add3A_22 = vector.broadcast %add3A : f32 to vector<480x1xf32>
    %add3A_23 = arith.addf %div3A_19, %add3A_22 : vector<480x1xf32>
    %sqrt3A = math.sqrt %add3A_23 : vector<480x1xf32>
    %div3A_24 = vector.broadcast %sqrt3A : vector<480x1xf32> to vector<480x128xf32>
    %div3A_25 = arith.divf %sub3A_21, %div3A_24 : vector<480x128xf32>
    %mul3A_26 = vector.broadcast %get3A_6 : vector<1x128xf32> to vector<480x128xf32>
    %mul3A_27 = arith.mulf %div3A_25, %mul3A_26 : vector<480x128xf32>
    %add3A_28 = vector.broadcast %get3A_9 : vector<1x128xf32> to vector<480x128xf32>
    %add3A_29 = arith.addf %mul3A_27, %add3A_28 : vector<480x128xf32>
    %swap3A = arith.constant 0 : index
    %swap3A_30 = arith.constant 0 : index
    %swap3A_31 = vector.load %arg4[%swap3A, %swap3A_30] : memref<480x128xf32, #tpu.memory_space<vmem>>, vector<480x128xf32>
    tpu.vector_store %arg4[%swap3A, %swap3A_30], %add3A_29 {strides = array<i32>} : memref<480x128xf32, #tpu.memory_space<vmem>>, vector<480x128xf32>,
    return
  }
  func.func @transform_0(%arg0: i32) -> (i32, i32) {
    %c0_i32 = arith.constant 0 : i32
    %c0_i32_0 = arith.constant 0 : i32
    return %arg0, %c0_i32 : i32, i32
  }
  func.func @transform_1(%arg0: i32) -> (i32, i32) {
    %c0_i32 = arith.constant 0 : i32
    %c0_i32_0 = arith.constant 0 : i32
    %c0_i32_1 = arith.constant 0 : i32
    return %c0_i32, %c0_i32_0 : i32, i32
  }
  func.func @transform_2(%arg0: i32) -> (i32, i32) {
    %c0_i32 = arith.constant 0 : i32
    %c0_i32_0 = arith.constant 0 : i32
    %c0_i32_1 = arith.constant 0 : i32
    return %c0_i32, %c0_i32_0 : i32, i32
  }
  func.func @transform_3(%arg0: i32) -> (i32, i32) {
    %c0_i32 = arith.constant 0 : i32
    %c0_i32_0 = arith.constant 0 : i32
    return %arg0, %c0_i32 : i32, i32
  }
}

module attributes {stable_mosaic.version = 14 : i64} {
  func.func @body(%arg0: i32, %arg1: memref<400x128xf32, #tpu.memory_space<vmem>>, %arg2: memref<128x128xf32, #tpu.memory_space<vmem>>, %arg3: memref<128x128xf32, #tpu.memory_space<vmem>>, %arg4: memref<1x128xf32, #tpu.memory_space<vmem>>, %arg5: memref<128x4xf32, #tpu.memory_space<vmem>>, %arg6: memref<2x400x128xf32, #tpu.memory_space<vmem>>) attributes {dimension_semantics = [#tpu.dimension_semantics<arbitrary>], iteration_bounds = array<i64: 25>, scalar_prefetch = 0 : i64, scratch_operands = 0 : i64, tpu.core_type = #tpu.core_type<tc>, window_params = [{transform_indices = @transform_0, window_bounds = array<i64: 400, 128>}, {pipeline_mode = #tpu.pipeline_mode<synchronous>, transform_indices = @transform_1, window_bounds = array<i64: 128, 128>}, {pipeline_mode = #tpu.pipeline_mode<synchronous>, transform_indices = @transform_2, window_bounds = array<i64: 128, 128>}, {pipeline_mode = #tpu.pipeline_mode<synchronous>, transform_indices = @transform_3, window_bounds = array<i64: 1, 128>}, {pipeline_mode = #tpu.pipeline_mode<synchronous>, transform_indices = @transform_4, window_bounds = array<i64: 128, 4>}, {transform_indices = @transform_5, window_bounds = array<i64: 2, 400, 128>}]} {
    %get3A = arith.constant 0 : index
    %get3A_0 = arith.constant 0 : index
    %get3A_1 = vector.load %arg1[%get3A, %get3A_0] : memref<400x128xf32, #tpu.memory_space<vmem>>, vector<400x128xf32>
    %get3A_2 = arith.constant 0 : index
    %get3A_3 = arith.constant 0 : index
    %get3A_4 = vector.load %arg2[%get3A_2, %get3A_3] : memref<128x128xf32, #tpu.memory_space<vmem>>, vector<128x128xf32>
    %dot_general3A = arith.constant dense<0.000000e+00> : vector<400x128xf32>
    %dot_general3A_5 = tpu.matmul %get3A_1, %get3A_4, %dot_general3A {dimension_numbers = #tpu.dot_dimension_numbers<[1], [0], [0], [1], [0, 0, 1, 1], [], []>, transpose_lhs_hint = false} : vector<400x128xf32>, vector<128x128xf32>, vector<400x128xf32> -> vector<400x128xf32>
    %get3A_6 = arith.constant 0 : index
    %get3A_7 = arith.constant 0 : index
    %get3A_8 = vector.load %arg3[%get3A_6, %get3A_7] : memref<128x128xf32, #tpu.memory_space<vmem>>, vector<128x128xf32>
    %dot_general3A_9 = arith.constant dense<0.000000e+00> : vector<400x128xf32>
    %dot_general3A_10 = tpu.matmul %get3A_1, %get3A_8, %dot_general3A_9 {dimension_numbers = #tpu.dot_dimension_numbers<[1], [0], [0], [1], [0, 0, 1, 1], [], []>, transpose_lhs_hint = false} : vector<400x128xf32>, vector<128x128xf32>, vector<400x128xf32> -> vector<400x128xf32>
    %get3A_11 = arith.constant 0 : index
    %get3A_12 = arith.constant 0 : index
    %get3A_13 = vector.load %arg4[%get3A_11, %get3A_12] : memref<1x128xf32, #tpu.memory_space<vmem>>, vector<1x128xf32>
    %mul3A = vector.broadcast %get3A_13 : vector<1x128xf32> to vector<400x128xf32>
    %mul3A_14 = arith.mulf %dot_general3A_5, %mul3A : vector<400x128xf32>
    %get3A_15 = arith.constant 0 : index
    %get3A_16 = arith.constant 0 : index
    %get3A_17 = vector.load %arg5[%get3A_15, %get3A_16] : memref<128x4xf32, #tpu.memory_space<vmem>>, vector<128x4xf32>
    %dot_general3A_18 = arith.constant dense<0.000000e+00> : vector<400x4xf32>
    %dot_general3A_19 = tpu.matmul %mul3A_14, %get3A_17, %dot_general3A_18 {dimension_numbers = #tpu.dot_dimension_numbers<[1], [0], [0], [1], [0, 0, 1, 1], [], []>, transpose_lhs_hint = false} : vector<400x128xf32>, vector<128x4xf32>, vector<400x4xf32> -> vector<400x4xf32>
    %mul3A_20 = arith.constant 0.176776692 : f32
    %mul3A_21 = vector.broadcast %mul3A_20 : f32 to vector<400x4xf32>
    %mul3A_22 = arith.mulf %dot_general3A_19, %mul3A_21 : vector<400x4xf32>
    %exp3A = math.exp %mul3A_22 : vector<400x4xf32>
    %broadcast_in_dim3A = arith.constant 0.000000e+00 : f32
    %broadcast_in_dim3A_23 = vector.broadcast %broadcast_in_dim3A : f32 to vector<400x62xf32>
    %slice3A = vector.extract_strided_slice %dot_general3A_10 {offsets = [0, 0], sizes = [400, 32], strides = [1, 1]} : vector<400x128xf32> to vector<400x32xf32>
    %slice3A_24 = vector.extract_strided_slice %exp3A {offsets = [0, 0], sizes = [400, 1], strides = [1, 1]} : vector<400x4xf32> to vector<400x1xf32>
    %mul3A_25 = vector.broadcast %slice3A_24 : vector<400x1xf32> to vector<400x32xf32>
    %mul3A_26 = arith.mulf %slice3A, %mul3A_25 : vector<400x32xf32>
    %slice3A_27 = vector.extract_strided_slice %dot_general3A_10 {offsets = [0, 32], sizes = [400, 32], strides = [1, 1]} : vector<400x128xf32> to vector<400x32xf32>
    %slice3A_28 = vector.extract_strided_slice %exp3A {offsets = [0, 1], sizes = [400, 1], strides = [1, 1]} : vector<400x4xf32> to vector<400x1xf32>
    %mul3A_29 = vector.broadcast %slice3A_28 : vector<400x1xf32> to vector<400x32xf32>
    %mul3A_30 = arith.mulf %slice3A_27, %mul3A_29 : vector<400x32xf32>
    %slice3A_31 = vector.extract_strided_slice %exp3A {offsets = [0, 0], sizes = [400, 2], strides = [1, 1]} : vector<400x4xf32> to vector<400x2xf32>
    %concatenate3A = tpu.concatenate %mul3A_26, %mul3A_30, %slice3A_31, %broadcast_in_dim3A_23 in 1 : vector<400x32xf32>, vector<400x32xf32>, vector<400x2xf32>, vector<400x62xf32> -> vector<400x128xf32>
    %swap3A = arith.constant 0 : index
    %swap3A_32 = arith.constant 0 : index
    %swap3A_33 = arith.constant 0 : index
    %swap3A_34 = vector.load %arg6[%swap3A, %swap3A_32, %swap3A_33] : memref<2x400x128xf32, #tpu.memory_space<vmem>>, vector<1x400x128xf32>
    %swap3A_35 = vector.shape_cast %swap3A_34 : vector<1x400x128xf32> to vector<400x128xf32>
    %swap3A_36 = vector.shape_cast %concatenate3A : vector<400x128xf32> to vector<1x400x128xf32>
    tpu.vector_store %arg6[%swap3A, %swap3A_32, %swap3A_33], %swap3A_36 {strides = array<i32>} : memref<2x400x128xf32, #tpu.memory_space<vmem>>, vector<1x400x128xf32>,
    %slice3A_37 = vector.extract_strided_slice %dot_general3A_10 {offsets = [0, 64], sizes = [400, 32], strides = [1, 1]} : vector<400x128xf32> to vector<400x32xf32>
    %slice3A_38 = vector.extract_strided_slice %exp3A {offsets = [0, 2], sizes = [400, 1], strides = [1, 1]} : vector<400x4xf32> to vector<400x1xf32>
    %mul3A_39 = vector.broadcast %slice3A_38 : vector<400x1xf32> to vector<400x32xf32>
    %mul3A_40 = arith.mulf %slice3A_37, %mul3A_39 : vector<400x32xf32>
    %slice3A_41 = vector.extract_strided_slice %dot_general3A_10 {offsets = [0, 96], sizes = [400, 32], strides = [1, 1]} : vector<400x128xf32> to vector<400x32xf32>
    %slice3A_42 = vector.extract_strided_slice %exp3A {offsets = [0, 3], sizes = [400, 1], strides = [1, 1]} : vector<400x4xf32> to vector<400x1xf32>
    %mul3A_43 = vector.broadcast %slice3A_42 : vector<400x1xf32> to vector<400x32xf32>
    %mul3A_44 = arith.mulf %slice3A_41, %mul3A_43 : vector<400x32xf32>
    %slice3A_45 = vector.extract_strided_slice %exp3A {offsets = [0, 2], sizes = [400, 2], strides = [1, 1]} : vector<400x4xf32> to vector<400x2xf32>
    %concatenate3A_46 = tpu.concatenate %mul3A_40, %mul3A_44, %slice3A_45, %broadcast_in_dim3A_23 in 1 : vector<400x32xf32>, vector<400x32xf32>, vector<400x2xf32>, vector<400x62xf32> -> vector<400x128xf32>
    %swap3A_47 = arith.constant 1 : index
    %swap3A_48 = arith.constant 0 : index
    %swap3A_49 = arith.constant 0 : index
    %swap3A_50 = vector.load %arg6[%swap3A_47, %swap3A_48, %swap3A_49] : memref<2x400x128xf32, #tpu.memory_space<vmem>>, vector<1x400x128xf32>
    %swap3A_51 = vector.shape_cast %swap3A_50 : vector<1x400x128xf32> to vector<400x128xf32>
    %swap3A_52 = vector.shape_cast %concatenate3A_46 : vector<400x128xf32> to vector<1x400x128xf32>
    tpu.vector_store %arg6[%swap3A_47, %swap3A_48, %swap3A_49], %swap3A_52 {strides = array<i32>} : memref<2x400x128xf32, #tpu.memory_space<vmem>>, vector<1x400x128xf32>,
    return
  }
  func.func @transform_0(%arg0: i32) -> (i32, i32) {
    %c0_i32 = arith.constant 0 : i32
    %c0_i32_0 = arith.constant 0 : i32
    return %arg0, %c0_i32 : i32, i32
  }
  func.func @transform_1(%arg0: i32) -> (i32, i32) {
    %c0_i32 = arith.constant 0 : i32
    %c0_i32_0 = arith.constant 0 : i32
    %c0_i32_1 = arith.constant 0 : i32
    return %c0_i32, %c0_i32_0 : i32, i32
  }
  func.func @transform_2(%arg0: i32) -> (i32, i32) {
    %c0_i32 = arith.constant 0 : i32
    %c0_i32_0 = arith.constant 0 : i32
    %c0_i32_1 = arith.constant 0 : i32
    return %c0_i32, %c0_i32_0 : i32, i32
  }
  func.func @transform_3(%arg0: i32) -> (i32, i32) {
    %c0_i32 = arith.constant 0 : i32
    %c0_i32_0 = arith.constant 0 : i32
    %c0_i32_1 = arith.constant 0 : i32
    return %c0_i32, %c0_i32_0 : i32, i32
  }
  func.func @transform_4(%arg0: i32) -> (i32, i32) {
    %c0_i32 = arith.constant 0 : i32
    %c0_i32_0 = arith.constant 0 : i32
    %c0_i32_1 = arith.constant 0 : i32
    return %c0_i32, %c0_i32_0 : i32, i32
  }
  func.func @transform_5(%arg0: i32) -> (i32, i32, i32) {
    %c0_i32 = arith.constant 0 : i32
    %c0_i32_0 = arith.constant 0 : i32
    %c0_i32_1 = arith.constant 0 : i32
    return %c0_i32, %arg0, %c0_i32_0 : i32, i32, i32
  }
}

module attributes {stable_mosaic.version = 14 : i64} {
  func.func @body(%arg0: i32, %arg1: memref<400x128xf32, #tpu.memory_space<vmem>>, %arg2: memref<400x128xf32, #tpu.memory_space<vmem>>, %arg3: memref<400x128xf32, #tpu.memory_space<vmem>>) attributes {dimension_semantics = [#tpu.dimension_semantics<arbitrary>], iteration_bounds = array<i64: 25>, scalar_prefetch = 0 : i64, scratch_operands = 0 : i64, tpu.core_type = #tpu.core_type<tc>, window_params = [{transform_indices = @transform_0, window_bounds = array<i64: 400, 128>}, {transform_indices = @transform_1, window_bounds = array<i64: 400, 128>}, {transform_indices = @transform_2, window_bounds = array<i64: 400, 128>}]} {
    %get3A = arith.constant 0 : index
    %get3A_0 = arith.constant 0 : index
    %get3A_1 = vector.load %arg1[%get3A, %get3A_0] : memref<400x128xf32, #tpu.memory_space<vmem>>, vector<400x128xf32>
    %slice3A = vector.extract_strided_slice %get3A_1 {offsets = [0, 0], sizes = [400, 32], strides = [1, 1]} : vector<400x128xf32> to vector<400x32xf32>
    %slice3A_2 = vector.extract_strided_slice %get3A_1 {offsets = [0, 64], sizes = [400, 1], strides = [1, 1]} : vector<400x128xf32> to vector<400x1xf32>
    %add3A = arith.constant 9.99999971E-10 : f32
    %add3A_3 = vector.broadcast %add3A : f32 to vector<400x1xf32>
    %add3A_4 = arith.addf %slice3A_2, %add3A_3 : vector<400x1xf32>
    %div3A = vector.broadcast %add3A_4 : vector<400x1xf32> to vector<400x32xf32>
    %div3A_5 = arith.divf %slice3A, %div3A : vector<400x32xf32>
    %slice3A_6 = vector.extract_strided_slice %get3A_1 {offsets = [0, 32], sizes = [400, 32], strides = [1, 1]} : vector<400x128xf32> to vector<400x32xf32>
    %slice3A_7 = vector.extract_strided_slice %get3A_1 {offsets = [0, 65], sizes = [400, 1], strides = [1, 1]} : vector<400x128xf32> to vector<400x1xf32>
    %add3A_8 = arith.constant 9.99999971E-10 : f32
    %add3A_9 = vector.broadcast %add3A_8 : f32 to vector<400x1xf32>
    %add3A_10 = arith.addf %slice3A_7, %add3A_9 : vector<400x1xf32>
    %div3A_11 = vector.broadcast %add3A_10 : vector<400x1xf32> to vector<400x32xf32>
    %div3A_12 = arith.divf %slice3A_6, %div3A_11 : vector<400x32xf32>
    %get3A_13 = arith.constant 0 : index
    %get3A_14 = arith.constant 0 : index
    %get3A_15 = vector.load %arg2[%get3A_13, %get3A_14] : memref<400x128xf32, #tpu.memory_space<vmem>>, vector<400x128xf32>
    %slice3A_16 = vector.extract_strided_slice %get3A_15 {offsets = [0, 0], sizes = [400, 32], strides = [1, 1]} : vector<400x128xf32> to vector<400x32xf32>
    %slice3A_17 = vector.extract_strided_slice %get3A_15 {offsets = [0, 64], sizes = [400, 1], strides = [1, 1]} : vector<400x128xf32> to vector<400x1xf32>
    %add3A_18 = arith.constant 9.99999971E-10 : f32
    %add3A_19 = vector.broadcast %add3A_18 : f32 to vector<400x1xf32>
    %add3A_20 = arith.addf %slice3A_17, %add3A_19 : vector<400x1xf32>
    %div3A_21 = vector.broadcast %add3A_20 : vector<400x1xf32> to vector<400x32xf32>
    %div3A_22 = arith.divf %slice3A_16, %div3A_21 : vector<400x32xf32>
    %slice3A_23 = vector.extract_strided_slice %get3A_15 {offsets = [0, 32], sizes = [400, 32], strides = [1, 1]} : vector<400x128xf32> to vector<400x32xf32>
    %slice3A_24 = vector.extract_strided_slice %get3A_15 {offsets = [0, 65], sizes = [400, 1], strides = [1, 1]} : vector<400x128xf32> to vector<400x1xf32>
    %add3A_25 = arith.constant 9.99999971E-10 : f32
    %add3A_26 = vector.broadcast %add3A_25 : f32 to vector<400x1xf32>
    %add3A_27 = arith.addf %slice3A_24, %add3A_26 : vector<400x1xf32>
    %div3A_28 = vector.broadcast %add3A_27 : vector<400x1xf32> to vector<400x32xf32>
    %div3A_29 = arith.divf %slice3A_23, %div3A_28 : vector<400x32xf32>
    %concatenate3A = tpu.concatenate %div3A_5, %div3A_12, %div3A_22, %div3A_29 in 1 : vector<400x32xf32>, vector<400x32xf32>, vector<400x32xf32>, vector<400x32xf32> -> vector<400x128xf32>
    %swap3A = arith.constant 0 : index
    %swap3A_30 = arith.constant 0 : index
    %swap3A_31 = vector.load %arg3[%swap3A, %swap3A_30] : memref<400x128xf32, #tpu.memory_space<vmem>>, vector<400x128xf32>
    tpu.vector_store %arg3[%swap3A, %swap3A_30], %concatenate3A {strides = array<i32>} : memref<400x128xf32, #tpu.memory_space<vmem>>, vector<400x128xf32>,
    return
  }
  func.func @transform_0(%arg0: i32) -> (i32, i32) {
    %c0_i32 = arith.constant 0 : i32
    %c0_i32_0 = arith.constant 0 : i32
    return %arg0, %c0_i32 : i32, i32
  }
  func.func @transform_1(%arg0: i32) -> (i32, i32) {
    %c0_i32 = arith.constant 0 : i32
    %c0_i32_0 = arith.constant 0 : i32
    return %arg0, %c0_i32 : i32, i32
  }
  func.func @transform_2(%arg0: i32) -> (i32, i32) {
    %c0_i32 = arith.constant 0 : i32
    %c0_i32_0 = arith.constant 0 : i32
    return %arg0, %c0_i32 : i32, i32
  }
}

module attributes {stable_mosaic.version = 14 : i64} {
  func.func @body(%arg0: i32, %arg1: memref<200x128xf32, #tpu.memory_space<vmem>>, %arg2: memref<200x128xf32, #tpu.memory_space<vmem>>, %arg3: memref<200x128xf32, #tpu.memory_space<vmem>>) attributes {dimension_semantics = [#tpu.dimension_semantics<arbitrary>], iteration_bounds = array<i64: 25>, scalar_prefetch = 0 : i64, scratch_operands = 0 : i64, tpu.core_type = #tpu.core_type<tc>, window_params = [{transform_indices = @transform_0, window_bounds = array<i64: 200, 128>}, {transform_indices = @transform_1, window_bounds = array<i64: 200, 128>}, {transform_indices = @transform_2, window_bounds = array<i64: 200, 128>}]} {
    %get3A = arith.constant 0 : index
    %get3A_0 = arith.constant 0 : index
    %get3A_1 = vector.load %arg1[%get3A, %get3A_0] : memref<200x128xf32, #tpu.memory_space<vmem>>, vector<200x128xf32>
    %slice3A = vector.extract_strided_slice %get3A_1 {offsets = [0, 0], sizes = [200, 32], strides = [1, 1]} : vector<200x128xf32> to vector<200x32xf32>
    %slice3A_2 = vector.extract_strided_slice %get3A_1 {offsets = [0, 64], sizes = [200, 1], strides = [1, 1]} : vector<200x128xf32> to vector<200x1xf32>
    %add3A = arith.constant 9.99999971E-10 : f32
    %add3A_3 = vector.broadcast %add3A : f32 to vector<200x1xf32>
    %add3A_4 = arith.addf %slice3A_2, %add3A_3 : vector<200x1xf32>
    %div3A = vector.broadcast %add3A_4 : vector<200x1xf32> to vector<200x32xf32>
    %div3A_5 = arith.divf %slice3A, %div3A : vector<200x32xf32>
    %slice3A_6 = vector.extract_strided_slice %get3A_1 {offsets = [0, 32], sizes = [200, 32], strides = [1, 1]} : vector<200x128xf32> to vector<200x32xf32>
    %slice3A_7 = vector.extract_strided_slice %get3A_1 {offsets = [0, 65], sizes = [200, 1], strides = [1, 1]} : vector<200x128xf32> to vector<200x1xf32>
    %add3A_8 = arith.constant 9.99999971E-10 : f32
    %add3A_9 = vector.broadcast %add3A_8 : f32 to vector<200x1xf32>
    %add3A_10 = arith.addf %slice3A_7, %add3A_9 : vector<200x1xf32>
    %div3A_11 = vector.broadcast %add3A_10 : vector<200x1xf32> to vector<200x32xf32>
    %div3A_12 = arith.divf %slice3A_6, %div3A_11 : vector<200x32xf32>
    %get3A_13 = arith.constant 0 : index
    %get3A_14 = arith.constant 0 : index
    %get3A_15 = vector.load %arg2[%get3A_13, %get3A_14] : memref<200x128xf32, #tpu.memory_space<vmem>>, vector<200x128xf32>
    %slice3A_16 = vector.extract_strided_slice %get3A_15 {offsets = [0, 0], sizes = [200, 32], strides = [1, 1]} : vector<200x128xf32> to vector<200x32xf32>
    %slice3A_17 = vector.extract_strided_slice %get3A_15 {offsets = [0, 64], sizes = [200, 1], strides = [1, 1]} : vector<200x128xf32> to vector<200x1xf32>
    %add3A_18 = arith.constant 9.99999971E-10 : f32
    %add3A_19 = vector.broadcast %add3A_18 : f32 to vector<200x1xf32>
    %add3A_20 = arith.addf %slice3A_17, %add3A_19 : vector<200x1xf32>
    %div3A_21 = vector.broadcast %add3A_20 : vector<200x1xf32> to vector<200x32xf32>
    %div3A_22 = arith.divf %slice3A_16, %div3A_21 : vector<200x32xf32>
    %slice3A_23 = vector.extract_strided_slice %get3A_15 {offsets = [0, 32], sizes = [200, 32], strides = [1, 1]} : vector<200x128xf32> to vector<200x32xf32>
    %slice3A_24 = vector.extract_strided_slice %get3A_15 {offsets = [0, 65], sizes = [200, 1], strides = [1, 1]} : vector<200x128xf32> to vector<200x1xf32>
    %add3A_25 = arith.constant 9.99999971E-10 : f32
    %add3A_26 = vector.broadcast %add3A_25 : f32 to vector<200x1xf32>
    %add3A_27 = arith.addf %slice3A_24, %add3A_26 : vector<200x1xf32>
    %div3A_28 = vector.broadcast %add3A_27 : vector<200x1xf32> to vector<200x32xf32>
    %div3A_29 = arith.divf %slice3A_23, %div3A_28 : vector<200x32xf32>
    %concatenate3A = tpu.concatenate %div3A_5, %div3A_12, %div3A_22, %div3A_29 in 1 : vector<200x32xf32>, vector<200x32xf32>, vector<200x32xf32>, vector<200x32xf32> -> vector<200x128xf32>
    %swap3A = arith.constant 0 : index
    %swap3A_30 = arith.constant 0 : index
    %swap3A_31 = vector.load %arg3[%swap3A, %swap3A_30] : memref<200x128xf32, #tpu.memory_space<vmem>>, vector<200x128xf32>
    tpu.vector_store %arg3[%swap3A, %swap3A_30], %concatenate3A {strides = array<i32>} : memref<200x128xf32, #tpu.memory_space<vmem>>, vector<200x128xf32>,
    return
  }
  func.func @transform_0(%arg0: i32) -> (i32, i32) {
    %c0_i32 = arith.constant 0 : i32
    %c0_i32_0 = arith.constant 0 : i32
    return %arg0, %c0_i32 : i32, i32
  }
  func.func @transform_1(%arg0: i32) -> (i32, i32) {
    %c0_i32 = arith.constant 0 : i32
    %c0_i32_0 = arith.constant 0 : i32
    return %arg0, %c0_i32 : i32, i32
  }
  func.func @transform_2(%arg0: i32) -> (i32, i32) {
    %c0_i32 = arith.constant 0 : i32
    %c0_i32_0 = arith.constant 0 : i32
    return %arg0, %c0_i32 : i32, i32
  }
}

module attributes {stable_mosaic.version = 14 : i64} {
  func.func @body(%arg0: i32, %arg1: memref<600x128xf32, #tpu.memory_space<vmem>>, %arg2: memref<128x128xf32, #tpu.memory_space<vmem>>, %arg3: memref<1x128xf32, #tpu.memory_space<vmem>>, %arg4: memref<1x128xf32, #tpu.memory_space<vmem>>, %arg5: memref<1x128xf32, #tpu.memory_space<vmem>>, %arg6: memref<128x128xf32, #tpu.memory_space<vmem>>, %arg7: memref<1x128xf32, #tpu.memory_space<vmem>>, %arg8: memref<128x128xf32, #tpu.memory_space<vmem>>, %arg9: memref<1x128xf32, #tpu.memory_space<vmem>>, %arg10: memref<1x128xf32, #tpu.memory_space<vmem>>, %arg11: memref<1x128xf32, #tpu.memory_space<vmem>>, %arg12: memref<600x128xf32, #tpu.memory_space<vmem>>, %arg13: memref<128x128xf32, #tpu.memory_space<vmem>>, %arg14: memref<128x128xf32, #tpu.memory_space<vmem>>, %arg15: memref<1x128xf32, #tpu.memory_space<vmem>>, %arg16: memref<600x128xf32, #tpu.memory_space<vmem>>) attributes {dimension_semantics = [#tpu.dimension_semantics<arbitrary>], iteration_bounds = array<i64: 25>, scalar_prefetch = 0 : i64, scratch_operands = 0 : i64, tpu.core_type = #tpu.core_type<tc>, window_params = [{transform_indices = @transform_0, window_bounds = array<i64: 600, 128>}, {pipeline_mode = #tpu.pipeline_mode<synchronous>, transform_indices = @transform_1, window_bounds = array<i64: 128, 128>}, {pipeline_mode = #tpu.pipeline_mode<synchronous>, transform_indices = @transform_2, window_bounds = array<i64: 1, 128>}, {pipeline_mode = #tpu.pipeline_mode<synchronous>, transform_indices = @transform_3, window_bounds = array<i64: 1, 128>}, {pipeline_mode = #tpu.pipeline_mode<synchronous>, transform_indices = @transform_4, window_bounds = array<i64: 1, 128>}, {pipeline_mode = #tpu.pipeline_mode<synchronous>, transform_indices = @transform_5, window_bounds = array<i64: 128, 128>}, {pipeline_mode = #tpu.pipeline_mode<synchronous>, transform_indices = @transform_6, window_bounds = array<i64: 1, 128>}, {pipeline_mode = #tpu.pipeline_mode<synchronous>, transform_indices = @transform_7, window_bounds = array<i64: 128, 128>}, {pipeline_mode = #tpu.pipeline_mode<synchronous>, transform_indices = @transform_8, window_bounds = array<i64: 1, 128>}, {pipeline_mode = #tpu.pipeline_mode<synchronous>, transform_indices = @transform_9, window_bounds = array<i64: 1, 128>}, {pipeline_mode = #tpu.pipeline_mode<synchronous>, transform_indices = @transform_10, window_bounds = array<i64: 1, 128>}, {transform_indices = @transform_11, window_bounds = array<i64: 600, 128>}, {pipeline_mode = #tpu.pipeline_mode<synchronous>, transform_indices = @transform_12, window_bounds = array<i64: 128, 128>}, {pipeline_mode = #tpu.pipeline_mode<synchronous>, transform_indices = @transform_13, window_bounds = array<i64: 128, 128>}, {pipeline_mode = #tpu.pipeline_mode<synchronous>, transform_indices = @transform_14, window_bounds = array<i64: 1, 128>}, {transform_indices = @transform_15, window_bounds = array<i64: 600, 128>}]} {
    %get3A = arith.constant 0 : index
    %get3A_0 = arith.constant 0 : index
    %get3A_1 = vector.load %arg1[%get3A, %get3A_0] : memref<600x128xf32, #tpu.memory_space<vmem>>, vector<600x128xf32>
    %get3A_2 = arith.constant 0 : index
    %get3A_3 = arith.constant 0 : index
    %get3A_4 = vector.load %arg2[%get3A_2, %get3A_3] : memref<128x128xf32, #tpu.memory_space<vmem>>, vector<128x128xf32>
    %dot_general3A = arith.constant dense<0.000000e+00> : vector<600x128xf32>
    %dot_general3A_5 = tpu.matmul %get3A_1, %get3A_4, %dot_general3A {dimension_numbers = #tpu.dot_dimension_numbers<[1], [0], [0], [1], [0, 0, 1, 1], [], []>, transpose_lhs_hint = false} : vector<600x128xf32>, vector<128x128xf32>, vector<600x128xf32> -> vector<600x128xf32>
    %get3A_6 = arith.constant 0 : index
    %get3A_7 = arith.constant 0 : index
    %get3A_8 = vector.load %arg3[%get3A_6, %get3A_7] : memref<1x128xf32, #tpu.memory_space<vmem>>, vector<1x128xf32>
    %add3A = vector.broadcast %get3A_8 : vector<1x128xf32> to vector<600x128xf32>
    %add3A_9 = arith.addf %dot_general3A_5, %add3A : vector<600x128xf32>
    %get3A_10 = arith.constant 0 : index
    %get3A_11 = arith.constant 0 : index
    %get3A_12 = vector.load %arg4[%get3A_10, %get3A_11] : memref<1x128xf32, #tpu.memory_space<vmem>>, vector<1x128xf32>
    %get3A_13 = arith.constant 0 : index
    %get3A_14 = arith.constant 0 : index
    %get3A_15 = vector.load %arg5[%get3A_13, %get3A_14] : memref<1x128xf32, #tpu.memory_space<vmem>>, vector<1x128xf32>
    %reduce_sum3A = arith.constant dense<0.000000e+00> : vector<600xf32>
    %reduce_sum3A_16 = vector.multi_reduction <add>, %add3A_9, %reduce_sum3A [1] : vector<600x128xf32> to vector<600xf32>
    %broadcast_in_dim3A = vector.shape_cast %reduce_sum3A_16 : vector<600xf32> to vector<600x1xf32>
    %div3A = arith.constant 1.280000e+02 : f32
    %div3A_17 = vector.broadcast %div3A : f32 to vector<600x1xf32>
    %div3A_18 = arith.divf %broadcast_in_dim3A, %div3A_17 : vector<600x1xf32>
    %sub3A = vector.broadcast %div3A_18 : vector<600x1xf32> to vector<600x128xf32>
    %sub3A_19 = arith.subf %add3A_9, %sub3A : vector<600x128xf32>
    %integer_pow3A = arith.mulf %sub3A_19, %sub3A_19 : vector<600x128xf32>
    %reduce_sum3A_20 = arith.constant dense<0.000000e+00> : vector<600xf32>
    %reduce_sum3A_21 = vector.multi_reduction <add>, %integer_pow3A, %reduce_sum3A_20 [1] : vector<600x128xf32> to vector<600xf32>
    %broadcast_in_dim3A_22 = vector.shape_cast %reduce_sum3A_21 : vector<600xf32> to vector<600x1xf32>
    %div3A_23 = arith.constant 1.280000e+02 : f32
    %div3A_24 = vector.broadcast %div3A_23 : f32 to vector<600x1xf32>
    %div3A_25 = arith.divf %broadcast_in_dim3A_22, %div3A_24 : vector<600x1xf32>
    %sub3A_26 = vector.broadcast %div3A_18 : vector<600x1xf32> to vector<600x128xf32>
    %sub3A_27 = arith.subf %add3A_9, %sub3A_26 : vector<600x128xf32>
    %add3A_28 = arith.constant 9.99999996E-13 : f32
    %add3A_29 = vector.broadcast %add3A_28 : f32 to vector<600x1xf32>
    %add3A_30 = arith.addf %div3A_25, %add3A_29 : vector<600x1xf32>
    %sqrt3A = math.sqrt %add3A_30 : vector<600x1xf32>
    %div3A_31 = vector.broadcast %sqrt3A : vector<600x1xf32> to vector<600x128xf32>
    %div3A_32 = arith.divf %sub3A_27, %div3A_31 : vector<600x128xf32>
    %mul3A = vector.broadcast %get3A_12 : vector<1x128xf32> to vector<600x128xf32>
    %mul3A_33 = arith.mulf %div3A_32, %mul3A : vector<600x128xf32>
    %add3A_34 = vector.broadcast %get3A_15 : vector<1x128xf32> to vector<600x128xf32>
    %add3A_35 = arith.addf %mul3A_33, %add3A_34 : vector<600x128xf32>
    %get3A_36 = arith.constant 0 : index
    %get3A_37 = arith.constant 0 : index
    %get3A_38 = vector.load %arg6[%get3A_36, %get3A_37] : memref<128x128xf32, #tpu.memory_space<vmem>>, vector<128x128xf32>
    %dot_general3A_39 = arith.constant dense<0.000000e+00> : vector<600x128xf32>
    %dot_general3A_40 = tpu.matmul %add3A_35, %get3A_38, %dot_general3A_39 {dimension_numbers = #tpu.dot_dimension_numbers<[1], [0], [0], [1], [0, 0, 1, 1], [], []>, transpose_lhs_hint = false} : vector<600x128xf32>, vector<128x128xf32>, vector<600x128xf32> -> vector<600x128xf32>
    %get3A_41 = arith.constant 0 : index
    %get3A_42 = arith.constant 0 : index
    %get3A_43 = vector.load %arg7[%get3A_41, %get3A_42] : memref<1x128xf32, #tpu.memory_space<vmem>>, vector<1x128xf32>
    %add3A_44 = vector.broadcast %get3A_43 : vector<1x128xf32> to vector<600x128xf32>
    %add3A_45 = arith.addf %dot_general3A_40, %add3A_44 : vector<600x128xf32>
    %max3A = arith.constant 0.000000e+00 : f32
    %max3A_46 = vector.broadcast %max3A : f32 to vector<600x128xf32>
    %max3A_47 = arith.maximumf %add3A_45, %max3A_46 : vector<600x128xf32>
    %get3A_48 = arith.constant 0 : index
    %get3A_49 = arith.constant 0 : index
    %get3A_50 = vector.load %arg8[%get3A_48, %get3A_49] : memref<128x128xf32, #tpu.memory_space<vmem>>, vector<128x128xf32>
    %dot_general3A_51 = arith.constant dense<0.000000e+00> : vector<600x128xf32>
    %dot_general3A_52 = tpu.matmul %max3A_47, %get3A_50, %dot_general3A_51 {dimension_numbers = #tpu.dot_dimension_numbers<[1], [0], [0], [1], [0, 0, 1, 1], [], []>, transpose_lhs_hint = false} : vector<600x128xf32>, vector<128x128xf32>, vector<600x128xf32> -> vector<600x128xf32>
    %get3A_53 = arith.constant 0 : index
    %get3A_54 = arith.constant 0 : index
    %get3A_55 = vector.load %arg9[%get3A_53, %get3A_54] : memref<1x128xf32, #tpu.memory_space<vmem>>, vector<1x128xf32>
    %add3A_56 = vector.broadcast %get3A_55 : vector<1x128xf32> to vector<600x128xf32>
    %add3A_57 = arith.addf %dot_general3A_52, %add3A_56 : vector<600x128xf32>
    %add3A_58 = arith.addf %add3A_35, %add3A_57 : vector<600x128xf32>
    %get3A_59 = arith.constant 0 : index
    %get3A_60 = arith.constant 0 : index
    %get3A_61 = vector.load %arg10[%get3A_59, %get3A_60] : memref<1x128xf32, #tpu.memory_space<vmem>>, vector<1x128xf32>
    %get3A_62 = arith.constant 0 : index
    %get3A_63 = arith.constant 0 : index
    %get3A_64 = vector.load %arg11[%get3A_62, %get3A_63] : memref<1x128xf32, #tpu.memory_space<vmem>>, vector<1x128xf32>
    %reduce_sum3A_65 = arith.constant dense<0.000000e+00> : vector<600xf32>
    %reduce_sum3A_66 = vector.multi_reduction <add>, %add3A_58, %reduce_sum3A_65 [1] : vector<600x128xf32> to vector<600xf32>
    %broadcast_in_dim3A_67 = vector.shape_cast %reduce_sum3A_66 : vector<600xf32> to vector<600x1xf32>
    %div3A_68 = arith.constant 1.280000e+02 : f32
    %div3A_69 = vector.broadcast %div3A_68 : f32 to vector<600x1xf32>
    %div3A_70 = arith.divf %broadcast_in_dim3A_67, %div3A_69 : vector<600x1xf32>
    %sub3A_71 = vector.broadcast %div3A_70 : vector<600x1xf32> to vector<600x128xf32>
    %sub3A_72 = arith.subf %add3A_58, %sub3A_71 : vector<600x128xf32>
    %integer_pow3A_73 = arith.mulf %sub3A_72, %sub3A_72 : vector<600x128xf32>
    %reduce_sum3A_74 = arith.constant dense<0.000000e+00> : vector<600xf32>
    %reduce_sum3A_75 = vector.multi_reduction <add>, %integer_pow3A_73, %reduce_sum3A_74 [1] : vector<600x128xf32> to vector<600xf32>
    %broadcast_in_dim3A_76 = vector.shape_cast %reduce_sum3A_75 : vector<600xf32> to vector<600x1xf32>
    %div3A_77 = arith.constant 1.280000e+02 : f32
    %div3A_78 = vector.broadcast %div3A_77 : f32 to vector<600x1xf32>
    %div3A_79 = arith.divf %broadcast_in_dim3A_76, %div3A_78 : vector<600x1xf32>
    %sub3A_80 = vector.broadcast %div3A_70 : vector<600x1xf32> to vector<600x128xf32>
    %sub3A_81 = arith.subf %add3A_58, %sub3A_80 : vector<600x128xf32>
    %add3A_82 = arith.constant 9.99999996E-13 : f32
    %add3A_83 = vector.broadcast %add3A_82 : f32 to vector<600x1xf32>
    %add3A_84 = arith.addf %div3A_79, %add3A_83 : vector<600x1xf32>
    %sqrt3A_85 = math.sqrt %add3A_84 : vector<600x1xf32>
    %div3A_86 = vector.broadcast %sqrt3A_85 : vector<600x1xf32> to vector<600x128xf32>
    %div3A_87 = arith.divf %sub3A_81, %div3A_86 : vector<600x128xf32>
    %mul3A_88 = vector.broadcast %get3A_61 : vector<1x128xf32> to vector<600x128xf32>
    %mul3A_89 = arith.mulf %div3A_87, %mul3A_88 : vector<600x128xf32>
    %add3A_90 = vector.broadcast %get3A_64 : vector<1x128xf32> to vector<600x128xf32>
    %add3A_91 = arith.addf %mul3A_89, %add3A_90 : vector<600x128xf32>
    %max3A_92 = arith.constant 0.000000e+00 : f32
    %max3A_93 = vector.broadcast %max3A_92 : f32 to vector<600x128xf32>
    %max3A_94 = arith.maximumf %add3A_91, %max3A_93 : vector<600x128xf32>
    %get3A_95 = arith.constant 0 : index
    %get3A_96 = arith.constant 0 : index
    %get3A_97 = vector.load %arg12[%get3A_95, %get3A_96] : memref<600x128xf32, #tpu.memory_space<vmem>>, vector<600x128xf32>
    %get3A_98 = arith.constant 0 : index
    %get3A_99 = arith.constant 0 : index
    %get3A_100 = vector.load %arg13[%get3A_98, %get3A_99] : memref<128x128xf32, #tpu.memory_space<vmem>>, vector<128x128xf32>
    %dot_general3A_101 = arith.constant dense<0.000000e+00> : vector<600x128xf32>
    %dot_general3A_102 = tpu.matmul %get3A_97, %get3A_100, %dot_general3A_101 {dimension_numbers = #tpu.dot_dimension_numbers<[1], [0], [0], [1], [0, 0, 1, 1], [], []>, transpose_lhs_hint = false} : vector<600x128xf32>, vector<128x128xf32>, vector<600x128xf32> -> vector<600x128xf32>
    %get3A_103 = arith.constant 0 : index
    %get3A_104 = arith.constant 0 : index
    %get3A_105 = vector.load %arg14[%get3A_103, %get3A_104] : memref<128x128xf32, #tpu.memory_space<vmem>>, vector<128x128xf32>
    %dot_general3A_106 = arith.constant dense<0.000000e+00> : vector<600x128xf32>
    %dot_general3A_107 = tpu.matmul %max3A_94, %get3A_105, %dot_general3A_106 {dimension_numbers = #tpu.dot_dimension_numbers<[1], [0], [0], [1], [0, 0, 1, 1], [], []>, transpose_lhs_hint = false} : vector<600x128xf32>, vector<128x128xf32>, vector<600x128xf32> -> vector<600x128xf32>
    %add3A_108 = arith.addf %dot_general3A_102, %dot_general3A_107 : vector<600x128xf32>
    %get3A_109 = arith.constant 0 : index
    %get3A_110 = arith.constant 0 : index
    %get3A_111 = vector.load %arg15[%get3A_109, %get3A_110] : memref<1x128xf32, #tpu.memory_space<vmem>>, vector<1x128xf32>
    %add3A_112 = vector.broadcast %get3A_111 : vector<1x128xf32> to vector<600x128xf32>
    %add3A_113 = arith.addf %add3A_108, %add3A_112 : vector<600x128xf32>
    %swap3A = arith.constant 0 : index
    %swap3A_114 = arith.constant 0 : index
    %swap3A_115 = vector.load %arg16[%swap3A, %swap3A_114] : memref<600x128xf32, #tpu.memory_space<vmem>>, vector<600x128xf32>
    tpu.vector_store %arg16[%swap3A, %swap3A_114], %add3A_113 {strides = array<i32>} : memref<600x128xf32, #tpu.memory_space<vmem>>, vector<600x128xf32>,
    return
  }
  func.func @transform_0(%arg0: i32) -> (i32, i32) {
    %c0_i32 = arith.constant 0 : i32
    %c0_i32_0 = arith.constant 0 : i32
    return %arg0, %c0_i32 : i32, i32
  }
  func.func @transform_1(%arg0: i32) -> (i32, i32) {
    %c0_i32 = arith.constant 0 : i32
    %c0_i32_0 = arith.constant 0 : i32
    %c0_i32_1 = arith.constant 0 : i32
    return %c0_i32, %c0_i32_0 : i32, i32
  }
  func.func @transform_2(%arg0: i32) -> (i32, i32) {
    %c0_i32 = arith.constant 0 : i32
    %c0_i32_0 = arith.constant 0 : i32
    %c0_i32_1 = arith.constant 0 : i32
    return %c0_i32, %c0_i32_0 : i32, i32
  }
  func.func @transform_3(%arg0: i32) -> (i32, i32) {
    %c0_i32 = arith.constant 0 : i32
    %c0_i32_0 = arith.constant 0 : i32
    %c0_i32_1 = arith.constant 0 : i32
    return %c0_i32, %c0_i32_0 : i32, i32
  }
  func.func @transform_4(%arg0: i32) -> (i32, i32) {
    %c0_i32 = arith.constant 0 : i32
    %c0_i32_0 = arith.constant 0 : i32
    %c0_i32_1 = arith.constant 0 : i32
    return %c0_i32, %c0_i32_0 : i32, i32
  }
  func.func @transform_5(%arg0: i32) -> (i32, i32) {
    %c0_i32 = arith.constant 0 : i32
    %c0_i32_0 = arith.constant 0 : i32
    %c0_i32_1 = arith.constant 0 : i32
    return %c0_i32, %c0_i32_0 : i32, i32
  }
  func.func @transform_6(%arg0: i32) -> (i32, i32) {
    %c0_i32 = arith.constant 0 : i32
    %c0_i32_0 = arith.constant 0 : i32
    %c0_i32_1 = arith.constant 0 : i32
    return %c0_i32, %c0_i32_0 : i32, i32
  }
  func.func @transform_7(%arg0: i32) -> (i32, i32) {
    %c0_i32 = arith.constant 0 : i32
    %c0_i32_0 = arith.constant 0 : i32
    %c0_i32_1 = arith.constant 0 : i32
    return %c0_i32, %c0_i32_0 : i32, i32
  }
  func.func @transform_8(%arg0: i32) -> (i32, i32) {
    %c0_i32 = arith.constant 0 : i32
    %c0_i32_0 = arith.constant 0 : i32
    %c0_i32_1 = arith.constant 0 : i32
    return %c0_i32, %c0_i32_0 : i32, i32
  }
  func.func @transform_9(%arg0: i32) -> (i32, i32) {
    %c0_i32 = arith.constant 0 : i32
    %c0_i32_0 = arith.constant 0 : i32
    %c0_i32_1 = arith.constant 0 : i32
    return %c0_i32, %c0_i32_0 : i32, i32
  }
  func.func @transform_10(%arg0: i32) -> (i32, i32) {
    %c0_i32 = arith.constant 0 : i32
    %c0_i32_0 = arith.constant 0 : i32
    %c0_i32_1 = arith.constant 0 : i32
    return %c0_i32, %c0_i32_0 : i32, i32
  }
  func.func @transform_11(%arg0: i32) -> (i32, i32) {
    %c0_i32 = arith.constant 0 : i32
    %c0_i32_0 = arith.constant 0 : i32
    return %arg0, %c0_i32 : i32, i32
  }
  func.func @transform_12(%arg0: i32) -> (i32, i32) {
    %c0_i32 = arith.constant 0 : i32
    %c0_i32_0 = arith.constant 0 : i32
    %c0_i32_1 = arith.constant 0 : i32
    return %c0_i32, %c0_i32_0 : i32, i32
  }
  func.func @transform_13(%arg0: i32) -> (i32, i32) {
    %c0_i32 = arith.constant 0 : i32
    %c0_i32_0 = arith.constant 0 : i32
    %c0_i32_1 = arith.constant 0 : i32
    return %c0_i32, %c0_i32_0 : i32, i32
  }
  func.func @transform_14(%arg0: i32) -> (i32, i32) {
    %c0_i32 = arith.constant 0 : i32
    %c0_i32_0 = arith.constant 0 : i32
    %c0_i32_1 = arith.constant 0 : i32
    return %c0_i32, %c0_i32_0 : i32, i32
  }
  func.func @transform_15(%arg0: i32) -> (i32, i32) {
    %c0_i32 = arith.constant 0 : i32
    %c0_i32_0 = arith.constant 0 : i32
    return %arg0, %c0_i32 : i32, i32
  }
}

module attributes {stable_mosaic.version = 14 : i64} {
  func.func @body(%arg0: i32, %arg1: memref<600x128xf32, #tpu.memory_space<vmem>>, %arg2: memref<600x128xf32, #tpu.memory_space<vmem>>, %arg3: memref<128x128xf32, #tpu.memory_space<vmem>>, %arg4: memref<128x128xf32, #tpu.memory_space<vmem>>, %arg5: memref<1x128xf32, #tpu.memory_space<vmem>>, %arg6: memref<128x4xf32, #tpu.memory_space<vmem>>, %arg7: memref<2x600x128xf32, #tpu.memory_space<vmem>>) attributes {dimension_semantics = [#tpu.dimension_semantics<arbitrary>], iteration_bounds = array<i64: 25>, scalar_prefetch = 0 : i64, scratch_operands = 0 : i64, tpu.core_type = #tpu.core_type<tc>, window_params = [{transform_indices = @transform_0, window_bounds = array<i64: 600, 128>}, {transform_indices = @transform_1, window_bounds = array<i64: 600, 128>}, {pipeline_mode = #tpu.pipeline_mode<synchronous>, transform_indices = @transform_2, window_bounds = array<i64: 128, 128>}, {pipeline_mode = #tpu.pipeline_mode<synchronous>, transform_indices = @transform_3, window_bounds = array<i64: 128, 128>}, {pipeline_mode = #tpu.pipeline_mode<synchronous>, transform_indices = @transform_4, window_bounds = array<i64: 1, 128>}, {pipeline_mode = #tpu.pipeline_mode<synchronous>, transform_indices = @transform_5, window_bounds = array<i64: 128, 4>}, {transform_indices = @transform_6, window_bounds = array<i64: 2, 600, 128>}]} {
    %get3A = arith.constant 0 : index
    %get3A_0 = arith.constant 0 : index
    %get3A_1 = vector.load %arg1[%get3A, %get3A_0] : memref<600x128xf32, #tpu.memory_space<vmem>>, vector<600x128xf32>
    %get3A_2 = arith.constant 0 : index
    %get3A_3 = arith.constant 0 : index
    %get3A_4 = vector.load %arg2[%get3A_2, %get3A_3] : memref<600x128xf32, #tpu.memory_space<vmem>>, vector<600x128xf32>
    %add3A = arith.addf %get3A_1, %get3A_4 : vector<600x128xf32>
    %get3A_5 = arith.constant 0 : index
    %get3A_6 = arith.constant 0 : index
    %get3A_7 = vector.load %arg3[%get3A_5, %get3A_6] : memref<128x128xf32, #tpu.memory_space<vmem>>, vector<128x128xf32>
    %dot_general3A = arith.constant dense<0.000000e+00> : vector<600x128xf32>
    %dot_general3A_8 = tpu.matmul %add3A, %get3A_7, %dot_general3A {dimension_numbers = #tpu.dot_dimension_numbers<[1], [0], [0], [1], [0, 0, 1, 1], [], []>, transpose_lhs_hint = false} : vector<600x128xf32>, vector<128x128xf32>, vector<600x128xf32> -> vector<600x128xf32>
    %get3A_9 = arith.constant 0 : index
    %get3A_10 = arith.constant 0 : index
    %get3A_11 = vector.load %arg4[%get3A_9, %get3A_10] : memref<128x128xf32, #tpu.memory_space<vmem>>, vector<128x128xf32>
    %dot_general3A_12 = arith.constant dense<0.000000e+00> : vector<600x128xf32>
    %dot_general3A_13 = tpu.matmul %add3A, %get3A_11, %dot_general3A_12 {dimension_numbers = #tpu.dot_dimension_numbers<[1], [0], [0], [1], [0, 0, 1, 1], [], []>, transpose_lhs_hint = false} : vector<600x128xf32>, vector<128x128xf32>, vector<600x128xf32> -> vector<600x128xf32>
    %get3A_14 = arith.constant 0 : index
    %get3A_15 = arith.constant 0 : index
    %get3A_16 = vector.load %arg5[%get3A_14, %get3A_15] : memref<1x128xf32, #tpu.memory_space<vmem>>, vector<1x128xf32>
    %mul3A = vector.broadcast %get3A_16 : vector<1x128xf32> to vector<600x128xf32>
    %mul3A_17 = arith.mulf %dot_general3A_8, %mul3A : vector<600x128xf32>
    %get3A_18 = arith.constant 0 : index
    %get3A_19 = arith.constant 0 : index
    %get3A_20 = vector.load %arg6[%get3A_18, %get3A_19] : memref<128x4xf32, #tpu.memory_space<vmem>>, vector<128x4xf32>
    %dot_general3A_21 = arith.constant dense<0.000000e+00> : vector<600x4xf32>
    %dot_general3A_22 = tpu.matmul %mul3A_17, %get3A_20, %dot_general3A_21 {dimension_numbers = #tpu.dot_dimension_numbers<[1], [0], [0], [1], [0, 0, 1, 1], [], []>, transpose_lhs_hint = false} : vector<600x128xf32>, vector<128x4xf32>, vector<600x4xf32> -> vector<600x4xf32>
    %mul3A_23 = arith.constant 0.176776692 : f32
    %mul3A_24 = vector.broadcast %mul3A_23 : f32 to vector<600x4xf32>
    %mul3A_25 = arith.mulf %dot_general3A_22, %mul3A_24 : vector<600x4xf32>
    %exp3A = math.exp %mul3A_25 : vector<600x4xf32>
    %broadcast_in_dim3A = arith.constant 0.000000e+00 : f32
    %broadcast_in_dim3A_26 = vector.broadcast %broadcast_in_dim3A : f32 to vector<600x62xf32>
    %slice3A = vector.extract_strided_slice %dot_general3A_13 {offsets = [0, 0], sizes = [600, 32], strides = [1, 1]} : vector<600x128xf32> to vector<600x32xf32>
    %slice3A_27 = vector.extract_strided_slice %exp3A {offsets = [0, 0], sizes = [600, 1], strides = [1, 1]} : vector<600x4xf32> to vector<600x1xf32>
    %mul3A_28 = vector.broadcast %slice3A_27 : vector<600x1xf32> to vector<600x32xf32>
    %mul3A_29 = arith.mulf %slice3A, %mul3A_28 : vector<600x32xf32>
    %slice3A_30 = vector.extract_strided_slice %dot_general3A_13 {offsets = [0, 32], sizes = [600, 32], strides = [1, 1]} : vector<600x128xf32> to vector<600x32xf32>
    %slice3A_31 = vector.extract_strided_slice %exp3A {offsets = [0, 1], sizes = [600, 1], strides = [1, 1]} : vector<600x4xf32> to vector<600x1xf32>
    %mul3A_32 = vector.broadcast %slice3A_31 : vector<600x1xf32> to vector<600x32xf32>
    %mul3A_33 = arith.mulf %slice3A_30, %mul3A_32 : vector<600x32xf32>
    %slice3A_34 = vector.extract_strided_slice %exp3A {offsets = [0, 0], sizes = [600, 2], strides = [1, 1]} : vector<600x4xf32> to vector<600x2xf32>
    %concatenate3A = tpu.concatenate %mul3A_29, %mul3A_33, %slice3A_34, %broadcast_in_dim3A_26 in 1 : vector<600x32xf32>, vector<600x32xf32>, vector<600x2xf32>, vector<600x62xf32> -> vector<600x128xf32>
    %swap3A = arith.constant 0 : index
    %swap3A_35 = arith.constant 0 : index
    %swap3A_36 = arith.constant 0 : index
    %swap3A_37 = vector.load %arg7[%swap3A, %swap3A_35, %swap3A_36] : memref<2x600x128xf32, #tpu.memory_space<vmem>>, vector<1x600x128xf32>
    %swap3A_38 = vector.shape_cast %swap3A_37 : vector<1x600x128xf32> to vector<600x128xf32>
    %swap3A_39 = vector.shape_cast %concatenate3A : vector<600x128xf32> to vector<1x600x128xf32>
    tpu.vector_store %arg7[%swap3A, %swap3A_35, %swap3A_36], %swap3A_39 {strides = array<i32>} : memref<2x600x128xf32, #tpu.memory_space<vmem>>, vector<1x600x128xf32>,
    %slice3A_40 = vector.extract_strided_slice %dot_general3A_13 {offsets = [0, 64], sizes = [600, 32], strides = [1, 1]} : vector<600x128xf32> to vector<600x32xf32>
    %slice3A_41 = vector.extract_strided_slice %exp3A {offsets = [0, 2], sizes = [600, 1], strides = [1, 1]} : vector<600x4xf32> to vector<600x1xf32>
    %mul3A_42 = vector.broadcast %slice3A_41 : vector<600x1xf32> to vector<600x32xf32>
    %mul3A_43 = arith.mulf %slice3A_40, %mul3A_42 : vector<600x32xf32>
    %slice3A_44 = vector.extract_strided_slice %dot_general3A_13 {offsets = [0, 96], sizes = [600, 32], strides = [1, 1]} : vector<600x128xf32> to vector<600x32xf32>
    %slice3A_45 = vector.extract_strided_slice %exp3A {offsets = [0, 3], sizes = [600, 1], strides = [1, 1]} : vector<600x4xf32> to vector<600x1xf32>
    %mul3A_46 = vector.broadcast %slice3A_45 : vector<600x1xf32> to vector<600x32xf32>
    %mul3A_47 = arith.mulf %slice3A_44, %mul3A_46 : vector<600x32xf32>
    %slice3A_48 = vector.extract_strided_slice %exp3A {offsets = [0, 2], sizes = [600, 2], strides = [1, 1]} : vector<600x4xf32> to vector<600x2xf32>
    %concatenate3A_49 = tpu.concatenate %mul3A_43, %mul3A_47, %slice3A_48, %broadcast_in_dim3A_26 in 1 : vector<600x32xf32>, vector<600x32xf32>, vector<600x2xf32>, vector<600x62xf32> -> vector<600x128xf32>
    %swap3A_50 = arith.constant 1 : index
    %swap3A_51 = arith.constant 0 : index
    %swap3A_52 = arith.constant 0 : index
    %swap3A_53 = vector.load %arg7[%swap3A_50, %swap3A_51, %swap3A_52] : memref<2x600x128xf32, #tpu.memory_space<vmem>>, vector<1x600x128xf32>
    %swap3A_54 = vector.shape_cast %swap3A_53 : vector<1x600x128xf32> to vector<600x128xf32>
    %swap3A_55 = vector.shape_cast %concatenate3A_49 : vector<600x128xf32> to vector<1x600x128xf32>
    tpu.vector_store %arg7[%swap3A_50, %swap3A_51, %swap3A_52], %swap3A_55 {strides = array<i32>} : memref<2x600x128xf32, #tpu.memory_space<vmem>>, vector<1x600x128xf32>,
    return
  }
  func.func @transform_0(%arg0: i32) -> (i32, i32) {
    %c0_i32 = arith.constant 0 : i32
    %c0_i32_0 = arith.constant 0 : i32
    return %arg0, %c0_i32 : i32, i32
  }
  func.func @transform_1(%arg0: i32) -> (i32, i32) {
    %c0_i32 = arith.constant 0 : i32
    %c0_i32_0 = arith.constant 0 : i32
    return %arg0, %c0_i32 : i32, i32
  }
  func.func @transform_2(%arg0: i32) -> (i32, i32) {
    %c0_i32 = arith.constant 0 : i32
    %c0_i32_0 = arith.constant 0 : i32
    %c0_i32_1 = arith.constant 0 : i32
    return %c0_i32, %c0_i32_0 : i32, i32
  }
  func.func @transform_3(%arg0: i32) -> (i32, i32) {
    %c0_i32 = arith.constant 0 : i32
    %c0_i32_0 = arith.constant 0 : i32
    %c0_i32_1 = arith.constant 0 : i32
    return %c0_i32, %c0_i32_0 : i32, i32
  }
  func.func @transform_4(%arg0: i32) -> (i32, i32) {
    %c0_i32 = arith.constant 0 : i32
    %c0_i32_0 = arith.constant 0 : i32
    %c0_i32_1 = arith.constant 0 : i32
    return %c0_i32, %c0_i32_0 : i32, i32
  }
  func.func @transform_5(%arg0: i32) -> (i32, i32) {
    %c0_i32 = arith.constant 0 : i32
    %c0_i32_0 = arith.constant 0 : i32
    %c0_i32_1 = arith.constant 0 : i32
    return %c0_i32, %c0_i32_0 : i32, i32
  }
  func.func @transform_6(%arg0: i32) -> (i32, i32, i32) {
    %c0_i32 = arith.constant 0 : i32
    %c0_i32_0 = arith.constant 0 : i32
    %c0_i32_1 = arith.constant 0 : i32
    return %c0_i32, %arg0, %c0_i32_0 : i32, i32, i32
  }
}

module attributes {stable_mosaic.version = 14 : i64} {
  func.func @body(%arg0: i32, %arg1: memref<400x128xf32, #tpu.memory_space<vmem>>, %arg2: memref<400x128xf32, #tpu.memory_space<vmem>>, %arg3: memref<400x128xf32, #tpu.memory_space<vmem>>, %arg4: memref<400x128xf32, #tpu.memory_space<vmem>>, %arg5: memref<400x128xf32, #tpu.memory_space<vmem>>) attributes {dimension_semantics = [#tpu.dimension_semantics<arbitrary>], iteration_bounds = array<i64: 25>, scalar_prefetch = 0 : i64, scratch_operands = 0 : i64, tpu.core_type = #tpu.core_type<tc>, window_params = [{transform_indices = @transform_0, window_bounds = array<i64: 400, 128>}, {transform_indices = @transform_1, window_bounds = array<i64: 400, 128>}, {transform_indices = @transform_2, window_bounds = array<i64: 400, 128>}, {transform_indices = @transform_3, window_bounds = array<i64: 400, 128>}, {transform_indices = @transform_4, window_bounds = array<i64: 400, 128>}]} {
    %get3A = arith.constant 0 : index
    %get3A_0 = arith.constant 0 : index
    %get3A_1 = vector.load %arg1[%get3A, %get3A_0] : memref<400x128xf32, #tpu.memory_space<vmem>>, vector<400x128xf32>
    %get3A_2 = arith.constant 0 : index
    %get3A_3 = arith.constant 0 : index
    %get3A_4 = vector.load %arg3[%get3A_2, %get3A_3] : memref<400x128xf32, #tpu.memory_space<vmem>>, vector<400x128xf32>
    %slice3A = vector.extract_strided_slice %get3A_1 {offsets = [0, 0], sizes = [400, 32], strides = [1, 1]} : vector<400x128xf32> to vector<400x32xf32>
    %slice3A_5 = vector.extract_strided_slice %get3A_4 {offsets = [0, 0], sizes = [400, 32], strides = [1, 1]} : vector<400x128xf32> to vector<400x32xf32>
    %add3A = arith.addf %slice3A, %slice3A_5 : vector<400x32xf32>
    %slice3A_6 = vector.extract_strided_slice %get3A_1 {offsets = [0, 64], sizes = [400, 1], strides = [1, 1]} : vector<400x128xf32> to vector<400x1xf32>
    %slice3A_7 = vector.extract_strided_slice %get3A_4 {offsets = [0, 64], sizes = [400, 1], strides = [1, 1]} : vector<400x128xf32> to vector<400x1xf32>
    %add3A_8 = arith.addf %slice3A_6, %slice3A_7 : vector<400x1xf32>
    %add3A_9 = arith.constant 9.99999971E-10 : f32
    %add3A_10 = vector.broadcast %add3A_9 : f32 to vector<400x1xf32>
    %add3A_11 = arith.addf %add3A_8, %add3A_10 : vector<400x1xf32>
    %div3A = vector.broadcast %add3A_11 : vector<400x1xf32> to vector<400x32xf32>
    %div3A_12 = arith.divf %add3A, %div3A : vector<400x32xf32>
    %slice3A_13 = vector.extract_strided_slice %get3A_1 {offsets = [0, 32], sizes = [400, 32], strides = [1, 1]} : vector<400x128xf32> to vector<400x32xf32>
    %slice3A_14 = vector.extract_strided_slice %get3A_4 {offsets = [0, 32], sizes = [400, 32], strides = [1, 1]} : vector<400x128xf32> to vector<400x32xf32>
    %add3A_15 = arith.addf %slice3A_13, %slice3A_14 : vector<400x32xf32>
    %slice3A_16 = vector.extract_strided_slice %get3A_1 {offsets = [0, 65], sizes = [400, 1], strides = [1, 1]} : vector<400x128xf32> to vector<400x1xf32>
    %slice3A_17 = vector.extract_strided_slice %get3A_4 {offsets = [0, 65], sizes = [400, 1], strides = [1, 1]} : vector<400x128xf32> to vector<400x1xf32>
    %add3A_18 = arith.addf %slice3A_16, %slice3A_17 : vector<400x1xf32>
    %add3A_19 = arith.constant 9.99999971E-10 : f32
    %add3A_20 = vector.broadcast %add3A_19 : f32 to vector<400x1xf32>
    %add3A_21 = arith.addf %add3A_18, %add3A_20 : vector<400x1xf32>
    %div3A_22 = vector.broadcast %add3A_21 : vector<400x1xf32> to vector<400x32xf32>
    %div3A_23 = arith.divf %add3A_15, %div3A_22 : vector<400x32xf32>
    %get3A_24 = arith.constant 0 : index
    %get3A_25 = arith.constant 0 : index
    %get3A_26 = vector.load %arg2[%get3A_24, %get3A_25] : memref<400x128xf32, #tpu.memory_space<vmem>>, vector<400x128xf32>
    %get3A_27 = arith.constant 0 : index
    %get3A_28 = arith.constant 0 : index
    %get3A_29 = vector.load %arg4[%get3A_27, %get3A_28] : memref<400x128xf32, #tpu.memory_space<vmem>>, vector<400x128xf32>
    %slice3A_30 = vector.extract_strided_slice %get3A_26 {offsets = [0, 0], sizes = [400, 32], strides = [1, 1]} : vector<400x128xf32> to vector<400x32xf32>
    %slice3A_31 = vector.extract_strided_slice %get3A_29 {offsets = [0, 0], sizes = [400, 32], strides = [1, 1]} : vector<400x128xf32> to vector<400x32xf32>
    %add3A_32 = arith.addf %slice3A_30, %slice3A_31 : vector<400x32xf32>
    %slice3A_33 = vector.extract_strided_slice %get3A_26 {offsets = [0, 64], sizes = [400, 1], strides = [1, 1]} : vector<400x128xf32> to vector<400x1xf32>
    %slice3A_34 = vector.extract_strided_slice %get3A_29 {offsets = [0, 64], sizes = [400, 1], strides = [1, 1]} : vector<400x128xf32> to vector<400x1xf32>
    %add3A_35 = arith.addf %slice3A_33, %slice3A_34 : vector<400x1xf32>
    %add3A_36 = arith.constant 9.99999971E-10 : f32
    %add3A_37 = vector.broadcast %add3A_36 : f32 to vector<400x1xf32>
    %add3A_38 = arith.addf %add3A_35, %add3A_37 : vector<400x1xf32>
    %div3A_39 = vector.broadcast %add3A_38 : vector<400x1xf32> to vector<400x32xf32>
    %div3A_40 = arith.divf %add3A_32, %div3A_39 : vector<400x32xf32>
    %slice3A_41 = vector.extract_strided_slice %get3A_26 {offsets = [0, 32], sizes = [400, 32], strides = [1, 1]} : vector<400x128xf32> to vector<400x32xf32>
    %slice3A_42 = vector.extract_strided_slice %get3A_29 {offsets = [0, 32], sizes = [400, 32], strides = [1, 1]} : vector<400x128xf32> to vector<400x32xf32>
    %add3A_43 = arith.addf %slice3A_41, %slice3A_42 : vector<400x32xf32>
    %slice3A_44 = vector.extract_strided_slice %get3A_26 {offsets = [0, 65], sizes = [400, 1], strides = [1, 1]} : vector<400x128xf32> to vector<400x1xf32>
    %slice3A_45 = vector.extract_strided_slice %get3A_29 {offsets = [0, 65], sizes = [400, 1], strides = [1, 1]} : vector<400x128xf32> to vector<400x1xf32>
    %add3A_46 = arith.addf %slice3A_44, %slice3A_45 : vector<400x1xf32>
    %add3A_47 = arith.constant 9.99999971E-10 : f32
    %add3A_48 = vector.broadcast %add3A_47 : f32 to vector<400x1xf32>
    %add3A_49 = arith.addf %add3A_46, %add3A_48 : vector<400x1xf32>
    %div3A_50 = vector.broadcast %add3A_49 : vector<400x1xf32> to vector<400x32xf32>
    %div3A_51 = arith.divf %add3A_43, %div3A_50 : vector<400x32xf32>
    %concatenate3A = tpu.concatenate %div3A_12, %div3A_23, %div3A_40, %div3A_51 in 1 : vector<400x32xf32>, vector<400x32xf32>, vector<400x32xf32>, vector<400x32xf32> -> vector<400x128xf32>
    %swap3A = arith.constant 0 : index
    %swap3A_52 = arith.constant 0 : index
    %swap3A_53 = vector.load %arg5[%swap3A, %swap3A_52] : memref<400x128xf32, #tpu.memory_space<vmem>>, vector<400x128xf32>
    tpu.vector_store %arg5[%swap3A, %swap3A_52], %concatenate3A {strides = array<i32>} : memref<400x128xf32, #tpu.memory_space<vmem>>, vector<400x128xf32>,
    return
  }
  func.func @transform_0(%arg0: i32) -> (i32, i32) {
    %c0_i32 = arith.constant 0 : i32
    %c0_i32_0 = arith.constant 0 : i32
    return %arg0, %c0_i32 : i32, i32
  }
  func.func @transform_1(%arg0: i32) -> (i32, i32) {
    %c0_i32 = arith.constant 0 : i32
    %c0_i32_0 = arith.constant 0 : i32
    return %arg0, %c0_i32 : i32, i32
  }
  func.func @transform_2(%arg0: i32) -> (i32, i32) {
    %c0_i32 = arith.constant 0 : i32
    %c0_i32_0 = arith.constant 0 : i32
    return %arg0, %c0_i32 : i32, i32
  }
  func.func @transform_3(%arg0: i32) -> (i32, i32) {
    %c0_i32 = arith.constant 0 : i32
    %c0_i32_0 = arith.constant 0 : i32
    return %arg0, %c0_i32 : i32, i32
  }
  func.func @transform_4(%arg0: i32) -> (i32, i32) {
    %c0_i32 = arith.constant 0 : i32
    %c0_i32_0 = arith.constant 0 : i32
    return %arg0, %c0_i32 : i32, i32
  }
}

module attributes {stable_mosaic.version = 14 : i64} {
  func.func @body(%arg0: i32, %arg1: memref<400x128xf32, #tpu.memory_space<vmem>>, %arg2: memref<128x128xf32, #tpu.memory_space<vmem>>, %arg3: memref<1x128xf32, #tpu.memory_space<vmem>>, %arg4: memref<1x128xf32, #tpu.memory_space<vmem>>, %arg5: memref<1x128xf32, #tpu.memory_space<vmem>>, %arg6: memref<128x128xf32, #tpu.memory_space<vmem>>, %arg7: memref<1x128xf32, #tpu.memory_space<vmem>>, %arg8: memref<128x128xf32, #tpu.memory_space<vmem>>, %arg9: memref<1x128xf32, #tpu.memory_space<vmem>>, %arg10: memref<1x128xf32, #tpu.memory_space<vmem>>, %arg11: memref<1x128xf32, #tpu.memory_space<vmem>>, %arg12: memref<400x128xf32, #tpu.memory_space<vmem>>) attributes {dimension_semantics = [#tpu.dimension_semantics<arbitrary>], iteration_bounds = array<i64: 25>, scalar_prefetch = 0 : i64, scratch_operands = 0 : i64, tpu.core_type = #tpu.core_type<tc>, window_params = [{transform_indices = @transform_0, window_bounds = array<i64: 400, 128>}, {pipeline_mode = #tpu.pipeline_mode<synchronous>, transform_indices = @transform_1, window_bounds = array<i64: 128, 128>}, {pipeline_mode = #tpu.pipeline_mode<synchronous>, transform_indices = @transform_2, window_bounds = array<i64: 1, 128>}, {pipeline_mode = #tpu.pipeline_mode<synchronous>, transform_indices = @transform_3, window_bounds = array<i64: 1, 128>}, {pipeline_mode = #tpu.pipeline_mode<synchronous>, transform_indices = @transform_4, window_bounds = array<i64: 1, 128>}, {pipeline_mode = #tpu.pipeline_mode<synchronous>, transform_indices = @transform_5, window_bounds = array<i64: 128, 128>}, {pipeline_mode = #tpu.pipeline_mode<synchronous>, transform_indices = @transform_6, window_bounds = array<i64: 1, 128>}, {pipeline_mode = #tpu.pipeline_mode<synchronous>, transform_indices = @transform_7, window_bounds = array<i64: 128, 128>}, {pipeline_mode = #tpu.pipeline_mode<synchronous>, transform_indices = @transform_8, window_bounds = array<i64: 1, 128>}, {pipeline_mode = #tpu.pipeline_mode<synchronous>, transform_indices = @transform_9, window_bounds = array<i64: 1, 128>}, {pipeline_mode = #tpu.pipeline_mode<synchronous>, transform_indices = @transform_10, window_bounds = array<i64: 1, 128>}, {transform_indices = @transform_11, window_bounds = array<i64: 400, 128>}]} {
    %get3A = arith.constant 0 : index
    %get3A_0 = arith.constant 0 : index
    %get3A_1 = vector.load %arg1[%get3A, %get3A_0] : memref<400x128xf32, #tpu.memory_space<vmem>>, vector<400x128xf32>
    %get3A_2 = arith.constant 0 : index
    %get3A_3 = arith.constant 0 : index
    %get3A_4 = vector.load %arg2[%get3A_2, %get3A_3] : memref<128x128xf32, #tpu.memory_space<vmem>>, vector<128x128xf32>
    %dot_general3A = arith.constant dense<0.000000e+00> : vector<400x128xf32>
    %dot_general3A_5 = tpu.matmul %get3A_1, %get3A_4, %dot_general3A {dimension_numbers = #tpu.dot_dimension_numbers<[1], [0], [0], [1], [0, 0, 1, 1], [], []>, transpose_lhs_hint = false} : vector<400x128xf32>, vector<128x128xf32>, vector<400x128xf32> -> vector<400x128xf32>
    %get3A_6 = arith.constant 0 : index
    %get3A_7 = arith.constant 0 : index
    %get3A_8 = vector.load %arg3[%get3A_6, %get3A_7] : memref<1x128xf32, #tpu.memory_space<vmem>>, vector<1x128xf32>
    %add3A = vector.broadcast %get3A_8 : vector<1x128xf32> to vector<400x128xf32>
    %add3A_9 = arith.addf %dot_general3A_5, %add3A : vector<400x128xf32>
    %get3A_10 = arith.constant 0 : index
    %get3A_11 = arith.constant 0 : index
    %get3A_12 = vector.load %arg4[%get3A_10, %get3A_11] : memref<1x128xf32, #tpu.memory_space<vmem>>, vector<1x128xf32>
    %get3A_13 = arith.constant 0 : index
    %get3A_14 = arith.constant 0 : index
    %get3A_15 = vector.load %arg5[%get3A_13, %get3A_14] : memref<1x128xf32, #tpu.memory_space<vmem>>, vector<1x128xf32>
    %reduce_sum3A = arith.constant dense<0.000000e+00> : vector<400xf32>
    %reduce_sum3A_16 = vector.multi_reduction <add>, %add3A_9, %reduce_sum3A [1] : vector<400x128xf32> to vector<400xf32>
    %broadcast_in_dim3A = vector.shape_cast %reduce_sum3A_16 : vector<400xf32> to vector<400x1xf32>
    %div3A = arith.constant 1.280000e+02 : f32
    %div3A_17 = vector.broadcast %div3A : f32 to vector<400x1xf32>
    %div3A_18 = arith.divf %broadcast_in_dim3A, %div3A_17 : vector<400x1xf32>
    %sub3A = vector.broadcast %div3A_18 : vector<400x1xf32> to vector<400x128xf32>
    %sub3A_19 = arith.subf %add3A_9, %sub3A : vector<400x128xf32>
    %integer_pow3A = arith.mulf %sub3A_19, %sub3A_19 : vector<400x128xf32>
    %reduce_sum3A_20 = arith.constant dense<0.000000e+00> : vector<400xf32>
    %reduce_sum3A_21 = vector.multi_reduction <add>, %integer_pow3A, %reduce_sum3A_20 [1] : vector<400x128xf32> to vector<400xf32>
    %broadcast_in_dim3A_22 = vector.shape_cast %reduce_sum3A_21 : vector<400xf32> to vector<400x1xf32>
    %div3A_23 = arith.constant 1.280000e+02 : f32
    %div3A_24 = vector.broadcast %div3A_23 : f32 to vector<400x1xf32>
    %div3A_25 = arith.divf %broadcast_in_dim3A_22, %div3A_24 : vector<400x1xf32>
    %sub3A_26 = vector.broadcast %div3A_18 : vector<400x1xf32> to vector<400x128xf32>
    %sub3A_27 = arith.subf %add3A_9, %sub3A_26 : vector<400x128xf32>
    %add3A_28 = arith.constant 9.99999996E-13 : f32
    %add3A_29 = vector.broadcast %add3A_28 : f32 to vector<400x1xf32>
    %add3A_30 = arith.addf %div3A_25, %add3A_29 : vector<400x1xf32>
    %sqrt3A = math.sqrt %add3A_30 : vector<400x1xf32>
    %div3A_31 = vector.broadcast %sqrt3A : vector<400x1xf32> to vector<400x128xf32>
    %div3A_32 = arith.divf %sub3A_27, %div3A_31 : vector<400x128xf32>
    %mul3A = vector.broadcast %get3A_12 : vector<1x128xf32> to vector<400x128xf32>
    %mul3A_33 = arith.mulf %div3A_32, %mul3A : vector<400x128xf32>
    %add3A_34 = vector.broadcast %get3A_15 : vector<1x128xf32> to vector<400x128xf32>
    %add3A_35 = arith.addf %mul3A_33, %add3A_34 : vector<400x128xf32>
    %get3A_36 = arith.constant 0 : index
    %get3A_37 = arith.constant 0 : index
    %get3A_38 = vector.load %arg6[%get3A_36, %get3A_37] : memref<128x128xf32, #tpu.memory_space<vmem>>, vector<128x128xf32>
    %dot_general3A_39 = arith.constant dense<0.000000e+00> : vector<400x128xf32>
    %dot_general3A_40 = tpu.matmul %add3A_35, %get3A_38, %dot_general3A_39 {dimension_numbers = #tpu.dot_dimension_numbers<[1], [0], [0], [1], [0, 0, 1, 1], [], []>, transpose_lhs_hint = false} : vector<400x128xf32>, vector<128x128xf32>, vector<400x128xf32> -> vector<400x128xf32>
    %get3A_41 = arith.constant 0 : index
    %get3A_42 = arith.constant 0 : index
    %get3A_43 = vector.load %arg7[%get3A_41, %get3A_42] : memref<1x128xf32, #tpu.memory_space<vmem>>, vector<1x128xf32>
    %add3A_44 = vector.broadcast %get3A_43 : vector<1x128xf32> to vector<400x128xf32>
    %add3A_45 = arith.addf %dot_general3A_40, %add3A_44 : vector<400x128xf32>
    %max3A = arith.constant 0.000000e+00 : f32
    %max3A_46 = vector.broadcast %max3A : f32 to vector<400x128xf32>
    %max3A_47 = arith.maximumf %add3A_45, %max3A_46 : vector<400x128xf32>
    %get3A_48 = arith.constant 0 : index
    %get3A_49 = arith.constant 0 : index
    %get3A_50 = vector.load %arg8[%get3A_48, %get3A_49] : memref<128x128xf32, #tpu.memory_space<vmem>>, vector<128x128xf32>
    %dot_general3A_51 = arith.constant dense<0.000000e+00> : vector<400x128xf32>
    %dot_general3A_52 = tpu.matmul %max3A_47, %get3A_50, %dot_general3A_51 {dimension_numbers = #tpu.dot_dimension_numbers<[1], [0], [0], [1], [0, 0, 1, 1], [], []>, transpose_lhs_hint = false} : vector<400x128xf32>, vector<128x128xf32>, vector<400x128xf32> -> vector<400x128xf32>
    %get3A_53 = arith.constant 0 : index
    %get3A_54 = arith.constant 0 : index
    %get3A_55 = vector.load %arg9[%get3A_53, %get3A_54] : memref<1x128xf32, #tpu.memory_space<vmem>>, vector<1x128xf32>
    %add3A_56 = vector.broadcast %get3A_55 : vector<1x128xf32> to vector<400x128xf32>
    %add3A_57 = arith.addf %dot_general3A_52, %add3A_56 : vector<400x128xf32>
    %add3A_58 = arith.addf %add3A_35, %add3A_57 : vector<400x128xf32>
    %get3A_59 = arith.constant 0 : index
    %get3A_60 = arith.constant 0 : index
    %get3A_61 = vector.load %arg10[%get3A_59, %get3A_60] : memref<1x128xf32, #tpu.memory_space<vmem>>, vector<1x128xf32>
    %get3A_62 = arith.constant 0 : index
    %get3A_63 = arith.constant 0 : index
    %get3A_64 = vector.load %arg11[%get3A_62, %get3A_63] : memref<1x128xf32, #tpu.memory_space<vmem>>, vector<1x128xf32>
    %reduce_sum3A_65 = arith.constant dense<0.000000e+00> : vector<400xf32>
    %reduce_sum3A_66 = vector.multi_reduction <add>, %add3A_58, %reduce_sum3A_65 [1] : vector<400x128xf32> to vector<400xf32>
    %broadcast_in_dim3A_67 = vector.shape_cast %reduce_sum3A_66 : vector<400xf32> to vector<400x1xf32>
    %div3A_68 = arith.constant 1.280000e+02 : f32
    %div3A_69 = vector.broadcast %div3A_68 : f32 to vector<400x1xf32>
    %div3A_70 = arith.divf %broadcast_in_dim3A_67, %div3A_69 : vector<400x1xf32>
    %sub3A_71 = vector.broadcast %div3A_70 : vector<400x1xf32> to vector<400x128xf32>
    %sub3A_72 = arith.subf %add3A_58, %sub3A_71 : vector<400x128xf32>
    %integer_pow3A_73 = arith.mulf %sub3A_72, %sub3A_72 : vector<400x128xf32>
    %reduce_sum3A_74 = arith.constant dense<0.000000e+00> : vector<400xf32>
    %reduce_sum3A_75 = vector.multi_reduction <add>, %integer_pow3A_73, %reduce_sum3A_74 [1] : vector<400x128xf32> to vector<400xf32>
    %broadcast_in_dim3A_76 = vector.shape_cast %reduce_sum3A_75 : vector<400xf32> to vector<400x1xf32>
    %div3A_77 = arith.constant 1.280000e+02 : f32
    %div3A_78 = vector.broadcast %div3A_77 : f32 to vector<400x1xf32>
    %div3A_79 = arith.divf %broadcast_in_dim3A_76, %div3A_78 : vector<400x1xf32>
    %sub3A_80 = vector.broadcast %div3A_70 : vector<400x1xf32> to vector<400x128xf32>
    %sub3A_81 = arith.subf %add3A_58, %sub3A_80 : vector<400x128xf32>
    %add3A_82 = arith.constant 9.99999996E-13 : f32
    %add3A_83 = vector.broadcast %add3A_82 : f32 to vector<400x1xf32>
    %add3A_84 = arith.addf %div3A_79, %add3A_83 : vector<400x1xf32>
    %sqrt3A_85 = math.sqrt %add3A_84 : vector<400x1xf32>
    %div3A_86 = vector.broadcast %sqrt3A_85 : vector<400x1xf32> to vector<400x128xf32>
    %div3A_87 = arith.divf %sub3A_81, %div3A_86 : vector<400x128xf32>
    %mul3A_88 = vector.broadcast %get3A_61 : vector<1x128xf32> to vector<400x128xf32>
    %mul3A_89 = arith.mulf %div3A_87, %mul3A_88 : vector<400x128xf32>
    %add3A_90 = vector.broadcast %get3A_64 : vector<1x128xf32> to vector<400x128xf32>
    %add3A_91 = arith.addf %mul3A_89, %add3A_90 : vector<400x128xf32>
    %max3A_92 = arith.constant 0.000000e+00 : f32
    %max3A_93 = vector.broadcast %max3A_92 : f32 to vector<400x128xf32>
    %max3A_94 = arith.maximumf %add3A_91, %max3A_93 : vector<400x128xf32>
    %swap3A = arith.constant 0 : index
    %swap3A_95 = arith.constant 0 : index
    %swap3A_96 = vector.load %arg12[%swap3A, %swap3A_95] : memref<400x128xf32, #tpu.memory_space<vmem>>, vector<400x128xf32>
    tpu.vector_store %arg12[%swap3A, %swap3A_95], %max3A_94 {strides = array<i32>} : memref<400x128xf32, #tpu.memory_space<vmem>>, vector<400x128xf32>,
    return
  }
  func.func @transform_0(%arg0: i32) -> (i32, i32) {
    %c0_i32 = arith.constant 0 : i32
    %c0_i32_0 = arith.constant 0 : i32
    return %arg0, %c0_i32 : i32, i32
  }
  func.func @transform_1(%arg0: i32) -> (i32, i32) {
    %c0_i32 = arith.constant 0 : i32
    %c0_i32_0 = arith.constant 0 : i32
    %c0_i32_1 = arith.constant 0 : i32
    return %c0_i32, %c0_i32_0 : i32, i32
  }
  func.func @transform_2(%arg0: i32) -> (i32, i32) {
    %c0_i32 = arith.constant 0 : i32
    %c0_i32_0 = arith.constant 0 : i32
    %c0_i32_1 = arith.constant 0 : i32
    return %c0_i32, %c0_i32_0 : i32, i32
  }
  func.func @transform_3(%arg0: i32) -> (i32, i32) {
    %c0_i32 = arith.constant 0 : i32
    %c0_i32_0 = arith.constant 0 : i32
    %c0_i32_1 = arith.constant 0 : i32
    return %c0_i32, %c0_i32_0 : i32, i32
  }
  func.func @transform_4(%arg0: i32) -> (i32, i32) {
    %c0_i32 = arith.constant 0 : i32
    %c0_i32_0 = arith.constant 0 : i32
    %c0_i32_1 = arith.constant 0 : i32
    return %c0_i32, %c0_i32_0 : i32, i32
  }
  func.func @transform_5(%arg0: i32) -> (i32, i32) {
    %c0_i32 = arith.constant 0 : i32
    %c0_i32_0 = arith.constant 0 : i32
    %c0_i32_1 = arith.constant 0 : i32
    return %c0_i32, %c0_i32_0 : i32, i32
  }
  func.func @transform_6(%arg0: i32) -> (i32, i32) {
    %c0_i32 = arith.constant 0 : i32
    %c0_i32_0 = arith.constant 0 : i32
    %c0_i32_1 = arith.constant 0 : i32
    return %c0_i32, %c0_i32_0 : i32, i32
  }
  func.func @transform_7(%arg0: i32) -> (i32, i32) {
    %c0_i32 = arith.constant 0 : i32
    %c0_i32_0 = arith.constant 0 : i32
    %c0_i32_1 = arith.constant 0 : i32
    return %c0_i32, %c0_i32_0 : i32, i32
  }
  func.func @transform_8(%arg0: i32) -> (i32, i32) {
    %c0_i32 = arith.constant 0 : i32
    %c0_i32_0 = arith.constant 0 : i32
    %c0_i32_1 = arith.constant 0 : i32
    return %c0_i32, %c0_i32_0 : i32, i32
  }
  func.func @transform_9(%arg0: i32) -> (i32, i32) {
    %c0_i32 = arith.constant 0 : i32
    %c0_i32_0 = arith.constant 0 : i32
    %c0_i32_1 = arith.constant 0 : i32
    return %c0_i32, %c0_i32_0 : i32, i32
  }
  func.func @transform_10(%arg0: i32) -> (i32, i32) {
    %c0_i32 = arith.constant 0 : i32
    %c0_i32_0 = arith.constant 0 : i32
    %c0_i32_1 = arith.constant 0 : i32
    return %c0_i32, %c0_i32_0 : i32, i32
  }
  func.func @transform_11(%arg0: i32) -> (i32, i32) {
    %c0_i32 = arith.constant 0 : i32
    %c0_i32_0 = arith.constant 0 : i32
    return %arg0, %c0_i32 : i32, i32
  }
}

</mosaic_0001>

<sc_bundles>
// kernel: body.29.cloned.1.call-start
scs
__scs_entry_jumppad:
0x0: {  	(pc) =	sbr.rel $0x88, $3  }
0x1: {  	(tag) =	ssettag $0x0;
	lr =	simm.s32 $0x1  }
0x2: {  	[smem:$0x3F61] =	sst lr;
	_ =	strace $0xD0000000  }
0x3: {  	_ = 	snop  }
0x4: {  	_ = 	snop  }
0x5: {  	_ = 	snop  }
0x6: {  	_ = 	snop  }
0x7: {  	_ = 	snop  }
__scs_overlays_trampoline_lowered:
0x8: {  	[smem:$0x3F70] =	sst s0  }
0x9: {  	[smem:$0x3F71] =	sst s1  }
0xa: {  	[smem:$0x3F72] =	sst s2  }
0xb: {  	[smem:$0x3F73] =	sst s3  }
0xc: {  	[smem:$0x3F74] =	sst s4  }
0xd: {  	[smem:$0x3F75] =	sst s5  }
0xe: {  	[smem:$0x3F76] =	sst s6  }
0xf: {  	[smem:$0x3F77] =	sst s7  }
0x10: {  	[smem:$0x3F78] =	sst s8  }
0x11: {  	[smem:$0x3F79] =	sst s9;
	s0 =	simm.s32 @!p0 $0x0  }
0x12: {  	s1 =	sld [smem:$0x3F5F];
	s0 =	simm.s32 @p0 $0x1  }
0x13: {  	[smem:$0x3F7A] =	sst s0;
	s0 =	simm.s32 @!p1 $0x0  }
0x14: {  	s2 =	sld [smem:$0x3F5E];
	s0 =	simm.s32 @p1 $0x1  }
0x15: {  	[smem:$0x3F7B] =	sst s0;
	s0 =	simm.s32 @!p2 $0x0  }
0x16: {  	s3 =	sld [smem:$0x3FDB];
	s0 =	simm.s32 @p2 $0x1  }
0x17: {  	s4 =	simm.s32 $0x1BF5;
	[smem:$0x3F7D] =	sst s0  }
0x18: {  	s0 =	sld [smem:$0x3F60];
	_ =	swait.ge [sflag:s4], $0x0  }
0x19: {  	s7 =	sld [smem:$0x3F61]  }
0x1a: {  	s8 =	sadd.s32 $0xFFFFE003, lr  }
0x1b: {  	s9 =	sadd.s32 $0xFFFFFEF7, lr;
	s5 =	simm.s32 $0xFFFFFFFF;
	p2 =	slt.u32 s8, $0xFFFFF086  }
0x1c: {  	p1 =	slt.u32 s9, $0xF7A;
	s5 =	simm.s32 @!p2 $0x0  }
0x1d: {  	s5 =	simm.s32 @p1 $0x1;
	p0 =	seq.s32 s7, s2  }
0x1e: {  	s7 =	smul.u32 @!p0 $0xF7A, s2;
	p2 =	seq.s32 @!p0 s5, $0x0  }
0x1f: {  	s9 =	smul.u32 $0xF7A, s1;
	s8 =	simm.s32 @!p0 $0x1BF5;
	p2 =	por !p2, p0  }
0x20: {  	[sflag:s8] =	ssyncset.s32 @!p0 $0xFFFFF086;
	s6 =	sadd.s32 @!p0 s3, s7;
	s7 =	simm.s32 @!p0 $0x108  }
0x21: {  	s3 =	sadd.s32 s3, s9;
	s6 =	sadd.s32 @!p0 $0x88, s6;
	s7 =	simm.s32 @p2 $0x1082  }
0x22: {  	[simem:s7], [sflag:s8] =	dma.local @!p0 [hbm:s6], $0xF7A  }
0x23: {  	s9 =	sor.u32 $0xD0000000, s2;
	s6 =	simm.s32 $0x108;
	_ =	swait.ge @!p0 [sflag:s8], $0x0  }
0x24: {  	s3 =	sadd.s32 $0x88, s3;
	s6 =	simm.s32 @!p1 $0x1082;
	[sflag:s4] =	ssyncset.s32 $0xFFFFF086  }
0x25: {  	[simem:s6], [sflag:s4] =	dma.local [hbm:s3], $0xF7A  }
0x26: {  	[smem:$0x3F61] =	sst s1;
	(tag) =	ssettag s2;
	_ =	strace s9  }
0x27: {  	s1 =	sld [smem:$0x3F71]  }
0x28: {  	s2 =	sld [smem:$0x3F72]  }
0x29: {  	s4 =	sld [smem:$0x3F74]  }
0x2a: {  	p0 =	seq.s32 s5, $0x0;
	s5 =	sld [smem:$0x3F75]  }
0x2b: {  	s6 =	sld [smem:$0x3F76]  }
0x2c: {  	s7 =	sld [smem:$0x3F77]  }
0x2d: {  	s3 =	simm.s32 $0x108;
	s8 =	sld [smem:$0x3F78]  }
0x2e: {  	s3 =	simm.s32 @!p0 $0x1082;
	s9 =	sld [smem:$0x3F79]  }
0x2f: {  	lr =	sadd.s32 s0, s3;
	s0 =	sld [smem:$0x3F70]  }
0x30: {  	s3 =	sld [smem:$0x3F73]  }
0x31: {  	[smem:$0x3F7C] =	sst s10  }
0x32: {  	s10 =	sld [smem:$0x3F7A];
	_ =	sdelay $0x3  }
0x33: {  	p0 =	seq.s32 s10, $0x1;
	s10 =	sld [smem:$0x3F7C];
	_ =	sdelay $0x3  }
0x34: {  	[smem:$0x3F7C] =	sst s10  }
0x35: {  	s10 =	sld [smem:$0x3F7B];
	_ =	sdelay $0x3  }
0x36: {  	p1 =	seq.s32 s10, $0x1;
	s10 =	sld [smem:$0x3F7C];
	_ =	sdelay $0x3  }
0x37: {  	[smem:$0x3F7C] =	sst s10  }
0x38: {  	s10 =	sld [smem:$0x3F7D]  }
0x39: {  	_ = 	snop;
	(pc) =	sbr.ind lr, $3  }
0x3a: {  	_ = 	snop  }
0x3b: {  	_ = 	snop  }
0x3c: {  	p2 =	seq.s32 s10, $0x1;
	s10 =	sld [smem:$0x3F7C]  }
0x3d: {  	_ =	shalt  }
0x3e: {  	_ =	shalt  }
0x3f: {  	_ =	shalt  }
0x40: {  	_ =	shalt  }
0x41: {  	_ =	shalt  }
0x42: {  	_ =	shalt  }
0x43: {  	_ =	shalt  }
0x44: {  	_ =	shalt  }
0x45: {  	_ =	shalt  }
0x46: {  	_ =	shalt  }
0x47: {  	_ =	shalt  }
0x48: {  	_ =	shalt  }
0x49: {  	_ =	shalt  }
0x4a: {  	_ =	shalt  }
0x4b: {  	_ =	shalt  }
0x4c: {  	_ =	shalt  }
0x4d: {  	_ =	shalt  }
0x4e: {  	_ =	shalt  }
0x4f: {  	_ =	shalt  }
0x50: {  	_ =	shalt  }
0x51: {  	_ =	shalt  }
0x52: {  	_ =	shalt  }
0x53: {  	_ =	shalt  }
0x54: {  	_ =	shalt  }
0x55: {  	_ =	shalt  }
0x56: {  	_ =	shalt  }
0x57: {  	_ =	shalt  }
0x58: {  	_ =	shalt  }
0x59: {  	_ =	shalt  }
0x5a: {  	_ =	shalt  }
0x5b: {  	_ =	shalt  }
0x5c: {  	_ =	shalt  }
0x5d: {  	_ =	shalt  }
0x5e: {  	_ =	shalt  }
0x5f: {  	_ =	shalt  }
0x60: {  	_ =	shalt  }
0x61: {  	_ =	shalt  }
0x62: {  	_ =	shalt  }
0x63: {  	_ =	shalt  }
0x64: {  	_ =	shalt  }
0x65: {  	_ =	shalt  }
0x66: {  	_ =	shalt  }
0x67: {  	_ =	shalt  }
0x68: {  	_ =	shalt  }
0x69: {  	_ =	shalt  }
0x6a: {  	_ =	shalt  }
0x6b: {  	_ =	shalt  }
0x6c: {  	_ =	shalt  }
0x6d: {  	_ =	shalt  }
0x6e: {  	_ =	shalt  }
0x6f: {  	_ =	shalt  }
0x70: {  	_ =	shalt  }
0x71: {  	_ =	shalt  }
0x72: {  	_ =	shalt  }
0x73: {  	_ =	shalt  }
0x74: {  	_ =	shalt  }
0x75: {  	_ =	shalt  }
0x76: {  	_ =	shalt  }
0x77: {  	_ =	shalt  }
0x78: {  	_ =	shalt  }
0x79: {  	_ =	shalt  }
0x7a: {  	_ =	shalt  }
0x7b: {  	_ =	shalt  }
0x7c: {  	_ =	shalt  }
0x7d: {  	_ =	shalt  }
0x7e: {  	_ =	shalt  }
0x7f: {  	_ =	shalt  }
0x80: {  	_ =	shalt  }
0x81: {  	_ =	shalt  }
0x82: {  	_ =	shalt  }
0x83: {  	_ =	shalt  }
0x84: {  	_ =	shalt  }
0x85: {  	_ =	shalt  }
0x86: {  	_ =	shalt  }
0x87: {  	_ =	shalt  }
.Lfunc_end0:
.L_simem_size_0:
called_computation_lowered:
.L_overlay_start_0:
0x88: {  	s2 =	sld [smem:$0x3FD9]  }
0x89: {  	s3 =	sld [smem:$0x3FFE];
	_ =	sdelay $0x1  }
0x8a: {  	s1 =	srdreg.scid  }
0x8b: {  	s0 =	sand.u32 $0x1, s1  }
0x8c: {  	s14 =	sshll.u32 s0, $0xA;
	s2 =	sadd.s32 s3, s2  }
0x8d: {  	s2 =	sadd.s32 s2, s14  }
0x8e: {  	[smem:$0x3F88] =	sst s2  }
0x8f: {  	_ = 	snop  }
0x90: {  	s2 =	sld [smem:$0x3FD0];
	_ =	sdelay $0x2  }
0x91: {  	s15 =	simm.s32 $0xA;
	s4 =	simm.s32 $0x10  }
0x92: {  	[smem:s4], [sflag:s15] =	dma.local [hbm:s2], $0x1  }
0x93: {  	_ =	swait.eq [sflag:s15], $0x1  }
0x94: {  	[sflag:s15] =	ssyncset.done $0x0  }
0x95: {  	[sflag:s15] =	ssyncadd.s32 $0xFFFFFFFF  }
0x96: {  	s16 =	sld [smem:$0x11];
	(tm) =	ssettm $0x1  }
0x97: {  	s17 =	sld [smem:$0x3FFB];
	_ =	sdelay $0x3  }
0x98: {  	_ =	strace s17  }
0x99: {  	s3 =	sld [smem:$0x3FFC];
	_ =	sdelay $0x3  }
0x9a: {  	_ =	strace s3  }
0x9b: {  	s3 =	sld [smem:$0x3FFD];
	_ =	sdelay $0x3  }
0x9c: {  	_ =	strace s3  }
0x9d: {  	_ =	strace $0x8FFFFFFF  }
0x9e: {  	s18 =	sld [smem:$0x3FDB];
	_ =	sdelay $0x1  }
0x9f: {  	s19 =	simm.s32 $_scs_section_size  }
0xa0: {  	s5 =	simm.s32 $_size__tile_overlayer_lowered;
	s6 =	simm.s32 $_tile_overlayer_lowered  }
0xa1: {  	s22 =	simm.s32 $0x1BFF;
	s21 =	sshll.u32 s6, $0x1;
	s3 =	sadd.s32 s19, s18  }
0xa2: {  	s7 =	simm.s32 $0x0;
	s20 =	sshll.u32 s5, $0x1;
	s5 =	sadd.s32 s21, s3  }
0xa3: {  	[timem:s7], [sflag:s22] =	dma.local [hbm:s5], s20  }
0xa4: {  	_ =	swait.ge [sflag:s22], s20  }
0xa5: {  	s4 =	ssub.s32 $0x0, s20;
	[sflag:s22] =	ssyncset.done $0x0  }
0xa6: {  	[sflag:s22] =	ssyncadd.s32 s4;
	_ =	sdelay $0x1  }
0xa7: {  	s23 =	simm.s32 $0x1B8B  }
0xa8: {  	_ =	swait.ge [sflag:s23], $0x1  }
0xa9: {  	[sflag:s23] =	ssyncset.done $0x0  }
0xaa: {  	s25 =	simm.s32 $0x1B8E;
	s24 =	sld [smem:$0x3FFE];
	[sflag:s23] =	ssyncadd.s32 $0xFFFFFFFF  }
0xab: {  	s26 =	simm.s32 $execute0_lowered;
	[smem:$0x3FD2] =	sst s25  }
0xac: {  	s5 =	sshll.u32 s26, $0x1;
	_ =	strace $0x80000049;
	[dreg:$0x1] =	wrdreg $0xFFFFFFFF  }
0xad: {  	s28 =	simm.s32 $_size_execute0_lowered;
	s3 =	sadd.s32 s3, s5;
	[dreg:$0x0] =	wrdreg $0x0  }
0xae: {  	s5 =	sshll.u32 s28, $0x1;
	[dreg:$0x2] =	wrdreg s3  }
0xaf: {  	[dreg:$0x3] =	wrdreg s5  }
0xb0: {  	[dreg:$0x4] =	wrdreg $0xC0  }
0xb1: {  	_ =	task [dreg:s7], $0x5FFFF  }
0xb2: {  	[dreg:$0x1] =	wrdreg $0xFFFFFFFF  }
0xb3: {  	[dreg:$0x0] =	wrdreg $0x60  }
0xb4: {  	[dreg:$0x2] =	wrdreg s24  }
0xb5: {  	[dreg:$0x3] =	wrdreg s16  }
0xb6: {  	[dreg:$0x4] =	wrdreg $0x81000  }
0xb7: {  	[dreg:$0x5] =	wrdreg $0x9  }
0xb8: {  	_ =	task.clear_ibuf [dreg:s7], $0x6FFFF;
	_ =	strace $0x90000049  }
0xb9: {  	s29 =	simm.s32 $0x9;
	_ =	strace $0x8000004B  }
0xba: {  	_ =	swait.ge [sflag:s29], $0x1  }
0xbb: {  	[sflag:s29] =	ssyncadd.s32 $0xFFFFFFFF  }
0xbc: {  	_ =	strace $0x9000004B  }
0xbd: {  	_ =	sfence  }
0xbe: {  	s30 =	sld [smem:$0x0];
	_ =	sdelay $0x2  }
0xbf: {  	s31 =	sshll.u32 s1, $0xD;
	s1 =	sshrl.u32 s1, $0x2  }
0xc0: {  	s3 =	sand.u32 $0x4000, s31;
	s1 =	sadd.s32 s1, s30  }
0xc1: {  	s0 =	sor.u32 s3, s0;
	s1 =	sshll.u32 s1, $0x11  }
0xc2: {  	s0 =	sor.u32 s1, s0  }
0xc3: {  	s0 =	sadd.s32 $0x8F2B, s0  }
0xc4: {  	[sflag:s0] =	ssyncadd.remote.s32 $0x1  }
0xc5: {  	_ =	sfence.sel $0xFFFF  }
0xc6: {  	[dreg:$0x0] =	wrdreg $0xFFFFFFFF;
	(pc) =	sbr.abs _section_cstart, $3  }
0xc7: {  	[dreg:$0x1] =	wrdreg $0xFFFFFFFF  }
0xc8: {  	_ =	task.clear_ibuf [dreg:s7], $0x2FFFF;
	_ =	strace $0x9FFFFFFF  }
0xc9: {  	(tm) =	ssettm $0x7FFFFFFF  }
tec
execute0_lowered:
.L_overlay_start_1:
0x0: {  	(tag) =	ssettag $0x1  }
0x1: {  	s5 =	rddreg [dreg:$0x0]  }
0x2: {  	s11 =	rddreg [dreg:$0x1]  }
0x3: {  	s0 =	srdreg.scid;
	s2 =	rddreg [dreg:$0x2]  }
0x4: {  	s1 =	stileid.u32;
	s3 =	simm.s32 $0x0;
	s14 =	simm.s32 $0x80  }
0x5: {  	s15 =	simm.s32 $0x1;
	s16 =	simm.s32 $0x100;
	s17 =	simm.s32 $0x2  }
0x6: {  	s20 =	simm.s32 $0x0;
	s6 =	sand.u32 $0x1, s0;
	s8 =	smul.u32 $0x1400, s1  }
0x7: {  	s0 =	rddreg [dreg:$0x3];
	s7 =	sshll.u32 s1, $0x7;
	s10 =	smul.u32 $0x28000, s1  }
0x8: {  	[smem:$0x7FF] =	sst s3;
	s13 =	sshll.u32 s1, $0x4;
	s4 =	smul.u32 $0x50000, s6  }
0x9: {  	s18 =	sshll.u32 s1, $0x6;
	s26 =	smul.u32 $0x14000, s6;
	_ =	strace $0x8000004A  }
0xa: {  	s6 =	ssub.s32 $0x2, s6;
	s11 =	sadd.s32 s13, s11;
	s13 =	simm.s32 $0x3  }
0xb: {  	s18 =	sor.u32 $0x1C03, s18;
	s28 =	sshrl.u32 s10, $0x2;
	s30 =	sshrl.u32 s6, $0x1  }
0xc: {  	s4 =	sor.u32 s7, s4;
	s7 =	sadd.s32 s8, s26;
	s31 =	ssub.s32 s6, s30  }
0xd: {  	s9 =	sshrl.u32 s4, $0x3;
	s4 =	sadd.s32 $0xC5800, s5;
	s29 =	sadd.s32 s7, s5  }
0xe: {  	s12 =	sadd.s32 s9, s5;
	s5 =	sadd.s32 s28, s2;
	s8 =	sadd.s32 $0x113A00, s29  }
0xf: {  	s9 =	smax.u32 s31, $0x1;
	s6 =	sadd.s32 $0x4000, s5;
	s7 =	sadd.s32 $0x8000, s5  }
0x10: {  	v0 =	vimm.f32 $0.0e+00;
	s10 =	sadd.s32 $0xAD800, s12;
	s12 =	simm.s32 $0x4100;
	s19 =	sshrl.u32 s5, $0x3  }
.LBB2_1:
0x11: {  	s21 =	simm.s32 $0x0;
	s22 =	simm.s32 $0x200  }
.LBB2_2:
0x12: {  	p0 =	sne.s32 s22, $0xFE00;
	[tilespmem:s21+$0x4170] =	vst v0  }
0x13: {  	[tilespmem:s21+$0x4100] =	vst v0  }
0x14: {  	[tilespmem:s21+$0x4110] =	vst v0  }
.Ltmp0:
0x15: {  	[tilespmem:s21+$0x4120] =	vst v0;
	(pc) =	sbr.rel @p0 .LBB2_2-.Ltmp0, $4  }
0x16: {  	[tilespmem:s21+$0x4130] =	vst v0  }
0x17: {  	[tilespmem:s21+$0x4140] =	vst v0  }
0x18: {  	[tilespmem:s21+$0x4150] =	vst v0  }
0x19: {  	[tilespmem:s21+$0x4160] =	vst v0;
	s21 =	sshra.s32 s22, $0x2;
	s22 =	sadd.s32 $0x200, s22  }
0x1a: {  	[tilespmem:s21+$0x4170] =	vst v0  }
0x1b: {  	[tilespmem:s21+$0x4100] =	vst v0  }
0x1c: {  	[tilespmem:s21+$0x4110] =	vst v0  }
0x1d: {  	[tilespmem:s21+$0x4120] =	vst v0  }
0x1e: {  	[tilespmem:s21+$0x4130] =	vst v0  }
0x1f: {  	[tilespmem:s21+$0x4140] =	vst v0  }
0x20: {  	[tilespmem:s21+$0x4150] =	vst v0  }
0x21: {  	[tilespmem:s21+$0x4160] =	vst v0  }
0x22: {  	[spmem:s5] =	stream.linear.scatter [tilespmem:s12], [sflag:$0x3], $0x4000, $0x38;
	[tilespmem:$0x12100] =	vst v63  }
0x23: {  	_ =	swait.ge [sflag:s13], $0x4000  }
0x24: {  	[sflag:s13] =	ssyncset.done $0x0  }
0x25: {  	[sflag:s13] =	ssyncadd.s32 $0xFFFFC000  }
0x26: {  	[spmem:s6] =	stream.linear.scatter [tilespmem:s12], [sflag:$0x3], $0x4000, $0x38;
	[tilespmem:$0x12100] =	vst v63  }
0x27: {  	_ =	swait.ge [sflag:s13], $0x4000  }
0x28: {  	[sflag:s13] =	ssyncset.done $0x0  }
0x29: {  	[sflag:s13] =	ssyncadd.s32 $0xFFFFC000  }
0x2a: {  	[spmem:s7] =	stream.linear.scatter [tilespmem:s12], [sflag:$0x3], $0x2000, $0x38;
	[tilespmem:$0x12100] =	vst v63  }
0x2b: {  	_ =	swait.ge [sflag:s13], $0x2000  }
0x2c: {  	[sflag:s13] =	ssyncset.done $0x0  }
0x2d: {  	[sflag:s13] =	ssyncadd.s32 $0xFFFFE000  }
0x2e: {  	s30 =	sadd.s32 $0x0, s10;
	[bflag:$0x0] =	sbarrier.arrive $0xFFFF  }
0x2f: {  	[tilespmem:s3], [sflag:$0x1] =	stream.linear.gather [hbm4b:s30+s3], $0x80, $0x38;
	[tilespmem:$0x12100] =	vst v63  }
0x30: {  	s31 =	sadd.s32 $0x0, s11  }
0x31: {  	[tilespmem:s14], [sflag:$0x1] =	stream.linear.gather [hbm4b:s31+s3], $0x80, $0x38;
	[tilespmem:$0x12100] =	vst v63  }
0x32: {  	_ =	swait.ge [sflag:s15], $0x80  }
0x33: {  	[sflag:s15] =	ssyncset.done $0x0  }
0x34: {  	[sflag:s15] =	ssyncadd.s32 $0xFFFFFF80  }
0x35: {  	_ =	swait.ge [sflag:s15], $0x80  }
0x36: {  	[sflag:s15] =	ssyncset.done $0x0  }
0x37: {  	[sflag:s15] =	ssyncadd.s32 $0xFFFFFF80  }
0x38: {  	[tilespmem:s16], [sflag:$0x2] =	stream.indirect.gather [hbm4b:s4+s14], $0x80, s3, s14, $0xb8;
	[tilespmem:$0x12100] =	vst v63  }
0x39: {  	_ =	swait.ge [sflag:s17], $0x4000  }
0x3a: {  	[sflag:s17] =	ssyncset.done $0x0  }
0x3b: {  	[sflag:s17] =	ssyncadd.s32 $0xFFFFC000  }
0x3c: {  	[spmem:s2] =	stream.indirect.scatter.add.f32 [tilespmem:s16], [sflag:$0x3], $0x80, s14, s14, $0xb8;
	[tilespmem:$0x12100] =	vst v63  }
0x3d: {  	_ =	swait.ge [sflag:s13], $0x4000  }
0x3e: {  	s21 =	simm.s32 $0x100;
	s22 =	simm.s32 $0x200;
	[sflag:s13] =	ssyncset.done $0x0  }
.LBB2_4:
0x3f: {  	s23 =	sadd.s32 s21, s10  }
0x40: {  	[sflag:s13] =	ssyncadd.s32 $0xFFFFC000;
	s24 =	smov.u32 s22;
	s25 =	sadd.s32 $0x100, s22  }
0x41: {  	[tilespmem:s3], [sflag:$0x1] =	stream.linear.gather [hbm4b:s23+s3], $0x80, $0x38;
	[tilespmem:$0x12100] =	vst v63  }
0x42: {  	p0 =	sne.s32 s22, $0x9F00;
	s22 =	sadd.s32 s21, s11;
	s21 =	smov.u32 s24  }
0x43: {  	[tilespmem:s14], [sflag:$0x1] =	stream.linear.gather [hbm4b:s22+s3], $0x80, $0x38;
	[tilespmem:$0x12100] =	vst v63  }
0x44: {  	_ =	swait.ge [sflag:s15], $0x80  }
0x45: {  	[sflag:s15] =	ssyncset.done $0x0  }
0x46: {  	[sflag:s15] =	ssyncadd.s32 $0xFFFFFF80  }
0x47: {  	_ =	swait.ge [sflag:s15], $0x80  }
0x48: {  	[sflag:s15] =	ssyncset.done $0x0  }
0x49: {  	[sflag:s15] =	ssyncadd.s32 $0xFFFFFF80  }
0x4a: {  	[tilespmem:s16], [sflag:$0x2] =	stream.indirect.gather [hbm4b:s4+s14], $0x80, s3, s14, $0xb8;
	[tilespmem:$0x12100] =	vst v63  }
0x4b: {  	_ =	swait.ge [sflag:s17], $0x4000  }
.Ltmp1:
0x4c: {  	[sflag:s17] =	ssyncset.done $0x0;
	(pc) =	sbr.rel @p0 .LBB2_4-.Ltmp1, $4  }
0x4d: {  	[sflag:s17] =	ssyncadd.s32 $0xFFFFC000  }
0x4e: {  	[spmem:s2] =	stream.indirect.scatter.add.f32 [tilespmem:s16], [sflag:$0x3], $0x80, s14, s14, $0xb8;
	[tilespmem:$0x12100] =	vst v63  }
0x4f: {  	_ =	swait.ge [sflag:s13], $0x4000  }
0x50: {  	s22 =	smov.u32 s25;
	[sflag:s13] =	ssyncset.done $0x0  }
0x51: {  	s22 =	sadd.s32 s21, s10;
	[sflag:s13] =	ssyncadd.s32 $0xFFFFC000  }
0x52: {  	[tilespmem:s3], [sflag:$0x1] =	stream.linear.gather [hbm4b:s22+s3], $0x80, $0x38;
	[tilespmem:$0x12100] =	vst v63  }
0x53: {  	s31 =	sadd.s32 s21, s11  }
0x54: {  	[tilespmem:s14], [sflag:$0x1] =	stream.linear.gather [hbm4b:s31+s3], $0x80, $0x38;
	[tilespmem:$0x12100] =	vst v63  }
0x55: {  	_ =	swait.ge [sflag:s15], $0x80  }
0x56: {  	[sflag:s15] =	ssyncset.done $0x0  }
0x57: {  	[sflag:s15] =	ssyncadd.s32 $0xFFFFFF80  }
0x58: {  	_ =	swait.ge [sflag:s15], $0x80  }
0x59: {  	[sflag:s15] =	ssyncset.done $0x0  }
0x5a: {  	[sflag:s15] =	ssyncadd.s32 $0xFFFFFF80  }
0x5b: {  	[tilespmem:s16], [sflag:$0x2] =	stream.indirect.gather [hbm4b:s4+s14], $0x80, s3, s14, $0xb8;
	[tilespmem:$0x12100] =	vst v63  }
0x5c: {  	_ =	swait.ge [sflag:s17], $0x4000  }
0x5d: {  	[sflag:s17] =	ssyncset.done $0x0  }
0x5e: {  	[sflag:s17] =	ssyncadd.s32 $0xFFFFC000  }
0x5f: {  	[spmem:s2] =	stream.indirect.scatter.add.f32 [tilespmem:s16], [sflag:$0x3], $0x80, s14, s14, $0xb8;
	[tilespmem:$0x12100] =	vst v63  }
0x60: {  	_ =	swait.ge [sflag:s13], $0x4000  }
0x61: {  	s20 =	sadd.s32 $0x1, s20;
	[sflag:s13] =	ssyncset.done $0x0  }
0x62: {  	p0 =	sne.s32 s20, s9;
	[sflag:s13] =	ssyncadd.s32 $0xFFFFC000  }
.Ltmp2:
0x63: {  	[bflag:$0x0] =	sbarrier.arrive $0xFFFF;
	(pc) =	sbr.rel @p0 .LBB2_1-.Ltmp2, $4  }
0x64: {  	[hbm:s8], [sflag:s18] =	dma.local [spmem:s19], $0x1400  }
0x65: {  	_ =	swait.ge [sflag:s13], $0x1400  }
0x66: {  	[sflag:s13] =	ssyncset.done $0x0  }
0x67: {  	[sflag:s13] =	ssyncadd.s32 $0xFFFFEC00  }
0x68: {  	_ =	sfence.sel $0x180000  }
0x69: {  	[bflag:$0x0] =	sbarrier.arrive $0xFFFF  }
0x6a: {  	p0 =	sne.s32 s1, $0x0;
	_ =	strace $0x9000004A  }
0x6b: {  	s0 =	sadd.s32 @!p0 $0x100000, s0;
	[bflag:$0x2] =	sbarrier.arrive $0xFFFF  }
0x6c: {  	[sflag:s0] =	ssyncadd.tile.s32 @!p0 $0x1;
	_ =	shalt  }
.Lfunc_end2:
_tile_overlayer_lowered:
.L_overlay_start_2:
0x6d: {  	(tag) =	ssettag $0x2  }
0x6e: {  	s0 =	rddreg [dreg:$0x0];
	s2 =	stileid.u32  }
0x6f: {  	s1 =	rddreg [dreg:$0x1];
	p0 =	sne.s32 s2, $0x0  }
0x70: {  	s3 =	rddreg [dreg:$0x2];
	[bflag:$0x3] =	sbarrier.arrive $0xFFFF;
	s2 =	simm.s32 @!p0 $0x1C03  }
0x71: {  	[timem:s3], [sflag:s2] =	dma.local @!p0 [hbm:s0], s1  }
0x72: {  	s0 =	simm.s32 @!p0 $0x3  }
0x73: {  	_ =	swait.ge @!p0 [sflag:s0], s1  }
0x74: {  	s1 =	ssub.s32 @!p0 $0x0, s1;
	[sflag:s0] =	ssyncset.done @!p0 $0x0  }
0x75: {  	[sflag:s0] =	ssyncadd.s32 @!p0 s1  }
0x76: {  	[bflag:$0x3] =	sbarrier.arrive $0xFFFF  }
0x77: {  	_ =	shalt  }

// kernel: body.32.cloned.1.call-start
scs
__scs_entry_jumppad:
0x0: {  	(pc) =	sbr.rel $0x88, $3  }
0x1: {  	(tag) =	ssettag $0x0;
	lr =	simm.s32 $0x1  }
0x2: {  	[smem:$0x3F61] =	sst lr;
	_ =	strace $0xD0000000  }
0x3: {  	_ = 	snop  }
0x4: {  	_ = 	snop  }
0x5: {  	_ = 	snop  }
0x6: {  	_ = 	snop  }
0x7: {  	_ = 	snop  }
__scs_overlays_trampoline_lowered:
0x8: {  	[smem:$0x3F70] =	sst s0  }
0x9: {  	[smem:$0x3F71] =	sst s1  }
0xa: {  	[smem:$0x3F72] =	sst s2  }
0xb: {  	[smem:$0x3F73] =	sst s3  }
0xc: {  	[smem:$0x3F74] =	sst s4  }
0xd: {  	[smem:$0x3F75] =	sst s5  }
0xe: {  	[smem:$0x3F76] =	sst s6  }
0xf: {  	[smem:$0x3F77] =	sst s7  }
0x10: {  	[smem:$0x3F78] =	sst s8  }
0x11: {  	[smem:$0x3F79] =	sst s9;
	s0 =	simm.s32 @!p0 $0x0  }
0x12: {  	s1 =	sld [smem:$0x3F5F];
	s0 =	simm.s32 @p0 $0x1  }
0x13: {  	[smem:$0x3F7A] =	sst s0;
	s0 =	simm.s32 @!p1 $0x0  }
0x14: {  	s2 =	sld [smem:$0x3F5E];
	s0 =	simm.s32 @p1 $0x1  }
0x15: {  	[smem:$0x3F7B] =	sst s0;
	s0 =	simm.s32 @!p2 $0x0  }
0x16: {  	s3 =	sld [smem:$0x3FDB];
	s0 =	simm.s32 @p2 $0x1  }
0x17: {  	s4 =	simm.s32 $0x1BF5;
	[smem:$0x3F7D] =	sst s0  }
0x18: {  	s0 =	sld [smem:$0x3F60];
	_ =	swait.ge [sflag:s4], $0x0  }
0x19: {  	s7 =	sld [smem:$0x3F61]  }
0x1a: {  	s8 =	sadd.s32 $0xFFFFE003, lr  }
0x1b: {  	s9 =	sadd.s32 $0xFFFFFEF7, lr;
	s5 =	simm.s32 $0xFFFFFFFF;
	p2 =	slt.u32 s8, $0xFFFFF086  }
0x1c: {  	p1 =	slt.u32 s9, $0xF7A;
	s5 =	simm.s32 @!p2 $0x0  }
0x1d: {  	s5 =	simm.s32 @p1 $0x1;
	p0 =	seq.s32 s7, s2  }
0x1e: {  	s7 =	smul.u32 @!p0 $0xF7A, s2;
	p2 =	seq.s32 @!p0 s5, $0x0  }
0x1f: {  	s9 =	smul.u32 $0xF7A, s1;
	s8 =	simm.s32 @!p0 $0x1BF5;
	p2 =	por !p2, p0  }
0x20: {  	[sflag:s8] =	ssyncset.s32 @!p0 $0xFFFFF086;
	s6 =	sadd.s32 @!p0 s3, s7;
	s7 =	simm.s32 @!p0 $0x108  }
0x21: {  	s3 =	sadd.s32 s3, s9;
	s6 =	sadd.s32 @!p0 $0x88, s6;
	s7 =	simm.s32 @p2 $0x1082  }
0x22: {  	[simem:s7], [sflag:s8] =	dma.local @!p0 [hbm:s6], $0xF7A  }
0x23: {  	s9 =	sor.u32 $0xD0000000, s2;
	s6 =	simm.s32 $0x108;
	_ =	swait.ge @!p0 [sflag:s8], $0x0  }
0x24: {  	s3 =	sadd.s32 $0x88, s3;
	s6 =	simm.s32 @!p1 $0x1082;
	[sflag:s4] =	ssyncset.s32 $0xFFFFF086  }
0x25: {  	[simem:s6], [sflag:s4] =	dma.local [hbm:s3], $0xF7A  }
0x26: {  	[smem:$0x3F61] =	sst s1;
	(tag) =	ssettag s2;
	_ =	strace s9  }
0x27: {  	s1 =	sld [smem:$0x3F71]  }
0x28: {  	s2 =	sld [smem:$0x3F72]  }
0x29: {  	s4 =	sld [smem:$0x3F74]  }
0x2a: {  	p0 =	seq.s32 s5, $0x0;
	s5 =	sld [smem:$0x3F75]  }
0x2b: {  	s6 =	sld [smem:$0x3F76]  }
0x2c: {  	s7 =	sld [smem:$0x3F77]  }
0x2d: {  	s3 =	simm.s32 $0x108;
	s8 =	sld [smem:$0x3F78]  }
0x2e: {  	s3 =	simm.s32 @!p0 $0x1082;
	s9 =	sld [smem:$0x3F79]  }
0x2f: {  	lr =	sadd.s32 s0, s3;
	s0 =	sld [smem:$0x3F70]  }
0x30: {  	s3 =	sld [smem:$0x3F73]  }
0x31: {  	[smem:$0x3F7C] =	sst s10  }
0x32: {  	s10 =	sld [smem:$0x3F7A];
	_ =	sdelay $0x3  }
0x33: {  	p0 =	seq.s32 s10, $0x1;
	s10 =	sld [smem:$0x3F7C];
	_ =	sdelay $0x3  }
0x34: {  	[smem:$0x3F7C] =	sst s10  }
0x35: {  	s10 =	sld [smem:$0x3F7B];
	_ =	sdelay $0x3  }
0x36: {  	p1 =	seq.s32 s10, $0x1;
	s10 =	sld [smem:$0x3F7C];
	_ =	sdelay $0x3  }
0x37: {  	[smem:$0x3F7C] =	sst s10  }
0x38: {  	s10 =	sld [smem:$0x3F7D]  }
0x39: {  	_ = 	snop;
	(pc) =	sbr.ind lr, $3  }
0x3a: {  	_ = 	snop  }
0x3b: {  	_ = 	snop  }
0x3c: {  	p2 =	seq.s32 s10, $0x1;
	s10 =	sld [smem:$0x3F7C]  }
0x3d: {  	_ =	shalt  }
0x3e: {  	_ =	shalt  }
0x3f: {  	_ =	shalt  }
0x40: {  	_ =	shalt  }
0x41: {  	_ =	shalt  }
0x42: {  	_ =	shalt  }
0x43: {  	_ =	shalt  }
0x44: {  	_ =	shalt  }
0x45: {  	_ =	shalt  }
0x46: {  	_ =	shalt  }
0x47: {  	_ =	shalt  }
0x48: {  	_ =	shalt  }
0x49: {  	_ =	shalt  }
0x4a: {  	_ =	shalt  }
0x4b: {  	_ =	shalt  }
0x4c: {  	_ =	shalt  }
0x4d: {  	_ =	shalt  }
0x4e: {  	_ =	shalt  }
0x4f: {  	_ =	shalt  }
0x50: {  	_ =	shalt  }
0x51: {  	_ =	shalt  }
0x52: {  	_ =	shalt  }
0x53: {  	_ =	shalt  }
0x54: {  	_ =	shalt  }
0x55: {  	_ =	shalt  }
0x56: {  	_ =	shalt  }
0x57: {  	_ =	shalt  }
0x58: {  	_ =	shalt  }
0x59: {  	_ =	shalt  }
0x5a: {  	_ =	shalt  }
0x5b: {  	_ =	shalt  }
0x5c: {  	_ =	shalt  }
0x5d: {  	_ =	shalt  }
0x5e: {  	_ =	shalt  }
0x5f: {  	_ =	shalt  }
0x60: {  	_ =	shalt  }
0x61: {  	_ =	shalt  }
0x62: {  	_ =	shalt  }
0x63: {  	_ =	shalt  }
0x64: {  	_ =	shalt  }
0x65: {  	_ =	shalt  }
0x66: {  	_ =	shalt  }
0x67: {  	_ =	shalt  }
0x68: {  	_ =	shalt  }
0x69: {  	_ =	shalt  }
0x6a: {  	_ =	shalt  }
0x6b: {  	_ =	shalt  }
0x6c: {  	_ =	shalt  }
0x6d: {  	_ =	shalt  }
0x6e: {  	_ =	shalt  }
0x6f: {  	_ =	shalt  }
0x70: {  	_ =	shalt  }
0x71: {  	_ =	shalt  }
0x72: {  	_ =	shalt  }
0x73: {  	_ =	shalt  }
0x74: {  	_ =	shalt  }
0x75: {  	_ =	shalt  }
0x76: {  	_ =	shalt  }
0x77: {  	_ =	shalt  }
0x78: {  	_ =	shalt  }
0x79: {  	_ =	shalt  }
0x7a: {  	_ =	shalt  }
0x7b: {  	_ =	shalt  }
0x7c: {  	_ =	shalt  }
0x7d: {  	_ =	shalt  }
0x7e: {  	_ =	shalt  }
0x7f: {  	_ =	shalt  }
0x80: {  	_ =	shalt  }
0x81: {  	_ =	shalt  }
0x82: {  	_ =	shalt  }
0x83: {  	_ =	shalt  }
0x84: {  	_ =	shalt  }
0x85: {  	_ =	shalt  }
0x86: {  	_ =	shalt  }
0x87: {  	_ =	shalt  }
.Lfunc_end0:
.L_simem_size_0:
called_computation.1_lowered:
.L_overlay_start_0:
0x88: {  	s2 =	sld [smem:$0x3FD9]  }
0x89: {  	s3 =	sld [smem:$0x3FFE];
	_ =	sdelay $0x1  }
0x8a: {  	s1 =	srdreg.scid  }
0x8b: {  	s0 =	sand.u32 $0x1, s1  }
0x8c: {  	s14 =	sshll.u32 s0, $0xA;
	s2 =	sadd.s32 s3, s2  }
0x8d: {  	s2 =	sadd.s32 s2, s14  }
0x8e: {  	[smem:$0x3F88] =	sst s2  }
0x8f: {  	_ = 	snop  }
0x90: {  	s2 =	sld [smem:$0x3FD0];
	_ =	sdelay $0x2  }
0x91: {  	s15 =	simm.s32 $0xA;
	s4 =	simm.s32 $0x10  }
0x92: {  	[smem:s4], [sflag:s15] =	dma.local [hbm:s2], $0x1  }
0x93: {  	_ =	swait.eq [sflag:s15], $0x1  }
0x94: {  	[sflag:s15] =	ssyncset.done $0x0  }
0x95: {  	[sflag:s15] =	ssyncadd.s32 $0xFFFFFFFF  }
0x96: {  	s16 =	sld [smem:$0x10];
	(tm) =	ssettm $0x1  }
0x97: {  	s17 =	sld [smem:$0x3FFB];
	_ =	sdelay $0x3  }
0x98: {  	_ =	strace s17  }
0x99: {  	s3 =	sld [smem:$0x3FFC];
	_ =	sdelay $0x3  }
0x9a: {  	_ =	strace s3  }
0x9b: {  	s3 =	sld [smem:$0x3FFD];
	_ =	sdelay $0x3  }
0x9c: {  	_ =	strace s3  }
0x9d: {  	_ =	strace $0x8FFFFFFF  }
0x9e: {  	s18 =	sld [smem:$0x3FDB];
	_ =	sdelay $0x1  }
0x9f: {  	s19 =	simm.s32 $_scs_section_size  }
0xa0: {  	s5 =	simm.s32 $_size__tile_overlayer_lowered;
	s6 =	simm.s32 $_tile_overlayer_lowered  }
0xa1: {  	s22 =	simm.s32 $0x1BFF;
	s21 =	sshll.u32 s6, $0x1;
	s3 =	sadd.s32 s19, s18  }
0xa2: {  	s7 =	simm.s32 $0x0;
	s20 =	sshll.u32 s5, $0x1;
	s5 =	sadd.s32 s21, s3  }
0xa3: {  	[timem:s7], [sflag:s22] =	dma.local [hbm:s5], s20  }
0xa4: {  	_ =	swait.ge [sflag:s22], s20  }
0xa5: {  	s4 =	ssub.s32 $0x0, s20;
	[sflag:s22] =	ssyncset.done $0x0  }
0xa6: {  	[sflag:s22] =	ssyncadd.s32 s4;
	_ =	sdelay $0x1  }
0xa7: {  	s23 =	simm.s32 $0x1B8B  }
0xa8: {  	_ =	swait.ge [sflag:s23], $0x1  }
0xa9: {  	[sflag:s23] =	ssyncset.done $0x0  }
0xaa: {  	s25 =	simm.s32 $0x1B8E;
	s24 =	sld [smem:$0x3FFE];
	[sflag:s23] =	ssyncadd.s32 $0xFFFFFFFF  }
0xab: {  	s26 =	simm.s32 $execute0_lowered;
	[smem:$0x3FD2] =	sst s25  }
0xac: {  	s5 =	sshll.u32 s26, $0x1;
	_ =	strace $0x8000004C;
	[dreg:$0x1] =	wrdreg $0xFFFFFFFF  }
0xad: {  	s28 =	simm.s32 $_size_execute0_lowered;
	s3 =	sadd.s32 s3, s5;
	[dreg:$0x0] =	wrdreg $0x0  }
0xae: {  	s5 =	sshll.u32 s28, $0x1;
	[dreg:$0x2] =	wrdreg s3  }
0xaf: {  	[dreg:$0x3] =	wrdreg s5  }
0xb0: {  	[dreg:$0x4] =	wrdreg $0xC0  }
0xb1: {  	_ =	task [dreg:s7], $0x5FFFF  }
0xb2: {  	[dreg:$0x1] =	wrdreg $0xFFFFFFFF  }
0xb3: {  	[dreg:$0x0] =	wrdreg $0x60  }
0xb4: {  	[dreg:$0x2] =	wrdreg s16  }
0xb5: {  	[dreg:$0x3] =	wrdreg s24  }
0xb6: {  	[dreg:$0x4] =	wrdreg $0x81000  }
0xb7: {  	[dreg:$0x5] =	wrdreg $0x9  }
0xb8: {  	_ =	task.clear_ibuf [dreg:s7], $0x6FFFF;
	_ =	strace $0x9000004C  }
0xb9: {  	s29 =	simm.s32 $0x9;
	_ =	strace $0x8000004E  }
0xba: {  	_ =	swait.ge [sflag:s29], $0x1  }
0xbb: {  	[sflag:s29] =	ssyncadd.s32 $0xFFFFFFFF  }
0xbc: {  	_ =	strace $0x9000004E  }
0xbd: {  	_ =	sfence  }
0xbe: {  	s30 =	sld [smem:$0x0];
	_ =	sdelay $0x2  }
0xbf: {  	s31 =	sshll.u32 s1, $0xD;
	s1 =	sshrl.u32 s1, $0x2  }
0xc0: {  	s3 =	sand.u32 $0x4000, s31;
	s1 =	sadd.s32 s1, s30  }
0xc1: {  	s0 =	sor.u32 s3, s0;
	s1 =	sshll.u32 s1, $0x11  }
0xc2: {  	s0 =	sor.u32 s1, s0  }
0xc3: {  	s0 =	sadd.s32 $0x8F2B, s0  }
0xc4: {  	[sflag:s0] =	ssyncadd.remote.s32 $0x1  }
0xc5: {  	_ =	sfence.sel $0xFFFF  }
0xc6: {  	[dreg:$0x0] =	wrdreg $0xFFFFFFFF;
	(pc) =	sbr.abs _section_cstart, $3  }
0xc7: {  	[dreg:$0x1] =	wrdreg $0xFFFFFFFF  }
0xc8: {  	_ =	task.clear_ibuf [dreg:s7], $0x2FFFF;
	_ =	strace $0x9FFFFFFF  }
0xc9: {  	(tm) =	ssettm $0x7FFFFFFF  }
tec
execute0_lowered:
.L_overlay_start_1:
0x0: {  	(tag) =	ssettag $0x1  }
0x1: {  	s1 =	rddreg [dreg:$0x0]  }
0x2: {  	s5 =	rddreg [dreg:$0x1]  }
0x3: {  	s2 =	rddreg [dreg:$0x2]  }
0x4: {  	s3 =	srdreg.scid;
	s0 =	rddreg [dreg:$0x3];
	s4 =	simm.s32 $0x0  }
0x5: {  	s14 =	simm.s32 $0x4100;
	s15 =	simm.s32 $0x3;
	s16 =	simm.s32 $0x80  }
0x6: {  	s17 =	simm.s32 $0x1;
	s18 =	simm.s32 $0x100;
	s6 =	sand.u32 $0x1, s3  }
0x7: {  	s19 =	simm.s32 $0x2;
	s3 =	stileid.u32;
	s7 =	smul.u32 $0x50000, s6  }
0x8: {  	s22 =	simm.s32 $0x0;
	[smem:$0x7FF] =	sst s4;
	s9 =	smul.u32 $0x2800, s3  }
0x9: {  	s8 =	sshll.u32 s3, $0x7;
	_ =	strace $0x8000004D;
	s25 =	smul.u32 $0x28000, s6  }
0xa: {  	s10 =	sshll.u32 s3, $0x4;
	s11 =	smul.u32 $0x50000, s3;
	s6 =	ssub.s32 $0x2, s6  }
0xb: {  	s20 =	sshll.u32 s3, $0x6;
	s13 =	sadd.s32 s10, s5;
	s28 =	sshrl.u32 s6, $0x1  }
0xc: {  	s20 =	sor.u32 $0x1C03, s20;
	s7 =	sor.u32 s8, s7;
	s26 =	sadd.s32 s9, s25  }
0xd: {  	s29 =	sshrl.u32 s11, $0x2;
	s31 =	ssub.s32 s6, s28;
	s13 =	sadd.s32 $0x54E00, s13  }
0xe: {  	s7 =	sshrl.u32 s7, $0x3;
	s30 =	sadd.s32 s26, s5;
	s11 =	smax.u32 s31, $0x1  }
0xf: {  	s12 =	sadd.s32 s7, s5;
	s5 =	sadd.s32 s29, s2;
	s10 =	sadd.s32 $0xC5800, s30  }
0x10: {  	s6 =	sadd.s32 $0x4000, s5;
	s7 =	sadd.s32 $0x8000, s5;
	s8 =	sadd.s32 $0xC000, s5  }
0x11: {  	v0 =	vimm.f32 $0.0e+00;
	s9 =	sadd.s32 $0x10000, s5;
	s12 =	sadd.s32 $0x5EE00, s12;
	s21 =	sshrl.u32 s5, $0x3  }
.LBB2_1:
0x12: {  	s23 =	simm.s32 $0x0;
	s24 =	simm.s32 $0x200  }
.LBB2_2:
0x13: {  	p0 =	sne.s32 s24, $0xFE00;
	[tilespmem:s23+$0x4170] =	vst v0  }
0x14: {  	[tilespmem:s23+$0x4100] =	vst v0  }
0x15: {  	[tilespmem:s23+$0x4110] =	vst v0  }
.Ltmp0:
0x16: {  	[tilespmem:s23+$0x4120] =	vst v0;
	(pc) =	sbr.rel @p0 .LBB2_2-.Ltmp0, $4  }
0x17: {  	[tilespmem:s23+$0x4130] =	vst v0  }
0x18: {  	[tilespmem:s23+$0x4140] =	vst v0  }
0x19: {  	[tilespmem:s23+$0x4150] =	vst v0  }
0x1a: {  	[tilespmem:s23+$0x4160] =	vst v0;
	s23 =	sshra.s32 s24, $0x2;
	s24 =	sadd.s32 $0x200, s24  }
0x1b: {  	[tilespmem:s23+$0x4170] =	vst v0  }
0x1c: {  	[tilespmem:s23+$0x4100] =	vst v0  }
0x1d: {  	[tilespmem:s23+$0x4110] =	vst v0  }
0x1e: {  	[tilespmem:s23+$0x4120] =	vst v0  }
0x1f: {  	[tilespmem:s23+$0x4130] =	vst v0  }
0x20: {  	[tilespmem:s23+$0x4140] =	vst v0  }
0x21: {  	[tilespmem:s23+$0x4150] =	vst v0  }
0x22: {  	[tilespmem:s23+$0x4160] =	vst v0  }
0x23: {  	[spmem:s5] =	stream.linear.scatter [tilespmem:s14], [sflag:$0x3], $0x4000, $0x38;
	[tilespmem:$0x1C100] =	vst v63  }
0x24: {  	_ =	swait.ge [sflag:s15], $0x4000  }
0x25: {  	[sflag:s15] =	ssyncset.done $0x0  }
0x26: {  	[sflag:s15] =	ssyncadd.s32 $0xFFFFC000  }
0x27: {  	[spmem:s6] =	stream.linear.scatter [tilespmem:s14], [sflag:$0x3], $0x4000, $0x38;
	[tilespmem:$0x1C100] =	vst v63  }
0x28: {  	_ =	swait.ge [sflag:s15], $0x4000  }
0x29: {  	[sflag:s15] =	ssyncset.done $0x0  }
0x2a: {  	[sflag:s15] =	ssyncadd.s32 $0xFFFFC000  }
0x2b: {  	[spmem:s7] =	stream.linear.scatter [tilespmem:s14], [sflag:$0x3], $0x4000, $0x38;
	[tilespmem:$0x1C100] =	vst v63  }
0x2c: {  	_ =	swait.ge [sflag:s15], $0x4000  }
0x2d: {  	[sflag:s15] =	ssyncset.done $0x0  }
0x2e: {  	[sflag:s15] =	ssyncadd.s32 $0xFFFFC000  }
0x2f: {  	[spmem:s8] =	stream.linear.scatter [tilespmem:s14], [sflag:$0x3], $0x4000, $0x38;
	[tilespmem:$0x1C100] =	vst v63  }
0x30: {  	_ =	swait.ge [sflag:s15], $0x4000  }
0x31: {  	[sflag:s15] =	ssyncset.done $0x0  }
0x32: {  	[sflag:s15] =	ssyncadd.s32 $0xFFFFC000  }
0x33: {  	[spmem:s9] =	stream.linear.scatter [tilespmem:s14], [sflag:$0x3], $0x4000, $0x38;
	[tilespmem:$0x1C100] =	vst v63  }
0x34: {  	_ =	swait.ge [sflag:s15], $0x4000  }
0x35: {  	[sflag:s15] =	ssyncset.done $0x0  }
0x36: {  	[sflag:s15] =	ssyncadd.s32 $0xFFFFC000  }
0x37: {  	s30 =	sadd.s32 $0x0, s12;
	[bflag:$0x0] =	sbarrier.arrive $0xFFFF  }
0x38: {  	[tilespmem:s4], [sflag:$0x1] =	stream.linear.gather [hbm4b:s30+s4], $0x80, $0x38;
	[tilespmem:$0x1C100] =	vst v63  }
0x39: {  	s31 =	sadd.s32 $0x0, s13  }
0x3a: {  	[tilespmem:s16], [sflag:$0x1] =	stream.linear.gather [hbm4b:s31+s4], $0x80, $0x38;
	[tilespmem:$0x1C100] =	vst v63  }
0x3b: {  	_ =	swait.ge [sflag:s17], $0x80  }
0x3c: {  	[sflag:s17] =	ssyncset.done $0x0  }
0x3d: {  	[sflag:s17] =	ssyncadd.s32 $0xFFFFFF80  }
0x3e: {  	_ =	swait.ge [sflag:s17], $0x80  }
0x3f: {  	[sflag:s17] =	ssyncset.done $0x0  }
0x40: {  	[sflag:s17] =	ssyncadd.s32 $0xFFFFFF80  }
0x41: {  	[tilespmem:s18], [sflag:$0x2] =	stream.indirect.gather [hbm4b:s1+s16], $0x80, s4, s16, $0xb8;
	[tilespmem:$0x1C100] =	vst v63  }
0x42: {  	_ =	swait.ge [sflag:s19], $0x4000  }
0x43: {  	[sflag:s19] =	ssyncset.done $0x0  }
0x44: {  	[sflag:s19] =	ssyncadd.s32 $0xFFFFC000  }
0x45: {  	[spmem:s2] =	stream.indirect.scatter.add.f32 [tilespmem:s18], [sflag:$0x3], $0x80, s16, s16, $0xb8;
	[tilespmem:$0x1C100] =	vst v63  }
0x46: {  	_ =	swait.ge [sflag:s15], $0x4000  }
0x47: {  	s23 =	simm.s32 $0x100;
	s24 =	simm.s32 $0x200;
	[sflag:s15] =	ssyncset.done $0x0  }
.LBB2_4:
0x48: {  	s25 =	sadd.s32 s23, s12  }
0x49: {  	[sflag:s15] =	ssyncadd.s32 $0xFFFFC000;
	s26 =	smov.u32 s24;
	s28 =	sadd.s32 $0x100, s24  }
0x4a: {  	[tilespmem:s4], [sflag:$0x1] =	stream.linear.gather [hbm4b:s25+s4], $0x80, $0x38;
	[tilespmem:$0x1C100] =	vst v63  }
0x4b: {  	p0 =	sne.s32 s24, $0x9F00;
	s24 =	sadd.s32 s23, s13;
	s23 =	smov.u32 s26  }
0x4c: {  	[tilespmem:s16], [sflag:$0x1] =	stream.linear.gather [hbm4b:s24+s4], $0x80, $0x38;
	[tilespmem:$0x1C100] =	vst v63  }
0x4d: {  	_ =	swait.ge [sflag:s17], $0x80  }
0x4e: {  	[sflag:s17] =	ssyncset.done $0x0  }
0x4f: {  	[sflag:s17] =	ssyncadd.s32 $0xFFFFFF80  }
0x50: {  	_ =	swait.ge [sflag:s17], $0x80  }
0x51: {  	[sflag:s17] =	ssyncset.done $0x0  }
0x52: {  	[sflag:s17] =	ssyncadd.s32 $0xFFFFFF80  }
0x53: {  	[tilespmem:s18], [sflag:$0x2] =	stream.indirect.gather [hbm4b:s1+s16], $0x80, s4, s16, $0xb8;
	[tilespmem:$0x1C100] =	vst v63  }
0x54: {  	_ =	swait.ge [sflag:s19], $0x4000  }
.Ltmp1:
0x55: {  	[sflag:s19] =	ssyncset.done $0x0;
	(pc) =	sbr.rel @p0 .LBB2_4-.Ltmp1, $4  }
0x56: {  	[sflag:s19] =	ssyncadd.s32 $0xFFFFC000  }
0x57: {  	[spmem:s2] =	stream.indirect.scatter.add.f32 [tilespmem:s18], [sflag:$0x3], $0x80, s16, s16, $0xb8;
	[tilespmem:$0x1C100] =	vst v63  }
0x58: {  	_ =	swait.ge [sflag:s15], $0x4000  }
0x59: {  	s24 =	smov.u32 s28;
	[sflag:s15] =	ssyncset.done $0x0  }
0x5a: {  	s24 =	sadd.s32 s23, s12;
	[sflag:s15] =	ssyncadd.s32 $0xFFFFC000  }
0x5b: {  	[tilespmem:s4], [sflag:$0x1] =	stream.linear.gather [hbm4b:s24+s4], $0x80, $0x38;
	[tilespmem:$0x1C100] =	vst v63  }
0x5c: {  	s31 =	sadd.s32 s23, s13  }
0x5d: {  	[tilespmem:s16], [sflag:$0x1] =	stream.linear.gather [hbm4b:s31+s4], $0x80, $0x38;
	[tilespmem:$0x1C100] =	vst v63  }
0x5e: {  	_ =	swait.ge [sflag:s17], $0x80  }
0x5f: {  	[sflag:s17] =	ssyncset.done $0x0  }
0x60: {  	[sflag:s17] =	ssyncadd.s32 $0xFFFFFF80  }
0x61: {  	_ =	swait.ge [sflag:s17], $0x80  }
0x62: {  	[sflag:s17] =	ssyncset.done $0x0  }
0x63: {  	[sflag:s17] =	ssyncadd.s32 $0xFFFFFF80  }
0x64: {  	[tilespmem:s18], [sflag:$0x2] =	stream.indirect.gather [hbm4b:s1+s16], $0x80, s4, s16, $0xb8;
	[tilespmem:$0x1C100] =	vst v63  }
0x65: {  	_ =	swait.ge [sflag:s19], $0x4000  }
0x66: {  	[sflag:s19] =	ssyncset.done $0x0  }
0x67: {  	[sflag:s19] =	ssyncadd.s32 $0xFFFFC000  }
0x68: {  	[spmem:s2] =	stream.indirect.scatter.add.f32 [tilespmem:s18], [sflag:$0x3], $0x80, s16, s16, $0xb8;
	[tilespmem:$0x1C100] =	vst v63  }
0x69: {  	_ =	swait.ge [sflag:s15], $0x4000  }
0x6a: {  	s22 =	sadd.s32 $0x1, s22;
	[sflag:s15] =	ssyncset.done $0x0  }
0x6b: {  	p0 =	sne.s32 s22, s11;
	[sflag:s15] =	ssyncadd.s32 $0xFFFFC000  }
.Ltmp2:
0x6c: {  	[bflag:$0x0] =	sbarrier.arrive $0xFFFF;
	(pc) =	sbr.rel @p0 .LBB2_1-.Ltmp2, $4  }
0x6d: {  	[hbm:s10], [sflag:s20] =	dma.local [spmem:s21], $0x2800  }
0x6e: {  	_ =	swait.ge [sflag:s15], $0x2800  }
0x6f: {  	[sflag:s15] =	ssyncset.done $0x0  }
0x70: {  	[sflag:s15] =	ssyncadd.s32 $0xFFFFD800  }
0x71: {  	_ =	sfence.sel $0x180000  }
0x72: {  	[bflag:$0x0] =	sbarrier.arrive $0xFFFF  }
0x73: {  	p0 =	sne.s32 s3, $0x0;
	_ =	strace $0x9000004D  }
0x74: {  	s0 =	sadd.s32 @!p0 $0x100000, s0;
	[bflag:$0x2] =	sbarrier.arrive $0xFFFF  }
0x75: {  	[sflag:s0] =	ssyncadd.tile.s32 @!p0 $0x1;
	_ =	shalt  }
.Lfunc_end2:
_tile_overlayer_lowered:
.L_overlay_start_2:
0x76: {  	(tag) =	ssettag $0x2  }
0x77: {  	s0 =	rddreg [dreg:$0x0];
	s2 =	stileid.u32  }
0x78: {  	s1 =	rddreg [dreg:$0x1];
	p0 =	sne.s32 s2, $0x0  }
0x79: {  	s3 =	rddreg [dreg:$0x2];
	[bflag:$0x3] =	sbarrier.arrive $0xFFFF;
	s2 =	simm.s32 @!p0 $0x1C03  }
0x7a: {  	[timem:s3], [sflag:s2] =	dma.local @!p0 [hbm:s0], s1  }
0x7b: {  	s0 =	simm.s32 @!p0 $0x3  }
0x7c: {  	_ =	swait.ge @!p0 [sflag:s0], s1  }
0x7d: {  	s1 =	ssub.s32 @!p0 $0x0, s1;
	[sflag:s0] =	ssyncset.done @!p0 $0x0  }
0x7e: {  	[sflag:s0] =	ssyncadd.s32 @!p0 s1  }
0x7f: {  	[bflag:$0x3] =	sbarrier.arrive $0xFFFF  }
0x80: {  	_ =	shalt  }

// kernel: kernel.4.cloned.1.call-start
scs
__scs_entry_jumppad:
0x0: {  	(pc) =	sbr.rel $0x88, $3  }
0x1: {  	(tag) =	ssettag $0x0;
	lr =	simm.s32 $0x1  }
0x2: {  	[smem:$0x3F61] =	sst lr;
	_ =	strace $0xD0000000  }
0x3: {  	_ = 	snop  }
0x4: {  	_ = 	snop  }
0x5: {  	_ = 	snop  }
0x6: {  	_ = 	snop  }
0x7: {  	_ = 	snop  }
__scs_overlays_trampoline_lowered:
0x8: {  	[smem:$0x3F70] =	sst s0  }
0x9: {  	[smem:$0x3F71] =	sst s1  }
0xa: {  	[smem:$0x3F72] =	sst s2  }
0xb: {  	[smem:$0x3F73] =	sst s3  }
0xc: {  	[smem:$0x3F74] =	sst s4  }
0xd: {  	[smem:$0x3F75] =	sst s5  }
0xe: {  	[smem:$0x3F76] =	sst s6  }
0xf: {  	[smem:$0x3F77] =	sst s7  }
0x10: {  	[smem:$0x3F78] =	sst s8  }
0x11: {  	[smem:$0x3F79] =	sst s9;
	s0 =	simm.s32 @!p0 $0x0  }
0x12: {  	s1 =	sld [smem:$0x3F5F];
	s0 =	simm.s32 @p0 $0x1  }
0x13: {  	[smem:$0x3F7A] =	sst s0;
	s0 =	simm.s32 @!p1 $0x0  }
0x14: {  	s2 =	sld [smem:$0x3F5E];
	s0 =	simm.s32 @p1 $0x1  }
0x15: {  	[smem:$0x3F7B] =	sst s0;
	s0 =	simm.s32 @!p2 $0x0  }
0x16: {  	s3 =	sld [smem:$0x3FDB];
	s0 =	simm.s32 @p2 $0x1  }
0x17: {  	s4 =	simm.s32 $0x1BF5;
	[smem:$0x3F7D] =	sst s0  }
0x18: {  	s0 =	sld [smem:$0x3F60];
	_ =	swait.ge [sflag:s4], $0x0  }
0x19: {  	s7 =	sld [smem:$0x3F61]  }
0x1a: {  	s8 =	sadd.s32 $0xFFFFE003, lr  }
0x1b: {  	s9 =	sadd.s32 $0xFFFFFEF7, lr;
	s5 =	simm.s32 $0xFFFFFFFF;
	p2 =	slt.u32 s8, $0xFFFFF086  }
0x1c: {  	p1 =	slt.u32 s9, $0xF7A;
	s5 =	simm.s32 @!p2 $0x0  }
0x1d: {  	s5 =	simm.s32 @p1 $0x1;
	p0 =	seq.s32 s7, s2  }
0x1e: {  	s7 =	smul.u32 @!p0 $0xF7A, s2;
	p2 =	seq.s32 @!p0 s5, $0x0  }
0x1f: {  	s9 =	smul.u32 $0xF7A, s1;
	s8 =	simm.s32 @!p0 $0x1BF5;
	p2 =	por !p2, p0  }
0x20: {  	[sflag:s8] =	ssyncset.s32 @!p0 $0xFFFFF086;
	s6 =	sadd.s32 @!p0 s3, s7;
	s7 =	simm.s32 @!p0 $0x108  }
0x21: {  	s3 =	sadd.s32 s3, s9;
	s6 =	sadd.s32 @!p0 $0x88, s6;
	s7 =	simm.s32 @p2 $0x1082  }
0x22: {  	[simem:s7], [sflag:s8] =	dma.local @!p0 [hbm:s6], $0xF7A  }
0x23: {  	s9 =	sor.u32 $0xD0000000, s2;
	s6 =	simm.s32 $0x108;
	_ =	swait.ge @!p0 [sflag:s8], $0x0  }
0x24: {  	s3 =	sadd.s32 $0x88, s3;
	s6 =	simm.s32 @!p1 $0x1082;
	[sflag:s4] =	ssyncset.s32 $0xFFFFF086  }
0x25: {  	[simem:s6], [sflag:s4] =	dma.local [hbm:s3], $0xF7A  }
0x26: {  	[smem:$0x3F61] =	sst s1;
	(tag) =	ssettag s2;
	_ =	strace s9  }
0x27: {  	s1 =	sld [smem:$0x3F71]  }
0x28: {  	s2 =	sld [smem:$0x3F72]  }
0x29: {  	s4 =	sld [smem:$0x3F74]  }
0x2a: {  	p0 =	seq.s32 s5, $0x0;
	s5 =	sld [smem:$0x3F75]  }
0x2b: {  	s6 =	sld [smem:$0x3F76]  }
0x2c: {  	s7 =	sld [smem:$0x3F77]  }
0x2d: {  	s3 =	simm.s32 $0x108;
	s8 =	sld [smem:$0x3F78]  }
0x2e: {  	s3 =	simm.s32 @!p0 $0x1082;
	s9 =	sld [smem:$0x3F79]  }
0x2f: {  	lr =	sadd.s32 s0, s3;
	s0 =	sld [smem:$0x3F70]  }
0x30: {  	s3 =	sld [smem:$0x3F73]  }
0x31: {  	[smem:$0x3F7C] =	sst s10  }
0x32: {  	s10 =	sld [smem:$0x3F7A];
	_ =	sdelay $0x3  }
0x33: {  	p0 =	seq.s32 s10, $0x1;
	s10 =	sld [smem:$0x3F7C];
	_ =	sdelay $0x3  }
0x34: {  	[smem:$0x3F7C] =	sst s10  }
0x35: {  	s10 =	sld [smem:$0x3F7B];
	_ =	sdelay $0x3  }
0x36: {  	p1 =	seq.s32 s10, $0x1;
	s10 =	sld [smem:$0x3F7C];
	_ =	sdelay $0x3  }
0x37: {  	[smem:$0x3F7C] =	sst s10  }
0x38: {  	s10 =	sld [smem:$0x3F7D]  }
0x39: {  	_ = 	snop;
	(pc) =	sbr.ind lr, $3  }
0x3a: {  	_ = 	snop  }
0x3b: {  	_ = 	snop  }
0x3c: {  	p2 =	seq.s32 s10, $0x1;
	s10 =	sld [smem:$0x3F7C]  }
0x3d: {  	_ =	shalt  }
0x3e: {  	_ =	shalt  }
0x3f: {  	_ =	shalt  }
0x40: {  	_ =	shalt  }
0x41: {  	_ =	shalt  }
0x42: {  	_ =	shalt  }
0x43: {  	_ =	shalt  }
0x44: {  	_ =	shalt  }
0x45: {  	_ =	shalt  }
0x46: {  	_ =	shalt  }
0x47: {  	_ =	shalt  }
0x48: {  	_ =	shalt  }
0x49: {  	_ =	shalt  }
0x4a: {  	_ =	shalt  }
0x4b: {  	_ =	shalt  }
0x4c: {  	_ =	shalt  }
0x4d: {  	_ =	shalt  }
0x4e: {  	_ =	shalt  }
0x4f: {  	_ =	shalt  }
0x50: {  	_ =	shalt  }
0x51: {  	_ =	shalt  }
0x52: {  	_ =	shalt  }
0x53: {  	_ =	shalt  }
0x54: {  	_ =	shalt  }
0x55: {  	_ =	shalt  }
0x56: {  	_ =	shalt  }
0x57: {  	_ =	shalt  }
0x58: {  	_ =	shalt  }
0x59: {  	_ =	shalt  }
0x5a: {  	_ =	shalt  }
0x5b: {  	_ =	shalt  }
0x5c: {  	_ =	shalt  }
0x5d: {  	_ =	shalt  }
0x5e: {  	_ =	shalt  }
0x5f: {  	_ =	shalt  }
0x60: {  	_ =	shalt  }
0x61: {  	_ =	shalt  }
0x62: {  	_ =	shalt  }
0x63: {  	_ =	shalt  }
0x64: {  	_ =	shalt  }
0x65: {  	_ =	shalt  }
0x66: {  	_ =	shalt  }
0x67: {  	_ =	shalt  }
0x68: {  	_ =	shalt  }
0x69: {  	_ =	shalt  }
0x6a: {  	_ =	shalt  }
0x6b: {  	_ =	shalt  }
0x6c: {  	_ =	shalt  }
0x6d: {  	_ =	shalt  }
0x6e: {  	_ =	shalt  }
0x6f: {  	_ =	shalt  }
0x70: {  	_ =	shalt  }
0x71: {  	_ =	shalt  }
0x72: {  	_ =	shalt  }
0x73: {  	_ =	shalt  }
0x74: {  	_ =	shalt  }
0x75: {  	_ =	shalt  }
0x76: {  	_ =	shalt  }
0x77: {  	_ =	shalt  }
0x78: {  	_ =	shalt  }
0x79: {  	_ =	shalt  }
0x7a: {  	_ =	shalt  }
0x7b: {  	_ =	shalt  }
0x7c: {  	_ =	shalt  }
0x7d: {  	_ =	shalt  }
0x7e: {  	_ =	shalt  }
0x7f: {  	_ =	shalt  }
0x80: {  	_ =	shalt  }
0x81: {  	_ =	shalt  }
0x82: {  	_ =	shalt  }
0x83: {  	_ =	shalt  }
0x84: {  	_ =	shalt  }
0x85: {  	_ =	shalt  }
0x86: {  	_ =	shalt  }
0x87: {  	_ =	shalt  }
.Lfunc_end0:
.L_simem_size_0:
called_computation.2_lowered:
.L_overlay_start_0:
0x88: {  	s2 =	sld [smem:$0x3FD9]  }
0x89: {  	s3 =	sld [smem:$0x3FFE];
	_ =	sdelay $0x1  }
0x8a: {  	s1 =	srdreg.scid  }
0x8b: {  	s0 =	sand.u32 $0x1, s1  }
0x8c: {  	s14 =	sshll.u32 s0, $0xA;
	s2 =	sadd.s32 s3, s2  }
0x8d: {  	s2 =	sadd.s32 s2, s14  }
0x8e: {  	[smem:$0x3F88] =	sst s2  }
0x8f: {  	_ = 	snop  }
0x90: {  	s2 =	sld [smem:$0x3FD0];
	_ =	sdelay $0x2  }
0x91: {  	s4 =	simm.s32 $0xA;
	s5 =	simm.s32 $0x10;
	s15 =	sld [smem:$0x3F8A]  }
0x92: {  	[smem:s5], [sflag:s4] =	dma.local [hbm:s2], $0x1  }
0x93: {  	_ =	swait.eq [sflag:s4], $0x1  }
0x94: {  	[sflag:s4] =	ssyncset.done $0x0  }
0x95: {  	[sflag:s4] =	ssyncadd.s32 $0xFFFFFFFF  }
0x96: {  	s16 =	sld [smem:$0x11];
	(tm) =	ssettm $0x1  }
0x97: {  	s17 =	sld [smem:$0x3FFB];
	_ =	sdelay $0x3  }
0x98: {  	_ =	strace s17  }
0x99: {  	s4 =	sld [smem:$0x3FFC];
	_ =	sdelay $0x3  }
0x9a: {  	_ =	strace s4  }
0x9b: {  	s4 =	sld [smem:$0x3FFD];
	_ =	sdelay $0x3  }
0x9c: {  	_ =	strace s4  }
0x9d: {  	_ =	strace $0x8FFFFFFF  }
0x9e: {  	s18 =	sld [smem:$0x3FDB];
	_ =	sdelay $0x1  }
0x9f: {  	s19 =	simm.s32 $_scs_section_size  }
0xa0: {  	s6 =	simm.s32 $_size__tile_overlayer_lowered;
	s7 =	simm.s32 $_tile_overlayer_lowered  }
0xa1: {  	s22 =	simm.s32 $0x1BFF;
	s21 =	sshll.u32 s7, $0x1;
	s4 =	sadd.s32 s19, s18  }
0xa2: {  	s8 =	simm.s32 $0x0;
	s20 =	sshll.u32 s6, $0x1;
	s6 =	sadd.s32 s21, s4  }
0xa3: {  	[timem:s8], [sflag:s22] =	dma.local [hbm:s6], s20  }
0xa4: {  	_ =	swait.ge [sflag:s22], s20  }
0xa5: {  	s5 =	ssub.s32 $0x0, s20;
	[sflag:s22] =	ssyncset.done $0x0  }
0xa6: {  	[sflag:s22] =	ssyncadd.s32 s5;
	_ =	sdelay $0x1  }
0xa7: {  	s23 =	simm.s32 $0x1B8B  }
0xa8: {  	_ =	swait.ge [sflag:s23], $0x1  }
0xa9: {  	[sflag:s23] =	ssyncset.done $0x0  }
0xaa: {  	s25 =	simm.s32 $0x1B8E;
	s24 =	sld [smem:$0x3FFE];
	[sflag:s23] =	ssyncadd.s32 $0xFFFFFFFF  }
0xab: {  	s26 =	simm.s32 $execute0_lowered;
	[smem:$0x3FD2] =	sst s25  }
0xac: {  	s6 =	sshll.u32 s26, $0x1;
	_ =	strace $0x80000046;
	[dreg:$0x1] =	wrdreg $0xFFFFFFFF  }
0xad: {  	s28 =	simm.s32 $_size_execute0_lowered;
	s4 =	sadd.s32 s4, s6;
	[dreg:$0x0] =	wrdreg $0x0  }
0xae: {  	s6 =	sshll.u32 s28, $0x1;
	[dreg:$0x2] =	wrdreg s4  }
0xaf: {  	[dreg:$0x3] =	wrdreg s6  }
0xb0: {  	[dreg:$0x4] =	wrdreg $0xC0  }
0xb1: {  	_ =	task [dreg:s8], $0x5FFFF  }
0xb2: {  	[dreg:$0x1] =	wrdreg $0xFFFFFFFF  }
0xb3: {  	[dreg:$0x0] =	wrdreg $0x60  }
0xb4: {  	[dreg:$0x2] =	wrdreg s16  }
0xb5: {  	[dreg:$0x3] =	wrdreg s15  }
0xb6: {  	[dreg:$0x4] =	wrdreg s24  }
0xb7: {  	[dreg:$0x5] =	wrdreg $0x81000  }
0xb8: {  	[dreg:$0x6] =	wrdreg $0x9  }
0xb9: {  	_ =	task.clear_ibuf [dreg:s8], $0x7FFFF;
	_ =	strace $0x90000046  }
0xba: {  	s29 =	simm.s32 $0x9;
	_ =	strace $0x80000048  }
0xbb: {  	_ =	swait.ge [sflag:s29], $0x1  }
0xbc: {  	[sflag:s29] =	ssyncadd.s32 $0xFFFFFFFF  }
0xbd: {  	_ =	strace $0x90000048  }
0xbe: {  	_ =	sfence  }
0xbf: {  	s30 =	sld [smem:$0x0];
	_ =	sdelay $0x2  }
0xc0: {  	s31 =	sshll.u32 s1, $0xD;
	s1 =	sshrl.u32 s1, $0x2  }
0xc1: {  	s3 =	sand.u32 $0x4000, s31;
	s1 =	sadd.s32 s1, s30  }
0xc2: {  	s0 =	sor.u32 s3, s0;
	s1 =	sshll.u32 s1, $0x11  }
0xc3: {  	s0 =	sor.u32 s1, s0  }
0xc4: {  	s0 =	sadd.s32 $0x8F2B, s0  }
0xc5: {  	[sflag:s0] =	ssyncadd.remote.s32 $0x1  }
0xc6: {  	_ =	sfence.sel $0xFFFF  }
0xc7: {  	[dreg:$0x0] =	wrdreg $0xFFFFFFFF;
	(pc) =	sbr.abs _section_cstart, $3  }
0xc8: {  	[dreg:$0x1] =	wrdreg $0xFFFFFFFF  }
0xc9: {  	_ =	task.clear_ibuf [dreg:s8], $0x2FFFF;
	_ =	strace $0x9FFFFFFF  }
0xca: {  	(tm) =	ssettm $0x7FFFFFFF  }
0xcb: {  	_ =	shalt  }
tec
execute0_lowered:
.L_overlay_start_1:
0x0: {  	(tag) =	ssettag $0x1  }
0x1: {  	s10 =	rddreg [dreg:$0x0]  }
0x2: {  	s1 =	rddreg [dreg:$0x1]  }
0x3: {  	s0 =	srdreg.scid;
	s5 =	rddreg [dreg:$0x2]  }
0x4: {  	s3 =	rddreg [dreg:$0x3];
	s4 =	simm.s32 $0x0;
	s15 =	simm.s32 $0x80  }
0x5: {  	s16 =	simm.s32 $0x100;
	s7 =	sand.u32 $0x1, s0;
	s0 =	stileid.u32  }
0x6: {  	s17 =	simm.s32 $0x1;
	s20 =	simm.s32 $0x0;
	s8 =	smul.u32 $0x3C000, s0  }
0x7: {  	[smem:$0x7FF] =	sst s4;
	s2 =	sshll.u32 s7, $0x4;
	s12 =	smul.u32 $0x7800, s7  }
0x8: {  	s9 =	ssub.s32 $0x2, s7;
	s14 =	smul.u32 $0x780, s0;
	s18 =	sshll.u32 s0, $0x6  }
0x9: {  	s6 =	sor.u32 s0, s2;
	s2 =	rddreg [dreg:$0x4];
	_ =	strace $0x80000047  }
0xa: {  	s31 =	sshrl.u32 s9, $0x1;
	s18 =	sor.u32 $0x1C02, s18;
	s6 =	smul.u32 $0x1E00, s6  }
0xb: {  	s30 =	sshrl.u32 s8, $0x2;
	s13 =	ssub.s32 s9, s31;
	s12 =	sadd.s32 s12, s10  }
0xc: {  	s12 =	sadd.s32 s14, s12;
	s11 =	sadd.s32 s6, s5;
	s6 =	sadd.s32 s30, s3  }
0xd: {  	s14 =	simm.s32 $0x2;
	s5 =	smul.u32 $0x1E0, s0;
	s7 =	sadd.s32 $0x4000, s6  }
0xe: {  	s8 =	sadd.s32 $0x8000, s6;
	s9 =	sadd.s32 $0xC000, s6;
	s10 =	sadd.s32 $0xFC00, s11  }
0xf: {  	v0 =	vimm.f32 $0.0e+00;
	s11 =	smax.u32 s13, $0x1;
	s13 =	simm.s32 $0x4100;
	s19 =	sshrl.u32 s6, $0x3  }
.LBB2_1:
0x10: {  	s21 =	simm.s32 $0x0;
	s22 =	simm.s32 $0x200  }
.LBB2_2:
0x11: {  	p0 =	sne.s32 s22, $0xFE00;
	[tilespmem:s21+$0x4170] =	vst v0  }
0x12: {  	[tilespmem:s21+$0x4100] =	vst v0  }
0x13: {  	[tilespmem:s21+$0x4110] =	vst v0  }
.Ltmp0:
0x14: {  	[tilespmem:s21+$0x4120] =	vst v0;
	(pc) =	sbr.rel @p0 .LBB2_2-.Ltmp0, $4  }
0x15: {  	[tilespmem:s21+$0x4130] =	vst v0  }
0x16: {  	[tilespmem:s21+$0x4140] =	vst v0  }
0x17: {  	[tilespmem:s21+$0x4150] =	vst v0  }
0x18: {  	[tilespmem:s21+$0x4160] =	vst v0;
	s21 =	sshra.s32 s22, $0x2;
	s22 =	sadd.s32 $0x200, s22  }
0x19: {  	[tilespmem:s21+$0x4170] =	vst v0  }
0x1a: {  	[tilespmem:s21+$0x4100] =	vst v0  }
0x1b: {  	[tilespmem:s21+$0x4110] =	vst v0  }
0x1c: {  	[tilespmem:s21+$0x4120] =	vst v0  }
0x1d: {  	[tilespmem:s21+$0x4130] =	vst v0  }
0x1e: {  	[tilespmem:s21+$0x4140] =	vst v0  }
0x1f: {  	[tilespmem:s21+$0x4150] =	vst v0  }
0x20: {  	[tilespmem:s21+$0x4160] =	vst v0  }
0x21: {  	[spmem:s6] =	stream.linear.scatter [tilespmem:s13], [sflag:$0x2], $0x4000, $0x38;
	[tilespmem:$0x17100] =	vst v63  }
0x22: {  	_ =	swait.ge [sflag:s14], $0x4000  }
0x23: {  	[sflag:s14] =	ssyncset.done $0x0  }
0x24: {  	[sflag:s14] =	ssyncadd.s32 $0xFFFFC000  }
0x25: {  	[spmem:s7] =	stream.linear.scatter [tilespmem:s13], [sflag:$0x2], $0x4000, $0x38;
	[tilespmem:$0x17100] =	vst v63  }
0x26: {  	_ =	swait.ge [sflag:s14], $0x4000  }
0x27: {  	[sflag:s14] =	ssyncset.done $0x0  }
0x28: {  	[sflag:s14] =	ssyncadd.s32 $0xFFFFC000  }
0x29: {  	[spmem:s8] =	stream.linear.scatter [tilespmem:s13], [sflag:$0x2], $0x4000, $0x38;
	[tilespmem:$0x17100] =	vst v63  }
0x2a: {  	_ =	swait.ge [sflag:s14], $0x4000  }
0x2b: {  	[sflag:s14] =	ssyncset.done $0x0  }
0x2c: {  	[sflag:s14] =	ssyncadd.s32 $0xFFFFC000  }
0x2d: {  	[spmem:s9] =	stream.linear.scatter [tilespmem:s13], [sflag:$0x2], $0x3000, $0x38;
	[tilespmem:$0x17100] =	vst v63  }
0x2e: {  	_ =	swait.ge [sflag:s14], $0x3000  }
0x2f: {  	[sflag:s14] =	ssyncset.done $0x0  }
0x30: {  	[sflag:s14] =	ssyncadd.s32 $0xFFFFD000  }
0x31: {  	[bflag:$0x0] =	sbarrier.arrive $0xFFFF  }
0x32: {  	[tilespmem:s4], [sflag:$0x2] =	stream.linear.gather [hbm4b:s12+s4], $0x80, $0x38;
	[tilespmem:$0x17100] =	vst v63  }
0x33: {  	s31 =	sadd.s32 $0x0, s5;
	_ =	swait.ge [sflag:s14], $0x80  }
0x34: {  	v1 =	vmov s31;
	[sflag:s14] =	ssyncset.done $0x0  }
0x35: {  	v2 =	vor.u32 $0x3, v1;
	[sflag:s14] =	ssyncadd.s32 $0xFFFFFF80  }
0x36: {  	[tilespmem:$0xF0] =	vst v2  }
0x37: {  	v3 =	vor.u32 $0x2, v1;
	[tilespmem:$0xE0] =	vst v2  }
0x38: {  	[tilespmem:$0xD0] =	vst v3  }
0x39: {  	[tilespmem:$0xC0] =	vst v3  }
0x3a: {  	[tilespmem:$0x80] =	vst v1  }
0x3b: {  	v2 =	vor.u32 $0x1, v1;
	[tilespmem:$0x90] =	vst v1  }
0x3c: {  	[tilespmem:$0xB0] =	vst v2  }
0x3d: {  	s21 =	simm.s32 $0x4;
	s22 =	sadd.s32 $0x10, s12;
	[tilespmem:$0xA0] =	vst v2  }
.LBB2_4:
0x3e: {  	[tilespmem:s16], [sflag:$0x1] =	stream.indirect.gather [hbm4b:s1+s15], $0x80, s4, s15, $0xb8;
	[tilespmem:$0x17100] =	vst v63  }
0x3f: {  	s23 =	smov.u32 s21  }
0x40: {  	p0 =	sne.s32 s21, $0x1DC;
	s21 =	sadd.s32 $0x4, s21;
	_ =	swait.ge [sflag:s17], $0x4000  }
0x41: {  	[sflag:s17] =	ssyncset.done $0x0  }
0x42: {  	[sflag:s17] =	ssyncadd.s32 $0xFFFFC000  }
0x43: {  	[spmem:s3] =	stream.indirect.scatter.add.f32 [tilespmem:s16], [sflag:$0x2], $0x80, s15, s15, $0xb8;
	[tilespmem:$0x17100] =	vst v63  }
0x44: {  	_ =	swait.ge [sflag:s14], $0x4000  }
0x45: {  	[sflag:s14] =	ssyncset.done $0x0  }
0x46: {  	[sflag:s14] =	ssyncadd.s32 $0xFFFFC000  }
0x47: {  	[tilespmem:s4], [sflag:$0x2] =	stream.linear.gather [hbm4b:s22+s4], $0x80, $0x38;
	[tilespmem:$0x17100] =	vst v63  }
0x48: {  	s23 =	sadd.s32 s23, s5;
	_ =	swait.ge [sflag:s14], $0x80  }
0x49: {  	v1 =	vmov s23;
	[sflag:s14] =	ssyncset.done $0x0  }
0x4a: {  	v2 =	vor.u32 $0x3, v1;
	[sflag:s14] =	ssyncadd.s32 $0xFFFFFF80  }
0x4b: {  	[tilespmem:$0xF0] =	vst v2  }
0x4c: {  	v3 =	vor.u32 $0x2, v1;
	[tilespmem:$0xE0] =	vst v2  }
0x4d: {  	[tilespmem:$0xD0] =	vst v3  }
.Ltmp1:
0x4e: {  	v2 =	vor.u32 $0x1, v1;
	[tilespmem:$0xC0] =	vst v3;
	(pc) =	sbr.rel @p0 .LBB2_4-.Ltmp1, $4  }
0x4f: {  	[tilespmem:$0xB0] =	vst v2  }
0x50: {  	[tilespmem:$0xA0] =	vst v2  }
0x51: {  	[tilespmem:$0x80] =	vst v1  }
0x52: {  	s22 =	sadd.s32 $0x10, s22;
	[tilespmem:$0x90] =	vst v1  }
0x53: {  	[tilespmem:s16], [sflag:$0x1] =	stream.indirect.gather [hbm4b:s1+s15], $0x80, s4, s15, $0xb8;
	[tilespmem:$0x17100] =	vst v63  }
0x54: {  	_ =	swait.ge [sflag:s17], $0x4000  }
0x55: {  	[sflag:s17] =	ssyncset.done $0x0  }
0x56: {  	[sflag:s17] =	ssyncadd.s32 $0xFFFFC000  }
0x57: {  	[spmem:s3] =	stream.indirect.scatter.add.f32 [tilespmem:s16], [sflag:$0x2], $0x80, s15, s15, $0xb8;
	[tilespmem:$0x17100] =	vst v63  }
0x58: {  	_ =	swait.ge [sflag:s14], $0x4000  }
0x59: {  	s20 =	sadd.s32 $0x1, s20;
	[sflag:s14] =	ssyncset.done $0x0  }
0x5a: {  	p0 =	sne.s32 s20, s11;
	[sflag:s14] =	ssyncadd.s32 $0xFFFFC000  }
.Ltmp2:
0x5b: {  	[bflag:$0x0] =	sbarrier.arrive $0xFFFF;
	(pc) =	sbr.rel @p0 .LBB2_1-.Ltmp2, $4  }
0x5c: {  	[hbm:s10], [sflag:s18] =	dma.local [spmem:s19], $0x1E00  }
0x5d: {  	_ =	swait.ge [sflag:s14], $0x1E00  }
0x5e: {  	[sflag:s14] =	ssyncset.done $0x0  }
0x5f: {  	[sflag:s14] =	ssyncadd.s32 $0xFFFFE200  }
0x60: {  	_ =	sfence.sel $0x180000  }
0x61: {  	[bflag:$0x0] =	sbarrier.arrive $0xFFFF  }
0x62: {  	p0 =	sne.s32 s0, $0x0;
	_ =	strace $0x90000047  }
0x63: {  	s0 =	sadd.s32 @!p0 $0x100000, s2;
	[bflag:$0x2] =	sbarrier.arrive $0xFFFF  }
0x64: {  	[sflag:s0] =	ssyncadd.tile.s32 @!p0 $0x1;
	_ =	shalt  }
.Lfunc_end2:
_tile_overlayer_lowered:
.L_overlay_start_2:
0x65: {  	(tag) =	ssettag $0x2  }
0x66: {  	s0 =	rddreg [dreg:$0x0];
	s2 =	stileid.u32  }
0x67: {  	s1 =	rddreg [dreg:$0x1];
	p0 =	sne.s32 s2, $0x0  }
0x68: {  	s3 =	rddreg [dreg:$0x2];
	[bflag:$0x3] =	sbarrier.arrive $0xFFFF;
	s2 =	simm.s32 @!p0 $0x1C02  }
0x69: {  	[timem:s3], [sflag:s2] =	dma.local @!p0 [hbm:s0], s1  }
0x6a: {  	s0 =	simm.s32 @!p0 $0x2  }
0x6b: {  	_ =	swait.ge @!p0 [sflag:s0], s1  }
0x6c: {  	s1 =	ssub.s32 @!p0 $0x0, s1;
	[sflag:s0] =	ssyncset.done @!p0 $0x0  }
0x6d: {  	[sflag:s0] =	ssyncadd.s32 @!p0 s1  }
0x6e: {  	[bflag:$0x3] =	sbarrier.arrive $0xFFFF  }
0x6f: {  	_ =	shalt  }

</sc_bundles>
